<compile_context>
chip_gen: v7x
topology: tpu7x:2x2x1
jax: 0.10.2.dev20260603
libtpu: 0.0.44.dev20260713+nightly
codegen_flags: <defaults>
</compile_context>

<pallas_src>
import functools

import jax
import jax.numpy as jnp
from jax import lax
from jax.experimental import pallas as pl
from jax.experimental.pallas import tpu as pltpu
from jax.experimental.pallas import tpu_sc as plsc

D = 32
CHUNK = 128


def _sc_gather(user_id, item_id, P, Q, U, V):
    info = plsc.get_sparse_core_info()
    nw = info.num_cores * info.num_subcores
    bsz = user_id.shape[0]
    b_per_w = bsz // nw
    nc = info.num_cores

    mesh = plsc.VectorSubcoreMesh(core_axis_name="c", subcore_axis_name="s")
    out_t = [jax.ShapeDtypeStruct((bsz, D), jnp.float32) for _ in range(4)]

    @functools.partial(
        pl.kernel,
        mesh=mesh,
        out_type=out_t,
        scratch_types=[
            pltpu.VMEM((b_per_w,), jnp.int32),
            pltpu.VMEM((b_per_w,), jnp.int32),
            pltpu.VMEM((CHUNK, D), jnp.float32),
            pltpu.VMEM((CHUNK, D), jnp.float32),
            pltpu.VMEM((CHUNK, D), jnp.float32),
            pltpu.VMEM((CHUNK, D), jnp.float32),
            pltpu.SemaphoreType.DMA,
        ],
    )
    def gather_kernel(uid_h, iid_h, p_h, q_h, u_h, v_h,
                      po, qo, uo, vo,
                      ui_v, ii_v, pv, qv, uv, vv, sem):
        wid = lax.axis_index("s") * nc + lax.axis_index("c")
        base = wid * b_per_w
        pltpu.sync_copy(uid_h.at[pl.ds(base, b_per_w)], ui_v)
        pltpu.sync_copy(iid_h.at[pl.ds(base, b_per_w)], ii_v)

        def chunk_body(c, _):
            c0 = c * CHUNK

            def fire(k, _):
                koff = k * 16
                uvec = ui_v[pl.ds(c0 + koff, 16)]
                tvec = ii_v[pl.ds(c0 + koff, 16)]
                for j in range(16):
                    u = uvec[j]
                    t = tvec[j]
                    pltpu.async_copy(p_h.at[u], pv.at[koff + j], sem)
                    pltpu.async_copy(u_h.at[u], uv.at[koff + j], sem)
                    pltpu.async_copy(q_h.at[t], qv.at[koff + j], sem)
                    pltpu.async_copy(v_h.at[t], vv.at[koff + j], sem)
                return 0

            lax.fori_loop(0, CHUNK // 16, fire, 0)

            def drain(i, _):
                pltpu.make_async_copy(p_h.at[0], pv.at[i], sem).wait()
                pltpu.make_async_copy(u_h.at[0], uv.at[i], sem).wait()
                pltpu.make_async_copy(q_h.at[0], qv.at[i], sem).wait()
                pltpu.make_async_copy(v_h.at[0], vv.at[i], sem).wait()
                return 0

            lax.fori_loop(0, CHUNK, drain, 0)

            pltpu.sync_copy(pv, po.at[pl.ds(base + c0, CHUNK)])
            pltpu.sync_copy(qv, qo.at[pl.ds(base + c0, CHUNK)])
            pltpu.sync_copy(uv, uo.at[pl.ds(base + c0, CHUNK)])
            pltpu.sync_copy(vv, vo.at[pl.ds(base + c0, CHUNK)])
            return 0

        lax.fori_loop(0, b_per_w // CHUNK, chunk_body, 0)

    return gather_kernel(user_id, item_id, P, Q, U, V)


def _tc_body(pmf_r, qmf_r, pmlp_r, qmlp_r,
             w1_r, b1_r, w2_r, b2_r, w3_r, b3_r, wp_r, out_r):
    h = jnp.concatenate([pmlp_r[...], qmlp_r[...]], axis=1)
    h = jnp.maximum(
        jnp.dot(h, w1_r[...], preferred_element_type=jnp.float32) + b1_r[...], 0.0)
    h = jnp.maximum(
        jnp.dot(h, w2_r[...], preferred_element_type=jnp.float32) + b2_r[...], 0.0)
    h = jnp.maximum(
        jnp.dot(h, w3_r[...], preferred_element_type=jnp.float32) + b3_r[...], 0.0)
    g = pmf_r[...] * qmf_r[...]
    z = jnp.concatenate([g, h], axis=1)
    out_r[...] = jnp.dot(z, wp_r[...], preferred_element_type=jnp.float32)


def _tc_dense(pmf, qmf, pmlp, qmlp, W1, b1, W2, b2, W3, b3, Wp):
    bsz = pmf.shape[0]
    blk = 2048
    grid = bsz // blk

    def row_spec():
        return pl.BlockSpec((blk, D), lambda i: (i, 0))

    def full_spec(shape):
        return pl.BlockSpec(shape, lambda i: tuple(0 for _ in shape))

    b1r = b1.reshape(1, -1)
    b2r = b2.reshape(1, -1)
    b3r = b3.reshape(1, -1)

    return pl.pallas_call(
        _tc_body,
        grid=(grid,),
        in_specs=[
            row_spec(), row_spec(), row_spec(), row_spec(),
            full_spec(W1.shape), full_spec(b1r.shape),
            full_spec(W2.shape), full_spec(b2r.shape),
            full_spec(W3.shape), full_spec(b3r.shape),
            full_spec(Wp.shape),
        ],
        out_specs=pl.BlockSpec((blk, 1), lambda i: (i, 0)),
        out_shape=jax.ShapeDtypeStruct((bsz, 1), jnp.float32),
    )(pmf, qmf, pmlp, qmlp, W1, b1r, W2, b2r, W3, b3r, Wp)


def kernel(user_id, item_id, P, Q, U, V, W1, b1, W2, b2, W3, b3, Wp):
    uid = user_id.astype(jnp.int32)
    iid = item_id.astype(jnp.int32)
    pmf, qmf, pmlp, qmlp = _sc_gather(uid, iid, P, Q, U, V)
    return _tc_dense(pmf, qmf, pmlp, qmlp, W1, b1, W2, b2, W3, b3, Wp)

# --- scband reference (transcript-rebuilt; emitter-appended) ---
"""Pipeline reference for scband-neu-mf-798863917233 (READ-ONLY COPY).

The authoritative reference and input builder live on the scoring server;
editing this copy changes nothing except your own understanding.
"""

import jax, jax.numpy as jnp
import numpy as np

NUM_USERS = 1000000
NUM_ITEMS = 1000000
D = 32
BATCH = 16384
HIDDENS = [64, 32, 16]


def setup_inputs(seed: int = 0) -> dict:
    key = jax.random.key(seed)
    ks = jax.random.split(key, 16)
    user_id = jax.random.randint(ks[0], (BATCH,), 0, NUM_USERS, dtype=jnp.int64 if jax.config.jax_enable_x64 else jnp.int32)
    item_id = jax.random.randint(ks[1], (BATCH,), 0, NUM_ITEMS, dtype=jnp.int64 if jax.config.jax_enable_x64 else jnp.int32)
    P = jax.random.normal(ks[2], (NUM_USERS, D), dtype=jnp.float32) * 0.02
    Q = jax.random.normal(ks[3], (NUM_ITEMS, D), dtype=jnp.float32) * 0.02
    U = jax.random.normal(ks[4], (NUM_USERS, D), dtype=jnp.float32) * 0.02
    V = jax.random.normal(ks[5], (NUM_ITEMS, D), dtype=jnp.float32) * 0.02
    # MLP params (stored as (in, out); math matches torch Linear y = x @ W + b)
    W1 = jax.random.normal(ks[6], (2 * D, HIDDENS[0]), dtype=jnp.float32) * (1.0 / np.sqrt(2 * D))
    b1 = jnp.zeros((HIDDENS[0],), dtype=jnp.float32)
    W2 = jax.random.normal(ks[7], (HIDDENS[0], HIDDENS[1]), dtype=jnp.float32) * (1.0 / np.sqrt(HIDDENS[0]))
    b2 = jnp.zeros((HIDDENS[1],), dtype=jnp.float32)
    W3 = jax.random.normal(ks[8], (HIDDENS[1], HIDDENS[2]), dtype=jnp.float32) * (1.0 / np.sqrt(HIDDENS[1]))
    b3 = jnp.zeros((HIDDENS[2],), dtype=jnp.float32)
    Wp = jax.random.normal(ks[9], (HIDDENS[2] + D, 1), dtype=jnp.float32) * (1.0 / np.sqrt(HIDDENS[2] + D))
    return {"user_id": user_id, "item_id": item_id, "P": P, "Q": Q, "U": U, "V": V,
            "W1": W1, "b1": b1, "W2": W2, "b2": b2, "W3": W3, "b3": b3, "Wp": Wp}


def reference(user_id, item_id, P, Q, U, V, W1, b1, W2, b2, W3, b3, Wp):
    # GMF branch: elementwise product of MF embeddings
    p_mf = jnp.take(P, user_id, axis=0)
    q_mf = jnp.take(Q, item_id, axis=0)
    gmf = p_mf * q_mf
    # MLP branch
    p_mlp = jnp.take(U, user_id, axis=0)
    q_mlp = jnp.take(V, item_id, axis=0)
    h = jnp.concatenate([p_mlp, q_mlp], axis=-1)
    h = jax.nn.relu(h @ W1 + b1)
    h = jax.nn.relu(h @ W2 + b2)
    h = jax.nn.relu(h @ W3 + b3)
    # Prediction layer (no bias)
    logit = jnp.concatenate([gmf, h], axis=-1) @ Wp
    return logit

if __name__ == "__main__":
    import jax
    _d = setup_inputs()
    print(jax.jit(kernel)(*tuple(_d.values())))

</pallas_src>

<mosaic_0001>
#map = affine_map<(d0, d1) -> (0)>
#map1 = affine_map<(d0, d1) -> (0, 0)>
module attributes {stable_mosaic.version = 14 : i64} {
  func.func @gather_kernel(%arg0: i32, %arg1: i32, %arg2: memref<16384xi32, #tpu.memory_space<hbm>>, %arg3: memref<16384xi32, #tpu.memory_space<hbm>>, %arg4: memref<1000000x32xf32, #tpu.memory_space<hbm>>, %arg5: memref<1000000x32xf32, #tpu.memory_space<hbm>>, %arg6: memref<1000000x32xf32, #tpu.memory_space<hbm>>, %arg7: memref<1000000x32xf32, #tpu.memory_space<hbm>>, %arg8: memref<16384x32xf32, #tpu.memory_space<hbm>>, %arg9: memref<16384x32xf32, #tpu.memory_space<hbm>>, %arg10: memref<16384x32xf32, #tpu.memory_space<hbm>>, %arg11: memref<16384x32xf32, #tpu.memory_space<hbm>>, %arg12: memref<512xi32, #tpu.memory_space<vmem>>, %arg13: memref<512xi32, #tpu.memory_space<vmem>>, %arg14: memref<128x32xf32, #tpu.memory_space<vmem>>, %arg15: memref<128x32xf32, #tpu.memory_space<vmem>>, %arg16: memref<128x32xf32, #tpu.memory_space<vmem>>, %arg17: memref<128x32xf32, #tpu.memory_space<vmem>>, %arg18: memref<!tpu.dma_semaphore, #tpu.memory_space<semaphore_mem>>) attributes {dimension_semantics = [#tpu.dimension_semantics<core_parallel>, #tpu.dimension_semantics<subcore_parallel>], iteration_bounds = array<i64: 2, 16>, scalar_prefetch = 0 : i64, scratch_operands = 7 : i64, tpu.core_type = #tpu.core_type<sc_vector_subcore>, window_params = [{transform_indices = #map}, {transform_indices = #map}, {transform_indices = #map1}, {transform_indices = #map1}, {transform_indices = #map1}, {transform_indices = #map1}, {transform_indices = #map1}, {transform_indices = #map1}, {transform_indices = #map1}, {transform_indices = #map1}]} {
    %mul3A = arith.constant 2 : i32
    %mul3A_0 = arith.muli %arg1, %mul3A : i32
    %add3A = arith.addi %mul3A_0, %arg0 : i32
    %mul3A_1 = arith.constant 512 : i32
    %mul3A_2 = arith.muli %add3A, %mul3A_1 : i32
    "tpu.region"() ({
      %run_scoped3A = tpu.sem_alloc : memref<!tpu.dma_semaphore, #tpu.memory_space<semaphore_mem>>
      %dma_start3A = tpu.memref_slice %arg2[%mul3A_2] : memref<16384xi32, #tpu.memory_space<hbm>> -> memref<512xi32, #tpu.memory_space<hbm>>
      %dma_start3A_9 = tpu.memref_slice %arg2[%mul3A_2] : memref<16384xi32, #tpu.memory_space<hbm>> -> memref<512xi32, #tpu.memory_space<hbm>>
      tpu.enqueue_dma source(%dma_start3A_9 : memref<512xi32, #tpu.memory_space<hbm>>) target(%arg12 : memref<512xi32, #tpu.memory_space<vmem>>) target_semaphore(%run_scoped3A : memref<!tpu.dma_semaphore, #tpu.memory_space<semaphore_mem>>)
      %dma_wait3A = tpu.memref_slice %arg2[%mul3A_2] : memref<16384xi32, #tpu.memory_space<hbm>> -> memref<512xi32, #tpu.memory_space<hbm>>
      %dma_wait3A_10 = tpu.memref_slice %arg2[%mul3A_2] : memref<16384xi32, #tpu.memory_space<hbm>> -> memref<512xi32, #tpu.memory_space<hbm>>
      tpu.wait_dma2 semaphore(%run_scoped3A : memref<!tpu.dma_semaphore, #tpu.memory_space<semaphore_mem>>) src(%dma_wait3A_10 : memref<512xi32, #tpu.memory_space<hbm>>) dst(%arg12 : memref<512xi32, #tpu.memory_space<vmem>>)
      tpu.yield
    }) : () -> ()
    "tpu.region"() ({
      %run_scoped3A = tpu.sem_alloc : memref<!tpu.dma_semaphore, #tpu.memory_space<semaphore_mem>>
      %dma_start3A = tpu.memref_slice %arg3[%mul3A_2] : memref<16384xi32, #tpu.memory_space<hbm>> -> memref<512xi32, #tpu.memory_space<hbm>>
      %dma_start3A_9 = tpu.memref_slice %arg3[%mul3A_2] : memref<16384xi32, #tpu.memory_space<hbm>> -> memref<512xi32, #tpu.memory_space<hbm>>
      tpu.enqueue_dma source(%dma_start3A_9 : memref<512xi32, #tpu.memory_space<hbm>>) target(%arg13 : memref<512xi32, #tpu.memory_space<vmem>>) target_semaphore(%run_scoped3A : memref<!tpu.dma_semaphore, #tpu.memory_space<semaphore_mem>>)
      %dma_wait3A = tpu.memref_slice %arg3[%mul3A_2] : memref<16384xi32, #tpu.memory_space<hbm>> -> memref<512xi32, #tpu.memory_space<hbm>>
      %dma_wait3A_10 = tpu.memref_slice %arg3[%mul3A_2] : memref<16384xi32, #tpu.memory_space<hbm>> -> memref<512xi32, #tpu.memory_space<hbm>>
      tpu.wait_dma2 semaphore(%run_scoped3A : memref<!tpu.dma_semaphore, #tpu.memory_space<semaphore_mem>>) src(%dma_wait3A_10 : memref<512xi32, #tpu.memory_space<hbm>>) dst(%arg13 : memref<512xi32, #tpu.memory_space<vmem>>)
      tpu.yield
    }) : () -> ()
    %scan3A = arith.constant 0 : i32
    %scan3A_3 = arith.constant 0 : i32
    %scan3A_4 = arith.constant 4 : i32
    %scan3A_5 = arith.addi %scan3A_3, %scan3A_4 : i32
    %scan3A_6 = arith.constant 1 : i32
    %scan3A_7 = scf.for %scan3A_9 = %scan3A_3 to %scan3A_5 step %scan3A_6 iter_args(%scan3A_10 = %scan3A) -> (i32)  : i32 {
      %mul3A_11 = arith.constant 128 : i32
      %mul3A_12 = arith.muli %scan3A_9, %mul3A_11 : i32
      %scan3A_13 = arith.constant 0 : i32
      %scan3A_14 = arith.constant 0 : i32
      %scan3A_15 = arith.constant 8 : i32
      %scan3A_16 = arith.addi %scan3A_14, %scan3A_15 : i32
      %scan3A_17 = arith.constant 1 : i32
      %scan3A_18 = scf.for %scan3A_32 = %scan3A_14 to %scan3A_16 step %scan3A_17 iter_args(%scan3A_33 = %scan3A_13) -> (i32)  : i32 {
        %mul3A_34 = arith.constant 16 : i32
        %mul3A_35 = arith.muli %scan3A_32, %mul3A_34 : i32
        %add3A_36 = arith.addi %mul3A_12, %mul3A_35 : i32
        %get3A = arith.index_cast %add3A_36 : i32 to index
        %get3A_37 = tpu.vector_load %arg12[%get3A] {strides = array<i32>} : memref<512xi32, #tpu.memory_space<vmem>>, vector<16xi32>,
        %get3A_38 = vector.shape_cast %get3A_37 : vector<16xi32> to vector<16xi32>
        %add3A_39 = arith.addi %mul3A_12, %mul3A_35 : i32
        %get3A_40 = arith.index_cast %add3A_39 : i32 to index
        %get3A_41 = tpu.vector_load %arg13[%get3A_40] {strides = array<i32>} : memref<512xi32, #tpu.memory_space<vmem>>, vector<16xi32>,
        %get3A_42 = vector.shape_cast %get3A_41 : vector<16xi32> to vector<16xi32>
        %slice3A = vector.extract_strided_slice %get3A_38 {offsets = [0], sizes = [1], strides = [1]} : vector<16xi32> to vector<1xi32>
        %squeeze3A = vector.extract %slice3A[0] : i32 from vector<1xi32>
        %slice3A_43 = vector.extract_strided_slice %get3A_42 {offsets = [0], sizes = [1], strides = [1]} : vector<16xi32> to vector<1xi32>
        %squeeze3A_44 = vector.extract %slice3A_43[0] : i32 from vector<1xi32>
        %add3A_45 = arith.constant 0 : i32
        %add3A_46 = arith.addi %mul3A_35, %add3A_45 : i32
        %dma_start3A = arith.constant 0 : i32
        %dma_start3A_47 = tpu.memref_slice %arg14[%add3A_46, %dma_start3A] : memref<128x32xf32, #tpu.memory_space<vmem>> -> memref<1x32xf32, #tpu.memory_space<vmem>>
        %dma_start3A_48 = tpu.memref_squeeze %dma_start3A_47 : memref<1x32xf32, #tpu.memory_space<vmem>> -> memref<32xf32, #tpu.memory_space<vmem>>
        %dma_start3A_49 = arith.constant 0 : i32
        %dma_start3A_50 = tpu.memref_slice %arg4[%squeeze3A, %dma_start3A_49] : memref<1000000x32xf32, #tpu.memory_space<hbm>> -> memref<1x32xf32, #tpu.memory_space<hbm>>
        %dma_start3A_51 = tpu.memref_squeeze %dma_start3A_50 : memref<1x32xf32, #tpu.memory_space<hbm>> -> memref<32xf32, #tpu.memory_space<hbm>>
        %dma_start3A_52 = arith.constant 0 : i32
        %dma_start3A_53 = tpu.memref_slice %arg14[%add3A_46, %dma_start3A_52] : memref<128x32xf32, #tpu.memory_space<vmem>> -> memref<1x32xf32, #tpu.memory_space<vmem>>
        %dma_start3A_54 = tpu.memref_squeeze %dma_start3A_53 : memref<1x32xf32, #tpu.memory_space<vmem>> -> memref<32xf32, #tpu.memory_space<vmem>>
        %dma_start3A_55 = arith.constant 0 : i32
        %dma_start3A_56 = tpu.memref_slice %arg4[%squeeze3A, %dma_start3A_55] : memref<1000000x32xf32, #tpu.memory_space<hbm>> -> memref<1x32xf32, #tpu.memory_space<hbm>>
        %dma_start3A_57 = tpu.memref_squeeze %dma_start3A_56 : memref<1x32xf32, #tpu.memory_space<hbm>> -> memref<32xf32, #tpu.memory_space<hbm>>
        tpu.enqueue_dma source(%dma_start3A_57 : memref<32xf32, #tpu.memory_space<hbm>>) target(%dma_start3A_54 : memref<32xf32, #tpu.memory_space<vmem>>) target_semaphore(%arg18 : memref<!tpu.dma_semaphore, #tpu.memory_space<semaphore_mem>>)
        %add3A_58 = arith.constant 0 : i32
        %add3A_59 = arith.addi %mul3A_35, %add3A_58 : i32
        %dma_start3A_60 = arith.constant 0 : i32
        %dma_start3A_61 = tpu.memref_slice %arg16[%add3A_59, %dma_start3A_60] : memref<128x32xf32, #tpu.memory_space<vmem>> -> memref<1x32xf32, #tpu.memory_space<vmem>>
        %dma_start3A_62 = tpu.memref_squeeze %dma_start3A_61 : memref<1x32xf32, #tpu.memory_space<vmem>> -> memref<32xf32, #tpu.memory_space<vmem>>
        %dma_start3A_63 = arith.constant 0 : i32
        %dma_start3A_64 = tpu.memref_slice %arg6[%squeeze3A, %dma_start3A_63] : memref<1000000x32xf32, #tpu.memory_space<hbm>> -> memref<1x32xf32, #tpu.memory_space<hbm>>
        %dma_start3A_65 = tpu.memref_squeeze %dma_start3A_64 : memref<1x32xf32, #tpu.memory_space<hbm>> -> memref<32xf32, #tpu.memory_space<hbm>>
        %dma_start3A_66 = arith.constant 0 : i32
        %dma_start3A_67 = tpu.memref_slice %arg16[%add3A_59, %dma_start3A_66] : memref<128x32xf32, #tpu.memory_space<vmem>> -> memref<1x32xf32, #tpu.memory_space<vmem>>
        %dma_start3A_68 = tpu.memref_squeeze %dma_start3A_67 : memref<1x32xf32, #tpu.memory_space<vmem>> -> memref<32xf32, #tpu.memory_space<vmem>>
        %dma_start3A_69 = arith.constant 0 : i32
        %dma_start3A_70 = tpu.memref_slice %arg6[%squeeze3A, %dma_start3A_69] : memref<1000000x32xf32, #tpu.memory_space<hbm>> -> memref<1x32xf32, #tpu.memory_space<hbm>>
        %dma_start3A_71 = tpu.memref_squeeze %dma_start3A_70 : memref<1x32xf32, #tpu.memory_space<hbm>> -> memref<32xf32, #tpu.memory_space<hbm>>
        tpu.enqueue_dma source(%dma_start3A_71 : memref<32xf32, #tpu.memory_space<hbm>>) target(%dma_start3A_68 : memref<32xf32, #tpu.memory_space<vmem>>) target_semaphore(%arg18 : memref<!tpu.dma_semaphore, #tpu.memory_space<semaphore_mem>>)
        %add3A_72 = arith.constant 0 : i32
        %add3A_73 = arith.addi %mul3A_35, %add3A_72 : i32
        %dma_start3A_74 = arith.constant 0 : i32
        %dma_start3A_75 = tpu.memref_slice %arg15[%add3A_73, %dma_start3A_74] : memref<128x32xf32, #tpu.memory_space<vmem>> -> memref<1x32xf32, #tpu.memory_space<vmem>>
        %dma_start3A_76 = tpu.memref_squeeze %dma_start3A_75 : memref<1x32xf32, #tpu.memory_space<vmem>> -> memref<32xf32, #tpu.memory_space<vmem>>
        %dma_start3A_77 = arith.constant 0 : i32
        %dma_start3A_78 = tpu.memref_slice %arg5[%squeeze3A_44, %dma_start3A_77] : memref<1000000x32xf32, #tpu.memory_space<hbm>> -> memref<1x32xf32, #tpu.memory_space<hbm>>
        %dma_start3A_79 = tpu.memref_squeeze %dma_start3A_78 : memref<1x32xf32, #tpu.memory_space<hbm>> -> memref<32xf32, #tpu.memory_space<hbm>>
        %dma_start3A_80 = arith.constant 0 : i32
        %dma_start3A_81 = tpu.memref_slice %arg15[%add3A_73, %dma_start3A_80] : memref<128x32xf32, #tpu.memory_space<vmem>> -> memref<1x32xf32, #tpu.memory_space<vmem>>
        %dma_start3A_82 = tpu.memref_squeeze %dma_start3A_81 : memref<1x32xf32, #tpu.memory_space<vmem>> -> memref<32xf32, #tpu.memory_space<vmem>>
        %dma_start3A_83 = arith.constant 0 : i32
        %dma_start3A_84 = tpu.memref_slice %arg5[%squeeze3A_44, %dma_start3A_83] : memref<1000000x32xf32, #tpu.memory_space<hbm>> -> memref<1x32xf32, #tpu.memory_space<hbm>>
        %dma_start3A_85 = tpu.memref_squeeze %dma_start3A_84 : memref<1x32xf32, #tpu.memory_space<hbm>> -> memref<32xf32, #tpu.memory_space<hbm>>
        tpu.enqueue_dma source(%dma_start3A_85 : memref<32xf32, #tpu.memory_space<hbm>>) target(%dma_start3A_82 : memref<32xf32, #tpu.memory_space<vmem>>) target_semaphore(%arg18 : memref<!tpu.dma_semaphore, #tpu.memory_space<semaphore_mem>>)
        %add3A_86 = arith.constant 0 : i32
        %add3A_87 = arith.addi %mul3A_35, %add3A_86 : i32
        %dma_start3A_88 = arith.constant 0 : i32
        %dma_start3A_89 = tpu.memref_slice %arg17[%add3A_87, %dma_start3A_88] : memref<128x32xf32, #tpu.memory_space<vmem>> -> memref<1x32xf32, #tpu.memory_space<vmem>>
        %dma_start3A_90 = tpu.memref_squeeze %dma_start3A_89 : memref<1x32xf32, #tpu.memory_space<vmem>> -> memref<32xf32, #tpu.memory_space<vmem>>
        %dma_start3A_91 = arith.constant 0 : i32
        %dma_start3A_92 = tpu.memref_slice %arg7[%squeeze3A_44, %dma_start3A_91] : memref<1000000x32xf32, #tpu.memory_space<hbm>> -> memref<1x32xf32, #tpu.memory_space<hbm>>
        %dma_start3A_93 = tpu.memref_squeeze %dma_start3A_92 : memref<1x32xf32, #tpu.memory_space<hbm>> -> memref<32xf32, #tpu.memory_space<hbm>>
        %dma_start3A_94 = arith.constant 0 : i32
        %dma_start3A_95 = tpu.memref_slice %arg17[%add3A_87, %dma_start3A_94] : memref<128x32xf32, #tpu.memory_space<vmem>> -> memref<1x32xf32, #tpu.memory_space<vmem>>
        %dma_start3A_96 = tpu.memref_squeeze %dma_start3A_95 : memref<1x32xf32, #tpu.memory_space<vmem>> -> memref<32xf32, #tpu.memory_space<vmem>>
        %dma_start3A_97 = arith.constant 0 : i32
        %dma_start3A_98 = tpu.memref_slice %arg7[%squeeze3A_44, %dma_start3A_97] : memref<1000000x32xf32, #tpu.memory_space<hbm>> -> memref<1x32xf32, #tpu.memory_space<hbm>>
        %dma_start3A_99 = tpu.memref_squeeze %dma_start3A_98 : memref<1x32xf32, #tpu.memory_space<hbm>> -> memref<32xf32, #tpu.memory_space<hbm>>
        tpu.enqueue_dma source(%dma_start3A_99 : memref<32xf32, #tpu.memory_space<hbm>>) target(%dma_start3A_96 : memref<32xf32, #tpu.memory_space<vmem>>) target_semaphore(%arg18 : memref<!tpu.dma_semaphore, #tpu.memory_space<semaphore_mem>>)
        %slice3A_100 = vector.extract_strided_slice %get3A_38 {offsets = [1], sizes = [1], strides = [1]} : vector<16xi32> to vector<1xi32>
        %squeeze3A_101 = vector.extract %slice3A_100[0] : i32 from vector<1xi32>
        %slice3A_102 = vector.extract_strided_slice %get3A_42 {offsets = [1], sizes = [1], strides = [1]} : vector<16xi32> to vector<1xi32>
        %squeeze3A_103 = vector.extract %slice3A_102[0] : i32 from vector<1xi32>
        %add3A_104 = arith.constant 1 : i32
        %add3A_105 = arith.addi %mul3A_35, %add3A_104 : i32
        %dma_start3A_106 = arith.constant 0 : i32
        %dma_start3A_107 = tpu.memref_slice %arg14[%add3A_105, %dma_start3A_106] : memref<128x32xf32, #tpu.memory_space<vmem>> -> memref<1x32xf32, #tpu.memory_space<vmem>>
        %dma_start3A_108 = tpu.memref_squeeze %dma_start3A_107 : memref<1x32xf32, #tpu.memory_space<vmem>> -> memref<32xf32, #tpu.memory_space<vmem>>
        %dma_start3A_109 = arith.constant 0 : i32
        %dma_start3A_110 = tpu.memref_slice %arg4[%squeeze3A_101, %dma_start3A_109] : memref<1000000x32xf32, #tpu.memory_space<hbm>> -> memref<1x32xf32, #tpu.memory_space<hbm>>
        %dma_start3A_111 = tpu.memref_squeeze %dma_start3A_110 : memref<1x32xf32, #tpu.memory_space<hbm>> -> memref<32xf32, #tpu.memory_space<hbm>>
        %dma_start3A_112 = arith.constant 0 : i32
        %dma_start3A_113 = tpu.memref_slice %arg14[%add3A_105, %dma_start3A_112] : memref<128x32xf32, #tpu.memory_space<vmem>> -> memref<1x32xf32, #tpu.memory_space<vmem>>
        %dma_start3A_114 = tpu.memref_squeeze %dma_start3A_113 : memref<1x32xf32, #tpu.memory_space<vmem>> -> memref<32xf32, #tpu.memory_space<vmem>>
        %dma_start3A_115 = arith.constant 0 : i32
        %dma_start3A_116 = tpu.memref_slice %arg4[%squeeze3A_101, %dma_start3A_115] : memref<1000000x32xf32, #tpu.memory_space<hbm>> -> memref<1x32xf32, #tpu.memory_space<hbm>>
        %dma_start3A_117 = tpu.memref_squeeze %dma_start3A_116 : memref<1x32xf32, #tpu.memory_space<hbm>> -> memref<32xf32, #tpu.memory_space<hbm>>
        tpu.enqueue_dma source(%dma_start3A_117 : memref<32xf32, #tpu.memory_space<hbm>>) target(%dma_start3A_114 : memref<32xf32, #tpu.memory_space<vmem>>) target_semaphore(%arg18 : memref<!tpu.dma_semaphore, #tpu.memory_space<semaphore_mem>>)
        %add3A_118 = arith.constant 1 : i32
        %add3A_119 = arith.addi %mul3A_35, %add3A_118 : i32
        %dma_start3A_120 = arith.constant 0 : i32
        %dma_start3A_121 = tpu.memref_slice %arg16[%add3A_119, %dma_start3A_120] : memref<128x32xf32, #tpu.memory_space<vmem>> -> memref<1x32xf32, #tpu.memory_space<vmem>>
        %dma_start3A_122 = tpu.memref_squeeze %dma_start3A_121 : memref<1x32xf32, #tpu.memory_space<vmem>> -> memref<32xf32, #tpu.memory_space<vmem>>
        %dma_start3A_123 = arith.constant 0 : i32
        %dma_start3A_124 = tpu.memref_slice %arg6[%squeeze3A_101, %dma_start3A_123] : memref<1000000x32xf32, #tpu.memory_space<hbm>> -> memref<1x32xf32, #tpu.memory_space<hbm>>
        %dma_start3A_125 = tpu.memref_squeeze %dma_start3A_124 : memref<1x32xf32, #tpu.memory_space<hbm>> -> memref<32xf32, #tpu.memory_space<hbm>>
        %dma_start3A_126 = arith.constant 0 : i32
        %dma_start3A_127 = tpu.memref_slice %arg16[%add3A_119, %dma_start3A_126] : memref<128x32xf32, #tpu.memory_space<vmem>> -> memref<1x32xf32, #tpu.memory_space<vmem>>
        %dma_start3A_128 = tpu.memref_squeeze %dma_start3A_127 : memref<1x32xf32, #tpu.memory_space<vmem>> -> memref<32xf32, #tpu.memory_space<vmem>>
        %dma_start3A_129 = arith.constant 0 : i32
        %dma_start3A_130 = tpu.memref_slice %arg6[%squeeze3A_101, %dma_start3A_129] : memref<1000000x32xf32, #tpu.memory_space<hbm>> -> memref<1x32xf32, #tpu.memory_space<hbm>>
        %dma_start3A_131 = tpu.memref_squeeze %dma_start3A_130 : memref<1x32xf32, #tpu.memory_space<hbm>> -> memref<32xf32, #tpu.memory_space<hbm>>
        tpu.enqueue_dma source(%dma_start3A_131 : memref<32xf32, #tpu.memory_space<hbm>>) target(%dma_start3A_128 : memref<32xf32, #tpu.memory_space<vmem>>) target_semaphore(%arg18 : memref<!tpu.dma_semaphore, #tpu.memory_space<semaphore_mem>>)
        %add3A_132 = arith.constant 1 : i32
        %add3A_133 = arith.addi %mul3A_35, %add3A_132 : i32
        %dma_start3A_134 = arith.constant 0 : i32
        %dma_start3A_135 = tpu.memref_slice %arg15[%add3A_133, %dma_start3A_134] : memref<128x32xf32, #tpu.memory_space<vmem>> -> memref<1x32xf32, #tpu.memory_space<vmem>>
        %dma_start3A_136 = tpu.memref_squeeze %dma_start3A_135 : memref<1x32xf32, #tpu.memory_space<vmem>> -> memref<32xf32, #tpu.memory_space<vmem>>
        %dma_start3A_137 = arith.constant 0 : i32
        %dma_start3A_138 = tpu.memref_slice %arg5[%squeeze3A_103, %dma_start3A_137] : memref<1000000x32xf32, #tpu.memory_space<hbm>> -> memref<1x32xf32, #tpu.memory_space<hbm>>
        %dma_start3A_139 = tpu.memref_squeeze %dma_start3A_138 : memref<1x32xf32, #tpu.memory_space<hbm>> -> memref<32xf32, #tpu.memory_space<hbm>>
        %dma_start3A_140 = arith.constant 0 : i32
        %dma_start3A_141 = tpu.memref_slice %arg15[%add3A_133, %dma_start3A_140] : memref<128x32xf32, #tpu.memory_space<vmem>> -> memref<1x32xf32, #tpu.memory_space<vmem>>
        %dma_start3A_142 = tpu.memref_squeeze %dma_start3A_141 : memref<1x32xf32, #tpu.memory_space<vmem>> -> memref<32xf32, #tpu.memory_space<vmem>>
        %dma_start3A_143 = arith.constant 0 : i32
        %dma_start3A_144 = tpu.memref_slice %arg5[%squeeze3A_103, %dma_start3A_143] : memref<1000000x32xf32, #tpu.memory_space<hbm>> -> memref<1x32xf32, #tpu.memory_space<hbm>>
        %dma_start3A_145 = tpu.memref_squeeze %dma_start3A_144 : memref<1x32xf32, #tpu.memory_space<hbm>> -> memref<32xf32, #tpu.memory_space<hbm>>
        tpu.enqueue_dma source(%dma_start3A_145 : memref<32xf32, #tpu.memory_space<hbm>>) target(%dma_start3A_142 : memref<32xf32, #tpu.memory_space<vmem>>) target_semaphore(%arg18 : memref<!tpu.dma_semaphore, #tpu.memory_space<semaphore_mem>>)
        %add3A_146 = arith.constant 1 : i32
        %add3A_147 = arith.addi %mul3A_35, %add3A_146 : i32
        %dma_start3A_148 = arith.constant 0 : i32
        %dma_start3A_149 = tpu.memref_slice %arg17[%add3A_147, %dma_start3A_148] : memref<128x32xf32, #tpu.memory_space<vmem>> -> memref<1x32xf32, #tpu.memory_space<vmem>>
        %dma_start3A_150 = tpu.memref_squeeze %dma_start3A_149 : memref<1x32xf32, #tpu.memory_space<vmem>> -> memref<32xf32, #tpu.memory_space<vmem>>
        %dma_start3A_151 = arith.constant 0 : i32
        %dma_start3A_152 = tpu.memref_slice %arg7[%squeeze3A_103, %dma_start3A_151] : memref<1000000x32xf32, #tpu.memory_space<hbm>> -> memref<1x32xf32, #tpu.memory_space<hbm>>
        %dma_start3A_153 = tpu.memref_squeeze %dma_start3A_152 : memref<1x32xf32, #tpu.memory_space<hbm>> -> memref<32xf32, #tpu.memory_space<hbm>>
        %dma_start3A_154 = arith.constant 0 : i32
        %dma_start3A_155 = tpu.memref_slice %arg17[%add3A_147, %dma_start3A_154] : memref<128x32xf32, #tpu.memory_space<vmem>> -> memref<1x32xf32, #tpu.memory_space<vmem>>
        %dma_start3A_156 = tpu.memref_squeeze %dma_start3A_155 : memref<1x32xf32, #tpu.memory_space<vmem>> -> memref<32xf32, #tpu.memory_space<vmem>>
        %dma_start3A_157 = arith.constant 0 : i32
        %dma_start3A_158 = tpu.memref_slice %arg7[%squeeze3A_103, %dma_start3A_157] : memref<1000000x32xf32, #tpu.memory_space<hbm>> -> memref<1x32xf32, #tpu.memory_space<hbm>>
        %dma_start3A_159 = tpu.memref_squeeze %dma_start3A_158 : memref<1x32xf32, #tpu.memory_space<hbm>> -> memref<32xf32, #tpu.memory_space<hbm>>
        tpu.enqueue_dma source(%dma_start3A_159 : memref<32xf32, #tpu.memory_space<hbm>>) target(%dma_start3A_156 : memref<32xf32, #tpu.memory_space<vmem>>) target_semaphore(%arg18 : memref<!tpu.dma_semaphore, #tpu.memory_space<semaphore_mem>>)
        %slice3A_160 = vector.extract_strided_slice %get3A_38 {offsets = [2], sizes = [1], strides = [1]} : vector<16xi32> to vector<1xi32>
        %squeeze3A_161 = vector.extract %slice3A_160[0] : i32 from vector<1xi32>
        %slice3A_162 = vector.extract_strided_slice %get3A_42 {offsets = [2], sizes = [1], strides = [1]} : vector<16xi32> to vector<1xi32>
        %squeeze3A_163 = vector.extract %slice3A_162[0] : i32 from vector<1xi32>
        %add3A_164 = arith.constant 2 : i32
        %add3A_165 = arith.addi %mul3A_35, %add3A_164 : i32
        %dma_start3A_166 = arith.constant 0 : i32
        %dma_start3A_167 = tpu.memref_slice %arg14[%add3A_165, %dma_start3A_166] : memref<128x32xf32, #tpu.memory_space<vmem>> -> memref<1x32xf32, #tpu.memory_space<vmem>>
        %dma_start3A_168 = tpu.memref_squeeze %dma_start3A_167 : memref<1x32xf32, #tpu.memory_space<vmem>> -> memref<32xf32, #tpu.memory_space<vmem>>
        %dma_start3A_169 = arith.constant 0 : i32
        %dma_start3A_170 = tpu.memref_slice %arg4[%squeeze3A_161, %dma_start3A_169] : memref<1000000x32xf32, #tpu.memory_space<hbm>> -> memref<1x32xf32, #tpu.memory_space<hbm>>
        %dma_start3A_171 = tpu.memref_squeeze %dma_start3A_170 : memref<1x32xf32, #tpu.memory_space<hbm>> -> memref<32xf32, #tpu.memory_space<hbm>>
        %dma_start3A_172 = arith.constant 0 : i32
        %dma_start3A_173 = tpu.memref_slice %arg14[%add3A_165, %dma_start3A_172] : memref<128x32xf32, #tpu.memory_space<vmem>> -> memref<1x32xf32, #tpu.memory_space<vmem>>
        %dma_start3A_174 = tpu.memref_squeeze %dma_start3A_173 : memref<1x32xf32, #tpu.memory_space<vmem>> -> memref<32xf32, #tpu.memory_space<vmem>>
        %dma_start3A_175 = arith.constant 0 : i32
        %dma_start3A_176 = tpu.memref_slice %arg4[%squeeze3A_161, %dma_start3A_175] : memref<1000000x32xf32, #tpu.memory_space<hbm>> -> memref<1x32xf32, #tpu.memory_space<hbm>>
        %dma_start3A_177 = tpu.memref_squeeze %dma_start3A_176 : memref<1x32xf32, #tpu.memory_space<hbm>> -> memref<32xf32, #tpu.memory_space<hbm>>
        tpu.enqueue_dma source(%dma_start3A_177 : memref<32xf32, #tpu.memory_space<hbm>>) target(%dma_start3A_174 : memref<32xf32, #tpu.memory_space<vmem>>) target_semaphore(%arg18 : memref<!tpu.dma_semaphore, #tpu.memory_space<semaphore_mem>>)
        %add3A_178 = arith.constant 2 : i32
        %add3A_179 = arith.addi %mul3A_35, %add3A_178 : i32
        %dma_start3A_180 = arith.constant 0 : i32
        %dma_start3A_181 = tpu.memref_slice %arg16[%add3A_179, %dma_start3A_180] : memref<128x32xf32, #tpu.memory_space<vmem>> -> memref<1x32xf32, #tpu.memory_space<vmem>>
        %dma_start3A_182 = tpu.memref_squeeze %dma_start3A_181 : memref<1x32xf32, #tpu.memory_space<vmem>> -> memref<32xf32, #tpu.memory_space<vmem>>
        %dma_start3A_183 = arith.constant 0 : i32
        %dma_start3A_184 = tpu.memref_slice %arg6[%squeeze3A_161, %dma_start3A_183] : memref<1000000x32xf32, #tpu.memory_space<hbm>> -> memref<1x32xf32, #tpu.memory_space<hbm>>
        %dma_start3A_185 = tpu.memref_squeeze %dma_start3A_184 : memref<1x32xf32, #tpu.memory_space<hbm>> -> memref<32xf32, #tpu.memory_space<hbm>>
        %dma_start3A_186 = arith.constant 0 : i32
        %dma_start3A_187 = tpu.memref_slice %arg16[%add3A_179, %dma_start3A_186] : memref<128x32xf32, #tpu.memory_space<vmem>> -> memref<1x32xf32, #tpu.memory_space<vmem>>
        %dma_start3A_188 = tpu.memref_squeeze %dma_start3A_187 : memref<1x32xf32, #tpu.memory_space<vmem>> -> memref<32xf32, #tpu.memory_space<vmem>>
        %dma_start3A_189 = arith.constant 0 : i32
        %dma_start3A_190 = tpu.memref_slice %arg6[%squeeze3A_161, %dma_start3A_189] : memref<1000000x32xf32, #tpu.memory_space<hbm>> -> memref<1x32xf32, #tpu.memory_space<hbm>>
        %dma_start3A_191 = tpu.memref_squeeze %dma_start3A_190 : memref<1x32xf32, #tpu.memory_space<hbm>> -> memref<32xf32, #tpu.memory_space<hbm>>
        tpu.enqueue_dma source(%dma_start3A_191 : memref<32xf32, #tpu.memory_space<hbm>>) target(%dma_start3A_188 : memref<32xf32, #tpu.memory_space<vmem>>) target_semaphore(%arg18 : memref<!tpu.dma_semaphore, #tpu.memory_space<semaphore_mem>>)
        %add3A_192 = arith.constant 2 : i32
        %add3A_193 = arith.addi %mul3A_35, %add3A_192 : i32
        %dma_start3A_194 = arith.constant 0 : i32
        %dma_start3A_195 = tpu.memref_slice %arg15[%add3A_193, %dma_start3A_194] : memref<128x32xf32, #tpu.memory_space<vmem>> -> memref<1x32xf32, #tpu.memory_space<vmem>>
        %dma_start3A_196 = tpu.memref_squeeze %dma_start3A_195 : memref<1x32xf32, #tpu.memory_space<vmem>> -> memref<32xf32, #tpu.memory_space<vmem>>
        %dma_start3A_197 = arith.constant 0 : i32
        %dma_start3A_198 = tpu.memref_slice %arg5[%squeeze3A_163, %dma_start3A_197] : memref<1000000x32xf32, #tpu.memory_space<hbm>> -> memref<1x32xf32, #tpu.memory_space<hbm>>
        %dma_start3A_199 = tpu.memref_squeeze %dma_start3A_198 : memref<1x32xf32, #tpu.memory_space<hbm>> -> memref<32xf32, #tpu.memory_space<hbm>>
        %dma_start3A_200 = arith.constant 0 : i32
        %dma_start3A_201 = tpu.memref_slice %arg15[%add3A_193, %dma_start3A_200] : memref<128x32xf32, #tpu.memory_space<vmem>> -> memref<1x32xf32, #tpu.memory_space<vmem>>
        %dma_start3A_202 = tpu.memref_squeeze %dma_start3A_201 : memref<1x32xf32, #tpu.memory_space<vmem>> -> memref<32xf32, #tpu.memory_space<vmem>>
        %dma_start3A_203 = arith.constant 0 : i32
        %dma_start3A_204 = tpu.memref_slice %arg5[%squeeze3A_163, %dma_start3A_203] : memref<1000000x32xf32, #tpu.memory_space<hbm>> -> memref<1x32xf32, #tpu.memory_space<hbm>>
        %dma_start3A_205 = tpu.memref_squeeze %dma_start3A_204 : memref<1x32xf32, #tpu.memory_space<hbm>> -> memref<32xf32, #tpu.memory_space<hbm>>
        tpu.enqueue_dma source(%dma_start3A_205 : memref<32xf32, #tpu.memory_space<hbm>>) target(%dma_start3A_202 : memref<32xf32, #tpu.memory_space<vmem>>) target_semaphore(%arg18 : memref<!tpu.dma_semaphore, #tpu.memory_space<semaphore_mem>>)
        %add3A_206 = arith.constant 2 : i32
        %add3A_207 = arith.addi %mul3A_35, %add3A_206 : i32
        %dma_start3A_208 = arith.constant 0 : i32
        %dma_start3A_209 = tpu.memref_slice %arg17[%add3A_207, %dma_start3A_208] : memref<128x32xf32, #tpu.memory_space<vmem>> -> memref<1x32xf32, #tpu.memory_space<vmem>>
        %dma_start3A_210 = tpu.memref_squeeze %dma_start3A_209 : memref<1x32xf32, #tpu.memory_space<vmem>> -> memref<32xf32, #tpu.memory_space<vmem>>
        %dma_start3A_211 = arith.constant 0 : i32
        %dma_start3A_212 = tpu.memref_slice %arg7[%squeeze3A_163, %dma_start3A_211] : memref<1000000x32xf32, #tpu.memory_space<hbm>> -> memref<1x32xf32, #tpu.memory_space<hbm>>
        %dma_start3A_213 = tpu.memref_squeeze %dma_start3A_212 : memref<1x32xf32, #tpu.memory_space<hbm>> -> memref<32xf32, #tpu.memory_space<hbm>>
        %dma_start3A_214 = arith.constant 0 : i32
        %dma_start3A_215 = tpu.memref_slice %arg17[%add3A_207, %dma_start3A_214] : memref<128x32xf32, #tpu.memory_space<vmem>> -> memref<1x32xf32, #tpu.memory_space<vmem>>
        %dma_start3A_216 = tpu.memref_squeeze %dma_start3A_215 : memref<1x32xf32, #tpu.memory_space<vmem>> -> memref<32xf32, #tpu.memory_space<vmem>>
        %dma_start3A_217 = arith.constant 0 : i32
        %dma_start3A_218 = tpu.memref_slice %arg7[%squeeze3A_163, %dma_start3A_217] : memref<1000000x32xf32, #tpu.memory_space<hbm>> -> memref<1x32xf32, #tpu.memory_space<hbm>>
        %dma_start3A_219 = tpu.memref_squeeze %dma_start3A_218 : memref<1x32xf32, #tpu.memory_space<hbm>> -> memref<32xf32, #tpu.memory_space<hbm>>
        tpu.enqueue_dma source(%dma_start3A_219 : memref<32xf32, #tpu.memory_space<hbm>>) target(%dma_start3A_216 : memref<32xf32, #tpu.memory_space<vmem>>) target_semaphore(%arg18 : memref<!tpu.dma_semaphore, #tpu.memory_space<semaphore_mem>>)
        %slice3A_220 = vector.extract_strided_slice %get3A_38 {offsets = [3], sizes = [1], strides = [1]} : vector<16xi32> to vector<1xi32>
        %squeeze3A_221 = vector.extract %slice3A_220[0] : i32 from vector<1xi32>
        %slice3A_222 = vector.extract_strided_slice %get3A_42 {offsets = [3], sizes = [1], strides = [1]} : vector<16xi32> to vector<1xi32>
        %squeeze3A_223 = vector.extract %slice3A_222[0] : i32 from vector<1xi32>
        %add3A_224 = arith.constant 3 : i32
        %add3A_225 = arith.addi %mul3A_35, %add3A_224 : i32
        %dma_start3A_226 = arith.constant 0 : i32
        %dma_start3A_227 = tpu.memref_slice %arg14[%add3A_225, %dma_start3A_226] : memref<128x32xf32, #tpu.memory_space<vmem>> -> memref<1x32xf32, #tpu.memory_space<vmem>>
        %dma_start3A_228 = tpu.memref_squeeze %dma_start3A_227 : memref<1x32xf32, #tpu.memory_space<vmem>> -> memref<32xf32, #tpu.memory_space<vmem>>
        %dma_start3A_229 = arith.constant 0 : i32
        %dma_start3A_230 = tpu.memref_slice %arg4[%squeeze3A_221, %dma_start3A_229] : memref<1000000x32xf32, #tpu.memory_space<hbm>> -> memref<1x32xf32, #tpu.memory_space<hbm>>
        %dma_start3A_231 = tpu.memref_squeeze %dma_start3A_230 : memref<1x32xf32, #tpu.memory_space<hbm>> -> memref<32xf32, #tpu.memory_space<hbm>>
        %dma_start3A_232 = arith.constant 0 : i32
        %dma_start3A_233 = tpu.memref_slice %arg14[%add3A_225, %dma_start3A_232] : memref<128x32xf32, #tpu.memory_space<vmem>> -> memref<1x32xf32, #tpu.memory_space<vmem>>
        %dma_start3A_234 = tpu.memref_squeeze %dma_start3A_233 : memref<1x32xf32, #tpu.memory_space<vmem>> -> memref<32xf32, #tpu.memory_space<vmem>>
        %dma_start3A_235 = arith.constant 0 : i32
        %dma_start3A_236 = tpu.memref_slice %arg4[%squeeze3A_221, %dma_start3A_235] : memref<1000000x32xf32, #tpu.memory_space<hbm>> -> memref<1x32xf32, #tpu.memory_space<hbm>>
        %dma_start3A_237 = tpu.memref_squeeze %dma_start3A_236 : memref<1x32xf32, #tpu.memory_space<hbm>> -> memref<32xf32, #tpu.memory_space<hbm>>
        tpu.enqueue_dma source(%dma_start3A_237 : memref<32xf32, #tpu.memory_space<hbm>>) target(%dma_start3A_234 : memref<32xf32, #tpu.memory_space<vmem>>) target_semaphore(%arg18 : memref<!tpu.dma_semaphore, #tpu.memory_space<semaphore_mem>>)
        %add3A_238 = arith.constant 3 : i32
        %add3A_239 = arith.addi %mul3A_35, %add3A_238 : i32
        %dma_start3A_240 = arith.constant 0 : i32
        %dma_start3A_241 = tpu.memref_slice %arg16[%add3A_239, %dma_start3A_240] : memref<128x32xf32, #tpu.memory_space<vmem>> -> memref<1x32xf32, #tpu.memory_space<vmem>>
        %dma_start3A_242 = tpu.memref_squeeze %dma_start3A_241 : memref<1x32xf32, #tpu.memory_space<vmem>> -> memref<32xf32, #tpu.memory_space<vmem>>
        %dma_start3A_243 = arith.constant 0 : i32
        %dma_start3A_244 = tpu.memref_slice %arg6[%squeeze3A_221, %dma_start3A_243] : memref<1000000x32xf32, #tpu.memory_space<hbm>> -> memref<1x32xf32, #tpu.memory_space<hbm>>
        %dma_start3A_245 = tpu.memref_squeeze %dma_start3A_244 : memref<1x32xf32, #tpu.memory_space<hbm>> -> memref<32xf32, #tpu.memory_space<hbm>>
        %dma_start3A_246 = arith.constant 0 : i32
        %dma_start3A_247 = tpu.memref_slice %arg16[%add3A_239, %dma_start3A_246] : memref<128x32xf32, #tpu.memory_space<vmem>> -> memref<1x32xf32, #tpu.memory_space<vmem>>
        %dma_start3A_248 = tpu.memref_squeeze %dma_start3A_247 : memref<1x32xf32, #tpu.memory_space<vmem>> -> memref<32xf32, #tpu.memory_space<vmem>>
        %dma_start3A_249 = arith.constant 0 : i32
        %dma_start3A_250 = tpu.memref_slice %arg6[%squeeze3A_221, %dma_start3A_249] : memref<1000000x32xf32, #tpu.memory_space<hbm>> -> memref<1x32xf32, #tpu.memory_space<hbm>>
        %dma_start3A_251 = tpu.memref_squeeze %dma_start3A_250 : memref<1x32xf32, #tpu.memory_space<hbm>> -> memref<32xf32, #tpu.memory_space<hbm>>
        tpu.enqueue_dma source(%dma_start3A_251 : memref<32xf32, #tpu.memory_space<hbm>>) target(%dma_start3A_248 : memref<32xf32, #tpu.memory_space<vmem>>) target_semaphore(%arg18 : memref<!tpu.dma_semaphore, #tpu.memory_space<semaphore_mem>>)
        %add3A_252 = arith.constant 3 : i32
        %add3A_253 = arith.addi %mul3A_35, %add3A_252 : i32
        %dma_start3A_254 = arith.constant 0 : i32
        %dma_start3A_255 = tpu.memref_slice %arg15[%add3A_253, %dma_start3A_254] : memref<128x32xf32, #tpu.memory_space<vmem>> -> memref<1x32xf32, #tpu.memory_space<vmem>>
        %dma_start3A_256 = tpu.memref_squeeze %dma_start3A_255 : memref<1x32xf32, #tpu.memory_space<vmem>> -> memref<32xf32, #tpu.memory_space<vmem>>
        %dma_start3A_257 = arith.constant 0 : i32
        %dma_start3A_258 = tpu.memref_slice %arg5[%squeeze3A_223, %dma_start3A_257] : memref<1000000x32xf32, #tpu.memory_space<hbm>> -> memref<1x32xf32, #tpu.memory_space<hbm>>
        %dma_start3A_259 = tpu.memref_squeeze %dma_start3A_258 : memref<1x32xf32, #tpu.memory_space<hbm>> -> memref<32xf32, #tpu.memory_space<hbm>>
        %dma_start3A_260 = arith.constant 0 : i32
        %dma_start3A_261 = tpu.memref_slice %arg15[%add3A_253, %dma_start3A_260] : memref<128x32xf32, #tpu.memory_space<vmem>> -> memref<1x32xf32, #tpu.memory_space<vmem>>
        %dma_start3A_262 = tpu.memref_squeeze %dma_start3A_261 : memref<1x32xf32, #tpu.memory_space<vmem>> -> memref<32xf32, #tpu.memory_space<vmem>>
        %dma_start3A_263 = arith.constant 0 : i32
        %dma_start3A_264 = tpu.memref_slice %arg5[%squeeze3A_223, %dma_start3A_263] : memref<1000000x32xf32, #tpu.memory_space<hbm>> -> memref<1x32xf32, #tpu.memory_space<hbm>>
        %dma_start3A_265 = tpu.memref_squeeze %dma_start3A_264 : memref<1x32xf32, #tpu.memory_space<hbm>> -> memref<32xf32, #tpu.memory_space<hbm>>
        tpu.enqueue_dma source(%dma_start3A_265 : memref<32xf32, #tpu.memory_space<hbm>>) target(%dma_start3A_262 : memref<32xf32, #tpu.memory_space<vmem>>) target_semaphore(%arg18 : memref<!tpu.dma_semaphore, #tpu.memory_space<semaphore_mem>>)
        %add3A_266 = arith.constant 3 : i32
        %add3A_267 = arith.addi %mul3A_35, %add3A_266 : i32
        %dma_start3A_268 = arith.constant 0 : i32
        %dma_start3A_269 = tpu.memref_slice %arg17[%add3A_267, %dma_start3A_268] : memref<128x32xf32, #tpu.memory_space<vmem>> -> memref<1x32xf32, #tpu.memory_space<vmem>>
        %dma_start3A_270 = tpu.memref_squeeze %dma_start3A_269 : memref<1x32xf32, #tpu.memory_space<vmem>> -> memref<32xf32, #tpu.memory_space<vmem>>
        %dma_start3A_271 = arith.constant 0 : i32
        %dma_start3A_272 = tpu.memref_slice %arg7[%squeeze3A_223, %dma_start3A_271] : memref<1000000x32xf32, #tpu.memory_space<hbm>> -> memref<1x32xf32, #tpu.memory_space<hbm>>
        %dma_start3A_273 = tpu.memref_squeeze %dma_start3A_272 : memref<1x32xf32, #tpu.memory_space<hbm>> -> memref<32xf32, #tpu.memory_space<hbm>>
        %dma_start3A_274 = arith.constant 0 : i32
        %dma_start3A_275 = tpu.memref_slice %arg17[%add3A_267, %dma_start3A_274] : memref<128x32xf32, #tpu.memory_space<vmem>> -> memref<1x32xf32, #tpu.memory_space<vmem>>
        %dma_start3A_276 = tpu.memref_squeeze %dma_start3A_275 : memref<1x32xf32, #tpu.memory_space<vmem>> -> memref<32xf32, #tpu.memory_space<vmem>>
        %dma_start3A_277 = arith.constant 0 : i32
        %dma_start3A_278 = tpu.memref_slice %arg7[%squeeze3A_223, %dma_start3A_277] : memref<1000000x32xf32, #tpu.memory_space<hbm>> -> memref<1x32xf32, #tpu.memory_space<hbm>>
        %dma_start3A_279 = tpu.memref_squeeze %dma_start3A_278 : memref<1x32xf32, #tpu.memory_space<hbm>> -> memref<32xf32, #tpu.memory_space<hbm>>
        tpu.enqueue_dma source(%dma_start3A_279 : memref<32xf32, #tpu.memory_space<hbm>>) target(%dma_start3A_276 : memref<32xf32, #tpu.memory_space<vmem>>) target_semaphore(%arg18 : memref<!tpu.dma_semaphore, #tpu.memory_space<semaphore_mem>>)
        %slice3A_280 = vector.extract_strided_slice %get3A_38 {offsets = [4], sizes = [1], strides = [1]} : vector<16xi32> to vector<1xi32>
        %squeeze3A_281 = vector.extract %slice3A_280[0] : i32 from vector<1xi32>
        %slice3A_282 = vector.extract_strided_slice %get3A_42 {offsets = [4], sizes = [1], strides = [1]} : vector<16xi32> to vector<1xi32>
        %squeeze3A_283 = vector.extract %slice3A_282[0] : i32 from vector<1xi32>
        %add3A_284 = arith.constant 4 : i32
        %add3A_285 = arith.addi %mul3A_35, %add3A_284 : i32
        %dma_start3A_286 = arith.constant 0 : i32
        %dma_start3A_287 = tpu.memref_slice %arg14[%add3A_285, %dma_start3A_286] : memref<128x32xf32, #tpu.memory_space<vmem>> -> memref<1x32xf32, #tpu.memory_space<vmem>>
        %dma_start3A_288 = tpu.memref_squeeze %dma_start3A_287 : memref<1x32xf32, #tpu.memory_space<vmem>> -> memref<32xf32, #tpu.memory_space<vmem>>
        %dma_start3A_289 = arith.constant 0 : i32
        %dma_start3A_290 = tpu.memref_slice %arg4[%squeeze3A_281, %dma_start3A_289] : memref<1000000x32xf32, #tpu.memory_space<hbm>> -> memref<1x32xf32, #tpu.memory_space<hbm>>
        %dma_start3A_291 = tpu.memref_squeeze %dma_start3A_290 : memref<1x32xf32, #tpu.memory_space<hbm>> -> memref<32xf32, #tpu.memory_space<hbm>>
        %dma_start3A_292 = arith.constant 0 : i32
        %dma_start3A_293 = tpu.memref_slice %arg14[%add3A_285, %dma_start3A_292] : memref<128x32xf32, #tpu.memory_space<vmem>> -> memref<1x32xf32, #tpu.memory_space<vmem>>
        %dma_start3A_294 = tpu.memref_squeeze %dma_start3A_293 : memref<1x32xf32, #tpu.memory_space<vmem>> -> memref<32xf32, #tpu.memory_space<vmem>>
        %dma_start3A_295 = arith.constant 0 : i32
        %dma_start3A_296 = tpu.memref_slice %arg4[%squeeze3A_281, %dma_start3A_295] : memref<1000000x32xf32, #tpu.memory_space<hbm>> -> memref<1x32xf32, #tpu.memory_space<hbm>>
        %dma_start3A_297 = tpu.memref_squeeze %dma_start3A_296 : memref<1x32xf32, #tpu.memory_space<hbm>> -> memref<32xf32, #tpu.memory_space<hbm>>
        tpu.enqueue_dma source(%dma_start3A_297 : memref<32xf32, #tpu.memory_space<hbm>>) target(%dma_start3A_294 : memref<32xf32, #tpu.memory_space<vmem>>) target_semaphore(%arg18 : memref<!tpu.dma_semaphore, #tpu.memory_space<semaphore_mem>>)
        %add3A_298 = arith.constant 4 : i32
        %add3A_299 = arith.addi %mul3A_35, %add3A_298 : i32
        %dma_start3A_300 = arith.constant 0 : i32
        %dma_start3A_301 = tpu.memref_slice %arg16[%add3A_299, %dma_start3A_300] : memref<128x32xf32, #tpu.memory_space<vmem>> -> memref<1x32xf32, #tpu.memory_space<vmem>>
        %dma_start3A_302 = tpu.memref_squeeze %dma_start3A_301 : memref<1x32xf32, #tpu.memory_space<vmem>> -> memref<32xf32, #tpu.memory_space<vmem>>
        %dma_start3A_303 = arith.constant 0 : i32
        %dma_start3A_304 = tpu.memref_slice %arg6[%squeeze3A_281, %dma_start3A_303] : memref<1000000x32xf32, #tpu.memory_space<hbm>> -> memref<1x32xf32, #tpu.memory_space<hbm>>
        %dma_start3A_305 = tpu.memref_squeeze %dma_start3A_304 : memref<1x32xf32, #tpu.memory_space<hbm>> -> memref<32xf32, #tpu.memory_space<hbm>>
        %dma_start3A_306 = arith.constant 0 : i32
        %dma_start3A_307 = tpu.memref_slice %arg16[%add3A_299, %dma_start3A_306] : memref<128x32xf32, #tpu.memory_space<vmem>> -> memref<1x32xf32, #tpu.memory_space<vmem>>
        %dma_start3A_308 = tpu.memref_squeeze %dma_start3A_307 : memref<1x32xf32, #tpu.memory_space<vmem>> -> memref<32xf32, #tpu.memory_space<vmem>>
        %dma_start3A_309 = arith.constant 0 : i32
        %dma_start3A_310 = tpu.memref_slice %arg6[%squeeze3A_281, %dma_start3A_309] : memref<1000000x32xf32, #tpu.memory_space<hbm>> -> memref<1x32xf32, #tpu.memory_space<hbm>>
        %dma_start3A_311 = tpu.memref_squeeze %dma_start3A_310 : memref<1x32xf32, #tpu.memory_space<hbm>> -> memref<32xf32, #tpu.memory_space<hbm>>
        tpu.enqueue_dma source(%dma_start3A_311 : memref<32xf32, #tpu.memory_space<hbm>>) target(%dma_start3A_308 : memref<32xf32, #tpu.memory_space<vmem>>) target_semaphore(%arg18 : memref<!tpu.dma_semaphore, #tpu.memory_space<semaphore_mem>>)
        %add3A_312 = arith.constant 4 : i32
        %add3A_313 = arith.addi %mul3A_35, %add3A_312 : i32
        %dma_start3A_314 = arith.constant 0 : i32
        %dma_start3A_315 = tpu.memref_slice %arg15[%add3A_313, %dma_start3A_314] : memref<128x32xf32, #tpu.memory_space<vmem>> -> memref<1x32xf32, #tpu.memory_space<vmem>>
        %dma_start3A_316 = tpu.memref_squeeze %dma_start3A_315 : memref<1x32xf32, #tpu.memory_space<vmem>> -> memref<32xf32, #tpu.memory_space<vmem>>
        %dma_start3A_317 = arith.constant 0 : i32
        %dma_start3A_318 = tpu.memref_slice %arg5[%squeeze3A_283, %dma_start3A_317] : memref<1000000x32xf32, #tpu.memory_space<hbm>> -> memref<1x32xf32, #tpu.memory_space<hbm>>
        %dma_start3A_319 = tpu.memref_squeeze %dma_start3A_318 : memref<1x32xf32, #tpu.memory_space<hbm>> -> memref<32xf32, #tpu.memory_space<hbm>>
        %dma_start3A_320 = arith.constant 0 : i32
        %dma_start3A_321 = tpu.memref_slice %arg15[%add3A_313, %dma_start3A_320] : memref<128x32xf32, #tpu.memory_space<vmem>> -> memref<1x32xf32, #tpu.memory_space<vmem>>
        %dma_start3A_322 = tpu.memref_squeeze %dma_start3A_321 : memref<1x32xf32, #tpu.memory_space<vmem>> -> memref<32xf32, #tpu.memory_space<vmem>>
        %dma_start3A_323 = arith.constant 0 : i32
        %dma_start3A_324 = tpu.memref_slice %arg5[%squeeze3A_283, %dma_start3A_323] : memref<1000000x32xf32, #tpu.memory_space<hbm>> -> memref<1x32xf32, #tpu.memory_space<hbm>>
        %dma_start3A_325 = tpu.memref_squeeze %dma_start3A_324 : memref<1x32xf32, #tpu.memory_space<hbm>> -> memref<32xf32, #tpu.memory_space<hbm>>
        tpu.enqueue_dma source(%dma_start3A_325 : memref<32xf32, #tpu.memory_space<hbm>>) target(%dma_start3A_322 : memref<32xf32, #tpu.memory_space<vmem>>) target_semaphore(%arg18 : memref<!tpu.dma_semaphore, #tpu.memory_space<semaphore_mem>>)
        %add3A_326 = arith.constant 4 : i32
        %add3A_327 = arith.addi %mul3A_35, %add3A_326 : i32
        %dma_start3A_328 = arith.constant 0 : i32
        %dma_start3A_329 = tpu.memref_slice %arg17[%add3A_327, %dma_start3A_328] : memref<128x32xf32, #tpu.memory_space<vmem>> -> memref<1x32xf32, #tpu.memory_space<vmem>>
        %dma_start3A_330 = tpu.memref_squeeze %dma_start3A_329 : memref<1x32xf32, #tpu.memory_space<vmem>> -> memref<32xf32, #tpu.memory_space<vmem>>
        %dma_start3A_331 = arith.constant 0 : i32
        %dma_start3A_332 = tpu.memref_slice %arg7[%squeeze3A_283, %dma_start3A_331] : memref<1000000x32xf32, #tpu.memory_space<hbm>> -> memref<1x32xf32, #tpu.memory_space<hbm>>
        %dma_start3A_333 = tpu.memref_squeeze %dma_start3A_332 : memref<1x32xf32, #tpu.memory_space<hbm>> -> memref<32xf32, #tpu.memory_space<hbm>>
        %dma_start3A_334 = arith.constant 0 : i32
        %dma_start3A_335 = tpu.memref_slice %arg17[%add3A_327, %dma_start3A_334] : memref<128x32xf32, #tpu.memory_space<vmem>> -> memref<1x32xf32, #tpu.memory_space<vmem>>
        %dma_start3A_336 = tpu.memref_squeeze %dma_start3A_335 : memref<1x32xf32, #tpu.memory_space<vmem>> -> memref<32xf32, #tpu.memory_space<vmem>>
        %dma_start3A_337 = arith.constant 0 : i32
        %dma_start3A_338 = tpu.memref_slice %arg7[%squeeze3A_283, %dma_start3A_337] : memref<1000000x32xf32, #tpu.memory_space<hbm>> -> memref<1x32xf32, #tpu.memory_space<hbm>>
        %dma_start3A_339 = tpu.memref_squeeze %dma_start3A_338 : memref<1x32xf32, #tpu.memory_space<hbm>> -> memref<32xf32, #tpu.memory_space<hbm>>
        tpu.enqueue_dma source(%dma_start3A_339 : memref<32xf32, #tpu.memory_space<hbm>>) target(%dma_start3A_336 : memref<32xf32, #tpu.memory_space<vmem>>) target_semaphore(%arg18 : memref<!tpu.dma_semaphore, #tpu.memory_space<semaphore_mem>>)
        %slice3A_340 = vector.extract_strided_slice %get3A_38 {offsets = [5], sizes = [1], strides = [1]} : vector<16xi32> to vector<1xi32>
        %squeeze3A_341 = vector.extract %slice3A_340[0] : i32 from vector<1xi32>
        %slice3A_342 = vector.extract_strided_slice %get3A_42 {offsets = [5], sizes = [1], strides = [1]} : vector<16xi32> to vector<1xi32>
        %squeeze3A_343 = vector.extract %slice3A_342[0] : i32 from vector<1xi32>
        %add3A_344 = arith.constant 5 : i32
        %add3A_345 = arith.addi %mul3A_35, %add3A_344 : i32
        %dma_start3A_346 = arith.constant 0 : i32
        %dma_start3A_347 = tpu.memref_slice %arg14[%add3A_345, %dma_start3A_346] : memref<128x32xf32, #tpu.memory_space<vmem>> -> memref<1x32xf32, #tpu.memory_space<vmem>>
        %dma_start3A_348 = tpu.memref_squeeze %dma_start3A_347 : memref<1x32xf32, #tpu.memory_space<vmem>> -> memref<32xf32, #tpu.memory_space<vmem>>
        %dma_start3A_349 = arith.constant 0 : i32
        %dma_start3A_350 = tpu.memref_slice %arg4[%squeeze3A_341, %dma_start3A_349] : memref<1000000x32xf32, #tpu.memory_space<hbm>> -> memref<1x32xf32, #tpu.memory_space<hbm>>
        %dma_start3A_351 = tpu.memref_squeeze %dma_start3A_350 : memref<1x32xf32, #tpu.memory_space<hbm>> -> memref<32xf32, #tpu.memory_space<hbm>>
        %dma_start3A_352 = arith.constant 0 : i32
        %dma_start3A_353 = tpu.memref_slice %arg14[%add3A_345, %dma_start3A_352] : memref<128x32xf32, #tpu.memory_space<vmem>> -> memref<1x32xf32, #tpu.memory_space<vmem>>
        %dma_start3A_354 = tpu.memref_squeeze %dma_start3A_353 : memref<1x32xf32, #tpu.memory_space<vmem>> -> memref<32xf32, #tpu.memory_space<vmem>>
        %dma_start3A_355 = arith.constant 0 : i32
        %dma_start3A_356 = tpu.memref_slice %arg4[%squeeze3A_341, %dma_start3A_355] : memref<1000000x32xf32, #tpu.memory_space<hbm>> -> memref<1x32xf32, #tpu.memory_space<hbm>>
        %dma_start3A_357 = tpu.memref_squeeze %dma_start3A_356 : memref<1x32xf32, #tpu.memory_space<hbm>> -> memref<32xf32, #tpu.memory_space<hbm>>
        tpu.enqueue_dma source(%dma_start3A_357 : memref<32xf32, #tpu.memory_space<hbm>>) target(%dma_start3A_354 : memref<32xf32, #tpu.memory_space<vmem>>) target_semaphore(%arg18 : memref<!tpu.dma_semaphore, #tpu.memory_space<semaphore_mem>>)
        %add3A_358 = arith.constant 5 : i32
        %add3A_359 = arith.addi %mul3A_35, %add3A_358 : i32
        %dma_start3A_360 = arith.constant 0 : i32
        %dma_start3A_361 = tpu.memref_slice %arg16[%add3A_359, %dma_start3A_360] : memref<128x32xf32, #tpu.memory_space<vmem>> -> memref<1x32xf32, #tpu.memory_space<vmem>>
        %dma_start3A_362 = tpu.memref_squeeze %dma_start3A_361 : memref<1x32xf32, #tpu.memory_space<vmem>> -> memref<32xf32, #tpu.memory_space<vmem>>
        %dma_start3A_363 = arith.constant 0 : i32
        %dma_start3A_364 = tpu.memref_slice %arg6[%squeeze3A_341, %dma_start3A_363] : memref<1000000x32xf32, #tpu.memory_space<hbm>> -> memref<1x32xf32, #tpu.memory_space<hbm>>
        %dma_start3A_365 = tpu.memref_squeeze %dma_start3A_364 : memref<1x32xf32, #tpu.memory_space<hbm>> -> memref<32xf32, #tpu.memory_space<hbm>>
        %dma_start3A_366 = arith.constant 0 : i32
        %dma_start3A_367 = tpu.memref_slice %arg16[%add3A_359, %dma_start3A_366] : memref<128x32xf32, #tpu.memory_space<vmem>> -> memref<1x32xf32, #tpu.memory_space<vmem>>
        %dma_start3A_368 = tpu.memref_squeeze %dma_start3A_367 : memref<1x32xf32, #tpu.memory_space<vmem>> -> memref<32xf32, #tpu.memory_space<vmem>>
        %dma_start3A_369 = arith.constant 0 : i32
        %dma_start3A_370 = tpu.memref_slice %arg6[%squeeze3A_341, %dma_start3A_369] : memref<1000000x32xf32, #tpu.memory_space<hbm>> -> memref<1x32xf32, #tpu.memory_space<hbm>>
        %dma_start3A_371 = tpu.memref_squeeze %dma_start3A_370 : memref<1x32xf32, #tpu.memory_space<hbm>> -> memref<32xf32, #tpu.memory_space<hbm>>
        tpu.enqueue_dma source(%dma_start3A_371 : memref<32xf32, #tpu.memory_space<hbm>>) target(%dma_start3A_368 : memref<32xf32, #tpu.memory_space<vmem>>) target_semaphore(%arg18 : memref<!tpu.dma_semaphore, #tpu.memory_space<semaphore_mem>>)
        %add3A_372 = arith.constant 5 : i32
        %add3A_373 = arith.addi %mul3A_35, %add3A_372 : i32
        %dma_start3A_374 = arith.constant 0 : i32
        %dma_start3A_375 = tpu.memref_slice %arg15[%add3A_373, %dma_start3A_374] : memref<128x32xf32, #tpu.memory_space<vmem>> -> memref<1x32xf32, #tpu.memory_space<vmem>>
        %dma_start3A_376 = tpu.memref_squeeze %dma_start3A_375 : memref<1x32xf32, #tpu.memory_space<vmem>> -> memref<32xf32, #tpu.memory_space<vmem>>
        %dma_start3A_377 = arith.constant 0 : i32
        %dma_start3A_378 = tpu.memref_slice %arg5[%squeeze3A_343, %dma_start3A_377] : memref<1000000x32xf32, #tpu.memory_space<hbm>> -> memref<1x32xf32, #tpu.memory_space<hbm>>
        %dma_start3A_379 = tpu.memref_squeeze %dma_start3A_378 : memref<1x32xf32, #tpu.memory_space<hbm>> -> memref<32xf32, #tpu.memory_space<hbm>>
        %dma_start3A_380 = arith.constant 0 : i32
        %dma_start3A_381 = tpu.memref_slice %arg15[%add3A_373, %dma_start3A_380] : memref<128x32xf32, #tpu.memory_space<vmem>> -> memref<1x32xf32, #tpu.memory_space<vmem>>
        %dma_start3A_382 = tpu.memref_squeeze %dma_start3A_381 : memref<1x32xf32, #tpu.memory_space<vmem>> -> memref<32xf32, #tpu.memory_space<vmem>>
        %dma_start3A_383 = arith.constant 0 : i32
        %dma_start3A_384 = tpu.memref_slice %arg5[%squeeze3A_343, %dma_start3A_383] : memref<1000000x32xf32, #tpu.memory_space<hbm>> -> memref<1x32xf32, #tpu.memory_space<hbm>>
        %dma_start3A_385 = tpu.memref_squeeze %dma_start3A_384 : memref<1x32xf32, #tpu.memory_space<hbm>> -> memref<32xf32, #tpu.memory_space<hbm>>
        tpu.enqueue_dma source(%dma_start3A_385 : memref<32xf32, #tpu.memory_space<hbm>>) target(%dma_start3A_382 : memref<32xf32, #tpu.memory_space<vmem>>) target_semaphore(%arg18 : memref<!tpu.dma_semaphore, #tpu.memory_space<semaphore_mem>>)
        %add3A_386 = arith.constant 5 : i32
        %add3A_387 = arith.addi %mul3A_35, %add3A_386 : i32
        %dma_start3A_388 = arith.constant 0 : i32
        %dma_start3A_389 = tpu.memref_slice %arg17[%add3A_387, %dma_start3A_388] : memref<128x32xf32, #tpu.memory_space<vmem>> -> memref<1x32xf32, #tpu.memory_space<vmem>>
        %dma_start3A_390 = tpu.memref_squeeze %dma_start3A_389 : memref<1x32xf32, #tpu.memory_space<vmem>> -> memref<32xf32, #tpu.memory_space<vmem>>
        %dma_start3A_391 = arith.constant 0 : i32
        %dma_start3A_392 = tpu.memref_slice %arg7[%squeeze3A_343, %dma_start3A_391] : memref<1000000x32xf32, #tpu.memory_space<hbm>> -> memref<1x32xf32, #tpu.memory_space<hbm>>
        %dma_start3A_393 = tpu.memref_squeeze %dma_start3A_392 : memref<1x32xf32, #tpu.memory_space<hbm>> -> memref<32xf32, #tpu.memory_space<hbm>>
        %dma_start3A_394 = arith.constant 0 : i32
        %dma_start3A_395 = tpu.memref_slice %arg17[%add3A_387, %dma_start3A_394] : memref<128x32xf32, #tpu.memory_space<vmem>> -> memref<1x32xf32, #tpu.memory_space<vmem>>
        %dma_start3A_396 = tpu.memref_squeeze %dma_start3A_395 : memref<1x32xf32, #tpu.memory_space<vmem>> -> memref<32xf32, #tpu.memory_space<vmem>>
        %dma_start3A_397 = arith.constant 0 : i32
        %dma_start3A_398 = tpu.memref_slice %arg7[%squeeze3A_343, %dma_start3A_397] : memref<1000000x32xf32, #tpu.memory_space<hbm>> -> memref<1x32xf32, #tpu.memory_space<hbm>>
        %dma_start3A_399 = tpu.memref_squeeze %dma_start3A_398 : memref<1x32xf32, #tpu.memory_space<hbm>> -> memref<32xf32, #tpu.memory_space<hbm>>
        tpu.enqueue_dma source(%dma_start3A_399 : memref<32xf32, #tpu.memory_space<hbm>>) target(%dma_start3A_396 : memref<32xf32, #tpu.memory_space<vmem>>) target_semaphore(%arg18 : memref<!tpu.dma_semaphore, #tpu.memory_space<semaphore_mem>>)
        %slice3A_400 = vector.extract_strided_slice %get3A_38 {offsets = [6], sizes = [1], strides = [1]} : vector<16xi32> to vector<1xi32>
        %squeeze3A_401 = vector.extract %slice3A_400[0] : i32 from vector<1xi32>
        %slice3A_402 = vector.extract_strided_slice %get3A_42 {offsets = [6], sizes = [1], strides = [1]} : vector<16xi32> to vector<1xi32>
        %squeeze3A_403 = vector.extract %slice3A_402[0] : i32 from vector<1xi32>
        %add3A_404 = arith.constant 6 : i32
        %add3A_405 = arith.addi %mul3A_35, %add3A_404 : i32
        %dma_start3A_406 = arith.constant 0 : i32
        %dma_start3A_407 = tpu.memref_slice %arg14[%add3A_405, %dma_start3A_406] : memref<128x32xf32, #tpu.memory_space<vmem>> -> memref<1x32xf32, #tpu.memory_space<vmem>>
        %dma_start3A_408 = tpu.memref_squeeze %dma_start3A_407 : memref<1x32xf32, #tpu.memory_space<vmem>> -> memref<32xf32, #tpu.memory_space<vmem>>
        %dma_start3A_409 = arith.constant 0 : i32
        %dma_start3A_410 = tpu.memref_slice %arg4[%squeeze3A_401, %dma_start3A_409] : memref<1000000x32xf32, #tpu.memory_space<hbm>> -> memref<1x32xf32, #tpu.memory_space<hbm>>
        %dma_start3A_411 = tpu.memref_squeeze %dma_start3A_410 : memref<1x32xf32, #tpu.memory_space<hbm>> -> memref<32xf32, #tpu.memory_space<hbm>>
        %dma_start3A_412 = arith.constant 0 : i32
        %dma_start3A_413 = tpu.memref_slice %arg14[%add3A_405, %dma_start3A_412] : memref<128x32xf32, #tpu.memory_space<vmem>> -> memref<1x32xf32, #tpu.memory_space<vmem>>
        %dma_start3A_414 = tpu.memref_squeeze %dma_start3A_413 : memref<1x32xf32, #tpu.memory_space<vmem>> -> memref<32xf32, #tpu.memory_space<vmem>>
        %dma_start3A_415 = arith.constant 0 : i32
        %dma_start3A_416 = tpu.memref_slice %arg4[%squeeze3A_401, %dma_start3A_415] : memref<1000000x32xf32, #tpu.memory_space<hbm>> -> memref<1x32xf32, #tpu.memory_space<hbm>>
        %dma_start3A_417 = tpu.memref_squeeze %dma_start3A_416 : memref<1x32xf32, #tpu.memory_space<hbm>> -> memref<32xf32, #tpu.memory_space<hbm>>
        tpu.enqueue_dma source(%dma_start3A_417 : memref<32xf32, #tpu.memory_space<hbm>>) target(%dma_start3A_414 : memref<32xf32, #tpu.memory_space<vmem>>) target_semaphore(%arg18 : memref<!tpu.dma_semaphore, #tpu.memory_space<semaphore_mem>>)
        %add3A_418 = arith.constant 6 : i32
        %add3A_419 = arith.addi %mul3A_35, %add3A_418 : i32
        %dma_start3A_420 = arith.constant 0 : i32
        %dma_start3A_421 = tpu.memref_slice %arg16[%add3A_419, %dma_start3A_420] : memref<128x32xf32, #tpu.memory_space<vmem>> -> memref<1x32xf32, #tpu.memory_space<vmem>>
        %dma_start3A_422 = tpu.memref_squeeze %dma_start3A_421 : memref<1x32xf32, #tpu.memory_space<vmem>> -> memref<32xf32, #tpu.memory_space<vmem>>
        %dma_start3A_423 = arith.constant 0 : i32
        %dma_start3A_424 = tpu.memref_slice %arg6[%squeeze3A_401, %dma_start3A_423] : memref<1000000x32xf32, #tpu.memory_space<hbm>> -> memref<1x32xf32, #tpu.memory_space<hbm>>
        %dma_start3A_425 = tpu.memref_squeeze %dma_start3A_424 : memref<1x32xf32, #tpu.memory_space<hbm>> -> memref<32xf32, #tpu.memory_space<hbm>>
        %dma_start3A_426 = arith.constant 0 : i32
        %dma_start3A_427 = tpu.memref_slice %arg16[%add3A_419, %dma_start3A_426] : memref<128x32xf32, #tpu.memory_space<vmem>> -> memref<1x32xf32, #tpu.memory_space<vmem>>
        %dma_start3A_428 = tpu.memref_squeeze %dma_start3A_427 : memref<1x32xf32, #tpu.memory_space<vmem>> -> memref<32xf32, #tpu.memory_space<vmem>>
        %dma_start3A_429 = arith.constant 0 : i32
        %dma_start3A_430 = tpu.memref_slice %arg6[%squeeze3A_401, %dma_start3A_429] : memref<1000000x32xf32, #tpu.memory_space<hbm>> -> memref<1x32xf32, #tpu.memory_space<hbm>>
        %dma_start3A_431 = tpu.memref_squeeze %dma_start3A_430 : memref<1x32xf32, #tpu.memory_space<hbm>> -> memref<32xf32, #tpu.memory_space<hbm>>
        tpu.enqueue_dma source(%dma_start3A_431 : memref<32xf32, #tpu.memory_space<hbm>>) target(%dma_start3A_428 : memref<32xf32, #tpu.memory_space<vmem>>) target_semaphore(%arg18 : memref<!tpu.dma_semaphore, #tpu.memory_space<semaphore_mem>>)
        %add3A_432 = arith.constant 6 : i32
        %add3A_433 = arith.addi %mul3A_35, %add3A_432 : i32
        %dma_start3A_434 = arith.constant 0 : i32
        %dma_start3A_435 = tpu.memref_slice %arg15[%add3A_433, %dma_start3A_434] : memref<128x32xf32, #tpu.memory_space<vmem>> -> memref<1x32xf32, #tpu.memory_space<vmem>>
        %dma_start3A_436 = tpu.memref_squeeze %dma_start3A_435 : memref<1x32xf32, #tpu.memory_space<vmem>> -> memref<32xf32, #tpu.memory_space<vmem>>
        %dma_start3A_437 = arith.constant 0 : i32
        %dma_start3A_438 = tpu.memref_slice %arg5[%squeeze3A_403, %dma_start3A_437] : memref<1000000x32xf32, #tpu.memory_space<hbm>> -> memref<1x32xf32, #tpu.memory_space<hbm>>
        %dma_start3A_439 = tpu.memref_squeeze %dma_start3A_438 : memref<1x32xf32, #tpu.memory_space<hbm>> -> memref<32xf32, #tpu.memory_space<hbm>>
        %dma_start3A_440 = arith.constant 0 : i32
        %dma_start3A_441 = tpu.memref_slice %arg15[%add3A_433, %dma_start3A_440] : memref<128x32xf32, #tpu.memory_space<vmem>> -> memref<1x32xf32, #tpu.memory_space<vmem>>
        %dma_start3A_442 = tpu.memref_squeeze %dma_start3A_441 : memref<1x32xf32, #tpu.memory_space<vmem>> -> memref<32xf32, #tpu.memory_space<vmem>>
        %dma_start3A_443 = arith.constant 0 : i32
        %dma_start3A_444 = tpu.memref_slice %arg5[%squeeze3A_403, %dma_start3A_443] : memref<1000000x32xf32, #tpu.memory_space<hbm>> -> memref<1x32xf32, #tpu.memory_space<hbm>>
        %dma_start3A_445 = tpu.memref_squeeze %dma_start3A_444 : memref<1x32xf32, #tpu.memory_space<hbm>> -> memref<32xf32, #tpu.memory_space<hbm>>
        tpu.enqueue_dma source(%dma_start3A_445 : memref<32xf32, #tpu.memory_space<hbm>>) target(%dma_start3A_442 : memref<32xf32, #tpu.memory_space<vmem>>) target_semaphore(%arg18 : memref<!tpu.dma_semaphore, #tpu.memory_space<semaphore_mem>>)
        %add3A_446 = arith.constant 6 : i32
        %add3A_447 = arith.addi %mul3A_35, %add3A_446 : i32
        %dma_start3A_448 = arith.constant 0 : i32
        %dma_start3A_449 = tpu.memref_slice %arg17[%add3A_447, %dma_start3A_448] : memref<128x32xf32, #tpu.memory_space<vmem>> -> memref<1x32xf32, #tpu.memory_space<vmem>>
        %dma_start3A_450 = tpu.memref_squeeze %dma_start3A_449 : memref<1x32xf32, #tpu.memory_space<vmem>> -> memref<32xf32, #tpu.memory_space<vmem>>
        %dma_start3A_451 = arith.constant 0 : i32
        %dma_start3A_452 = tpu.memref_slice %arg7[%squeeze3A_403, %dma_start3A_451] : memref<1000000x32xf32, #tpu.memory_space<hbm>> -> memref<1x32xf32, #tpu.memory_space<hbm>>
        %dma_start3A_453 = tpu.memref_squeeze %dma_start3A_452 : memref<1x32xf32, #tpu.memory_space<hbm>> -> memref<32xf32, #tpu.memory_space<hbm>>
        %dma_start3A_454 = arith.constant 0 : i32
        %dma_start3A_455 = tpu.memref_slice %arg17[%add3A_447, %dma_start3A_454] : memref<128x32xf32, #tpu.memory_space<vmem>> -> memref<1x32xf32, #tpu.memory_space<vmem>>
        %dma_start3A_456 = tpu.memref_squeeze %dma_start3A_455 : memref<1x32xf32, #tpu.memory_space<vmem>> -> memref<32xf32, #tpu.memory_space<vmem>>
        %dma_start3A_457 = arith.constant 0 : i32
        %dma_start3A_458 = tpu.memref_slice %arg7[%squeeze3A_403, %dma_start3A_457] : memref<1000000x32xf32, #tpu.memory_space<hbm>> -> memref<1x32xf32, #tpu.memory_space<hbm>>
        %dma_start3A_459 = tpu.memref_squeeze %dma_start3A_458 : memref<1x32xf32, #tpu.memory_space<hbm>> -> memref<32xf32, #tpu.memory_space<hbm>>
        tpu.enqueue_dma source(%dma_start3A_459 : memref<32xf32, #tpu.memory_space<hbm>>) target(%dma_start3A_456 : memref<32xf32, #tpu.memory_space<vmem>>) target_semaphore(%arg18 : memref<!tpu.dma_semaphore, #tpu.memory_space<semaphore_mem>>)
        %slice3A_460 = vector.extract_strided_slice %get3A_38 {offsets = [7], sizes = [1], strides = [1]} : vector<16xi32> to vector<1xi32>
        %squeeze3A_461 = vector.extract %slice3A_460[0] : i32 from vector<1xi32>
        %slice3A_462 = vector.extract_strided_slice %get3A_42 {offsets = [7], sizes = [1], strides = [1]} : vector<16xi32> to vector<1xi32>
        %squeeze3A_463 = vector.extract %slice3A_462[0] : i32 from vector<1xi32>
        %add3A_464 = arith.constant 7 : i32
        %add3A_465 = arith.addi %mul3A_35, %add3A_464 : i32
        %dma_start3A_466 = arith.constant 0 : i32
        %dma_start3A_467 = tpu.memref_slice %arg14[%add3A_465, %dma_start3A_466] : memref<128x32xf32, #tpu.memory_space<vmem>> -> memref<1x32xf32, #tpu.memory_space<vmem>>
        %dma_start3A_468 = tpu.memref_squeeze %dma_start3A_467 : memref<1x32xf32, #tpu.memory_space<vmem>> -> memref<32xf32, #tpu.memory_space<vmem>>
        %dma_start3A_469 = arith.constant 0 : i32
        %dma_start3A_470 = tpu.memref_slice %arg4[%squeeze3A_461, %dma_start3A_469] : memref<1000000x32xf32, #tpu.memory_space<hbm>> -> memref<1x32xf32, #tpu.memory_space<hbm>>
        %dma_start3A_471 = tpu.memref_squeeze %dma_start3A_470 : memref<1x32xf32, #tpu.memory_space<hbm>> -> memref<32xf32, #tpu.memory_space<hbm>>
        %dma_start3A_472 = arith.constant 0 : i32
        %dma_start3A_473 = tpu.memref_slice %arg14[%add3A_465, %dma_start3A_472] : memref<128x32xf32, #tpu.memory_space<vmem>> -> memref<1x32xf32, #tpu.memory_space<vmem>>
        %dma_start3A_474 = tpu.memref_squeeze %dma_start3A_473 : memref<1x32xf32, #tpu.memory_space<vmem>> -> memref<32xf32, #tpu.memory_space<vmem>>
        %dma_start3A_475 = arith.constant 0 : i32
        %dma_start3A_476 = tpu.memref_slice %arg4[%squeeze3A_461, %dma_start3A_475] : memref<1000000x32xf32, #tpu.memory_space<hbm>> -> memref<1x32xf32, #tpu.memory_space<hbm>>
        %dma_start3A_477 = tpu.memref_squeeze %dma_start3A_476 : memref<1x32xf32, #tpu.memory_space<hbm>> -> memref<32xf32, #tpu.memory_space<hbm>>
        tpu.enqueue_dma source(%dma_start3A_477 : memref<32xf32, #tpu.memory_space<hbm>>) target(%dma_start3A_474 : memref<32xf32, #tpu.memory_space<vmem>>) target_semaphore(%arg18 : memref<!tpu.dma_semaphore, #tpu.memory_space<semaphore_mem>>)
        %add3A_478 = arith.constant 7 : i32
        %add3A_479 = arith.addi %mul3A_35, %add3A_478 : i32
        %dma_start3A_480 = arith.constant 0 : i32
        %dma_start3A_481 = tpu.memref_slice %arg16[%add3A_479, %dma_start3A_480] : memref<128x32xf32, #tpu.memory_space<vmem>> -> memref<1x32xf32, #tpu.memory_space<vmem>>
        %dma_start3A_482 = tpu.memref_squeeze %dma_start3A_481 : memref<1x32xf32, #tpu.memory_space<vmem>> -> memref<32xf32, #tpu.memory_space<vmem>>
        %dma_start3A_483 = arith.constant 0 : i32
        %dma_start3A_484 = tpu.memref_slice %arg6[%squeeze3A_461, %dma_start3A_483] : memref<1000000x32xf32, #tpu.memory_space<hbm>> -> memref<1x32xf32, #tpu.memory_space<hbm>>
        %dma_start3A_485 = tpu.memref_squeeze %dma_start3A_484 : memref<1x32xf32, #tpu.memory_space<hbm>> -> memref<32xf32, #tpu.memory_space<hbm>>
        %dma_start3A_486 = arith.constant 0 : i32
        %dma_start3A_487 = tpu.memref_slice %arg16[%add3A_479, %dma_start3A_486] : memref<128x32xf32, #tpu.memory_space<vmem>> -> memref<1x32xf32, #tpu.memory_space<vmem>>
        %dma_start3A_488 = tpu.memref_squeeze %dma_start3A_487 : memref<1x32xf32, #tpu.memory_space<vmem>> -> memref<32xf32, #tpu.memory_space<vmem>>
        %dma_start3A_489 = arith.constant 0 : i32
        %dma_start3A_490 = tpu.memref_slice %arg6[%squeeze3A_461, %dma_start3A_489] : memref<1000000x32xf32, #tpu.memory_space<hbm>> -> memref<1x32xf32, #tpu.memory_space<hbm>>
        %dma_start3A_491 = tpu.memref_squeeze %dma_start3A_490 : memref<1x32xf32, #tpu.memory_space<hbm>> -> memref<32xf32, #tpu.memory_space<hbm>>
        tpu.enqueue_dma source(%dma_start3A_491 : memref<32xf32, #tpu.memory_space<hbm>>) target(%dma_start3A_488 : memref<32xf32, #tpu.memory_space<vmem>>) target_semaphore(%arg18 : memref<!tpu.dma_semaphore, #tpu.memory_space<semaphore_mem>>)
        %add3A_492 = arith.constant 7 : i32
        %add3A_493 = arith.addi %mul3A_35, %add3A_492 : i32
        %dma_start3A_494 = arith.constant 0 : i32
        %dma_start3A_495 = tpu.memref_slice %arg15[%add3A_493, %dma_start3A_494] : memref<128x32xf32, #tpu.memory_space<vmem>> -> memref<1x32xf32, #tpu.memory_space<vmem>>
        %dma_start3A_496 = tpu.memref_squeeze %dma_start3A_495 : memref<1x32xf32, #tpu.memory_space<vmem>> -> memref<32xf32, #tpu.memory_space<vmem>>
        %dma_start3A_497 = arith.constant 0 : i32
        %dma_start3A_498 = tpu.memref_slice %arg5[%squeeze3A_463, %dma_start3A_497] : memref<1000000x32xf32, #tpu.memory_space<hbm>> -> memref<1x32xf32, #tpu.memory_space<hbm>>
        %dma_start3A_499 = tpu.memref_squeeze %dma_start3A_498 : memref<1x32xf32, #tpu.memory_space<hbm>> -> memref<32xf32, #tpu.memory_space<hbm>>
        %dma_start3A_500 = arith.constant 0 : i32
        %dma_start3A_501 = tpu.memref_slice %arg15[%add3A_493, %dma_start3A_500] : memref<128x32xf32, #tpu.memory_space<vmem>> -> memref<1x32xf32, #tpu.memory_space<vmem>>
        %dma_start3A_502 = tpu.memref_squeeze %dma_start3A_501 : memref<1x32xf32, #tpu.memory_space<vmem>> -> memref<32xf32, #tpu.memory_space<vmem>>
        %dma_start3A_503 = arith.constant 0 : i32
        %dma_start3A_504 = tpu.memref_slice %arg5[%squeeze3A_463, %dma_start3A_503] : memref<1000000x32xf32, #tpu.memory_space<hbm>> -> memref<1x32xf32, #tpu.memory_space<hbm>>
        %dma_start3A_505 = tpu.memref_squeeze %dma_start3A_504 : memref<1x32xf32, #tpu.memory_space<hbm>> -> memref<32xf32, #tpu.memory_space<hbm>>
        tpu.enqueue_dma source(%dma_start3A_505 : memref<32xf32, #tpu.memory_space<hbm>>) target(%dma_start3A_502 : memref<32xf32, #tpu.memory_space<vmem>>) target_semaphore(%arg18 : memref<!tpu.dma_semaphore, #tpu.memory_space<semaphore_mem>>)
        %add3A_506 = arith.constant 7 : i32
        %add3A_507 = arith.addi %mul3A_35, %add3A_506 : i32
        %dma_start3A_508 = arith.constant 0 : i32
        %dma_start3A_509 = tpu.memref_slice %arg17[%add3A_507, %dma_start3A_508] : memref<128x32xf32, #tpu.memory_space<vmem>> -> memref<1x32xf32, #tpu.memory_space<vmem>>
        %dma_start3A_510 = tpu.memref_squeeze %dma_start3A_509 : memref<1x32xf32, #tpu.memory_space<vmem>> -> memref<32xf32, #tpu.memory_space<vmem>>
        %dma_start3A_511 = arith.constant 0 : i32
        %dma_start3A_512 = tpu.memref_slice %arg7[%squeeze3A_463, %dma_start3A_511] : memref<1000000x32xf32, #tpu.memory_space<hbm>> -> memref<1x32xf32, #tpu.memory_space<hbm>>
        %dma_start3A_513 = tpu.memref_squeeze %dma_start3A_512 : memref<1x32xf32, #tpu.memory_space<hbm>> -> memref<32xf32, #tpu.memory_space<hbm>>
        %dma_start3A_514 = arith.constant 0 : i32
        %dma_start3A_515 = tpu.memref_slice %arg17[%add3A_507, %dma_start3A_514] : memref<128x32xf32, #tpu.memory_space<vmem>> -> memref<1x32xf32, #tpu.memory_space<vmem>>
        %dma_start3A_516 = tpu.memref_squeeze %dma_start3A_515 : memref<1x32xf32, #tpu.memory_space<vmem>> -> memref<32xf32, #tpu.memory_space<vmem>>
        %dma_start3A_517 = arith.constant 0 : i32
        %dma_start3A_518 = tpu.memref_slice %arg7[%squeeze3A_463, %dma_start3A_517] : memref<1000000x32xf32, #tpu.memory_space<hbm>> -> memref<1x32xf32, #tpu.memory_space<hbm>>
        %dma_start3A_519 = tpu.memref_squeeze %dma_start3A_518 : memref<1x32xf32, #tpu.memory_space<hbm>> -> memref<32xf32, #tpu.memory_space<hbm>>
        tpu.enqueue_dma source(%dma_start3A_519 : memref<32xf32, #tpu.memory_space<hbm>>) target(%dma_start3A_516 : memref<32xf32, #tpu.memory_space<vmem>>) target_semaphore(%arg18 : memref<!tpu.dma_semaphore, #tpu.memory_space<semaphore_mem>>)
        %slice3A_520 = vector.extract_strided_slice %get3A_38 {offsets = [8], sizes = [1], strides = [1]} : vector<16xi32> to vector<1xi32>
        %squeeze3A_521 = vector.extract %slice3A_520[0] : i32 from vector<1xi32>
        %slice3A_522 = vector.extract_strided_slice %get3A_42 {offsets = [8], sizes = [1], strides = [1]} : vector<16xi32> to vector<1xi32>
        %squeeze3A_523 = vector.extract %slice3A_522[0] : i32 from vector<1xi32>
        %add3A_524 = arith.constant 8 : i32
        %add3A_525 = arith.addi %mul3A_35, %add3A_524 : i32
        %dma_start3A_526 = arith.constant 0 : i32
        %dma_start3A_527 = tpu.memref_slice %arg14[%add3A_525, %dma_start3A_526] : memref<128x32xf32, #tpu.memory_space<vmem>> -> memref<1x32xf32, #tpu.memory_space<vmem>>
        %dma_start3A_528 = tpu.memref_squeeze %dma_start3A_527 : memref<1x32xf32, #tpu.memory_space<vmem>> -> memref<32xf32, #tpu.memory_space<vmem>>
        %dma_start3A_529 = arith.constant 0 : i32
        %dma_start3A_530 = tpu.memref_slice %arg4[%squeeze3A_521, %dma_start3A_529] : memref<1000000x32xf32, #tpu.memory_space<hbm>> -> memref<1x32xf32, #tpu.memory_space<hbm>>
        %dma_start3A_531 = tpu.memref_squeeze %dma_start3A_530 : memref<1x32xf32, #tpu.memory_space<hbm>> -> memref<32xf32, #tpu.memory_space<hbm>>
        %dma_start3A_532 = arith.constant 0 : i32
        %dma_start3A_533 = tpu.memref_slice %arg14[%add3A_525, %dma_start3A_532] : memref<128x32xf32, #tpu.memory_space<vmem>> -> memref<1x32xf32, #tpu.memory_space<vmem>>
        %dma_start3A_534 = tpu.memref_squeeze %dma_start3A_533 : memref<1x32xf32, #tpu.memory_space<vmem>> -> memref<32xf32, #tpu.memory_space<vmem>>
        %dma_start3A_535 = arith.constant 0 : i32
        %dma_start3A_536 = tpu.memref_slice %arg4[%squeeze3A_521, %dma_start3A_535] : memref<1000000x32xf32, #tpu.memory_space<hbm>> -> memref<1x32xf32, #tpu.memory_space<hbm>>
        %dma_start3A_537 = tpu.memref_squeeze %dma_start3A_536 : memref<1x32xf32, #tpu.memory_space<hbm>> -> memref<32xf32, #tpu.memory_space<hbm>>
        tpu.enqueue_dma source(%dma_start3A_537 : memref<32xf32, #tpu.memory_space<hbm>>) target(%dma_start3A_534 : memref<32xf32, #tpu.memory_space<vmem>>) target_semaphore(%arg18 : memref<!tpu.dma_semaphore, #tpu.memory_space<semaphore_mem>>)
        %add3A_538 = arith.constant 8 : i32
        %add3A_539 = arith.addi %mul3A_35, %add3A_538 : i32
        %dma_start3A_540 = arith.constant 0 : i32
        %dma_start3A_541 = tpu.memref_slice %arg16[%add3A_539, %dma_start3A_540] : memref<128x32xf32, #tpu.memory_space<vmem>> -> memref<1x32xf32, #tpu.memory_space<vmem>>
        %dma_start3A_542 = tpu.memref_squeeze %dma_start3A_541 : memref<1x32xf32, #tpu.memory_space<vmem>> -> memref<32xf32, #tpu.memory_space<vmem>>
        %dma_start3A_543 = arith.constant 0 : i32
        %dma_start3A_544 = tpu.memref_slice %arg6[%squeeze3A_521, %dma_start3A_543] : memref<1000000x32xf32, #tpu.memory_space<hbm>> -> memref<1x32xf32, #tpu.memory_space<hbm>>
        %dma_start3A_545 = tpu.memref_squeeze %dma_start3A_544 : memref<1x32xf32, #tpu.memory_space<hbm>> -> memref<32xf32, #tpu.memory_space<hbm>>
        %dma_start3A_546 = arith.constant 0 : i32
        %dma_start3A_547 = tpu.memref_slice %arg16[%add3A_539, %dma_start3A_546] : memref<128x32xf32, #tpu.memory_space<vmem>> -> memref<1x32xf32, #tpu.memory_space<vmem>>
        %dma_start3A_548 = tpu.memref_squeeze %dma_start3A_547 : memref<1x32xf32, #tpu.memory_space<vmem>> -> memref<32xf32, #tpu.memory_space<vmem>>
        %dma_start3A_549 = arith.constant 0 : i32
        %dma_start3A_550 = tpu.memref_slice %arg6[%squeeze3A_521, %dma_start3A_549] : memref<1000000x32xf32, #tpu.memory_space<hbm>> -> memref<1x32xf32, #tpu.memory_space<hbm>>
        %dma_start3A_551 = tpu.memref_squeeze %dma_start3A_550 : memref<1x32xf32, #tpu.memory_space<hbm>> -> memref<32xf32, #tpu.memory_space<hbm>>
        tpu.enqueue_dma source(%dma_start3A_551 : memref<32xf32, #tpu.memory_space<hbm>>) target(%dma_start3A_548 : memref<32xf32, #tpu.memory_space<vmem>>) target_semaphore(%arg18 : memref<!tpu.dma_semaphore, #tpu.memory_space<semaphore_mem>>)
        %add3A_552 = arith.constant 8 : i32
        %add3A_553 = arith.addi %mul3A_35, %add3A_552 : i32
        %dma_start3A_554 = arith.constant 0 : i32
        %dma_start3A_555 = tpu.memref_slice %arg15[%add3A_553, %dma_start3A_554] : memref<128x32xf32, #tpu.memory_space<vmem>> -> memref<1x32xf32, #tpu.memory_space<vmem>>
        %dma_start3A_556 = tpu.memref_squeeze %dma_start3A_555 : memref<1x32xf32, #tpu.memory_space<vmem>> -> memref<32xf32, #tpu.memory_space<vmem>>
        %dma_start3A_557 = arith.constant 0 : i32
        %dma_start3A_558 = tpu.memref_slice %arg5[%squeeze3A_523, %dma_start3A_557] : memref<1000000x32xf32, #tpu.memory_space<hbm>> -> memref<1x32xf32, #tpu.memory_space<hbm>>
        %dma_start3A_559 = tpu.memref_squeeze %dma_start3A_558 : memref<1x32xf32, #tpu.memory_space<hbm>> -> memref<32xf32, #tpu.memory_space<hbm>>
        %dma_start3A_560 = arith.constant 0 : i32
        %dma_start3A_561 = tpu.memref_slice %arg15[%add3A_553, %dma_start3A_560] : memref<128x32xf32, #tpu.memory_space<vmem>> -> memref<1x32xf32, #tpu.memory_space<vmem>>
        %dma_start3A_562 = tpu.memref_squeeze %dma_start3A_561 : memref<1x32xf32, #tpu.memory_space<vmem>> -> memref<32xf32, #tpu.memory_space<vmem>>
        %dma_start3A_563 = arith.constant 0 : i32
        %dma_start3A_564 = tpu.memref_slice %arg5[%squeeze3A_523, %dma_start3A_563] : memref<1000000x32xf32, #tpu.memory_space<hbm>> -> memref<1x32xf32, #tpu.memory_space<hbm>>
        %dma_start3A_565 = tpu.memref_squeeze %dma_start3A_564 : memref<1x32xf32, #tpu.memory_space<hbm>> -> memref<32xf32, #tpu.memory_space<hbm>>
        tpu.enqueue_dma source(%dma_start3A_565 : memref<32xf32, #tpu.memory_space<hbm>>) target(%dma_start3A_562 : memref<32xf32, #tpu.memory_space<vmem>>) target_semaphore(%arg18 : memref<!tpu.dma_semaphore, #tpu.memory_space<semaphore_mem>>)
        %add3A_566 = arith.constant 8 : i32
        %add3A_567 = arith.addi %mul3A_35, %add3A_566 : i32
        %dma_start3A_568 = arith.constant 0 : i32
        %dma_start3A_569 = tpu.memref_slice %arg17[%add3A_567, %dma_start3A_568] : memref<128x32xf32, #tpu.memory_space<vmem>> -> memref<1x32xf32, #tpu.memory_space<vmem>>
        %dma_start3A_570 = tpu.memref_squeeze %dma_start3A_569 : memref<1x32xf32, #tpu.memory_space<vmem>> -> memref<32xf32, #tpu.memory_space<vmem>>
        %dma_start3A_571 = arith.constant 0 : i32
        %dma_start3A_572 = tpu.memref_slice %arg7[%squeeze3A_523, %dma_start3A_571] : memref<1000000x32xf32, #tpu.memory_space<hbm>> -> memref<1x32xf32, #tpu.memory_space<hbm>>
        %dma_start3A_573 = tpu.memref_squeeze %dma_start3A_572 : memref<1x32xf32, #tpu.memory_space<hbm>> -> memref<32xf32, #tpu.memory_space<hbm>>
        %dma_start3A_574 = arith.constant 0 : i32
        %dma_start3A_575 = tpu.memref_slice %arg17[%add3A_567, %dma_start3A_574] : memref<128x32xf32, #tpu.memory_space<vmem>> -> memref<1x32xf32, #tpu.memory_space<vmem>>
        %dma_start3A_576 = tpu.memref_squeeze %dma_start3A_575 : memref<1x32xf32, #tpu.memory_space<vmem>> -> memref<32xf32, #tpu.memory_space<vmem>>
        %dma_start3A_577 = arith.constant 0 : i32
        %dma_start3A_578 = tpu.memref_slice %arg7[%squeeze3A_523, %dma_start3A_577] : memref<1000000x32xf32, #tpu.memory_space<hbm>> -> memref<1x32xf32, #tpu.memory_space<hbm>>
        %dma_start3A_579 = tpu.memref_squeeze %dma_start3A_578 : memref<1x32xf32, #tpu.memory_space<hbm>> -> memref<32xf32, #tpu.memory_space<hbm>>
        tpu.enqueue_dma source(%dma_start3A_579 : memref<32xf32, #tpu.memory_space<hbm>>) target(%dma_start3A_576 : memref<32xf32, #tpu.memory_space<vmem>>) target_semaphore(%arg18 : memref<!tpu.dma_semaphore, #tpu.memory_space<semaphore_mem>>)
        %slice3A_580 = vector.extract_strided_slice %get3A_38 {offsets = [9], sizes = [1], strides = [1]} : vector<16xi32> to vector<1xi32>
        %squeeze3A_581 = vector.extract %slice3A_580[0] : i32 from vector<1xi32>
        %slice3A_582 = vector.extract_strided_slice %get3A_42 {offsets = [9], sizes = [1], strides = [1]} : vector<16xi32> to vector<1xi32>
        %squeeze3A_583 = vector.extract %slice3A_582[0] : i32 from vector<1xi32>
        %add3A_584 = arith.constant 9 : i32
        %add3A_585 = arith.addi %mul3A_35, %add3A_584 : i32
        %dma_start3A_586 = arith.constant 0 : i32
        %dma_start3A_587 = tpu.memref_slice %arg14[%add3A_585, %dma_start3A_586] : memref<128x32xf32, #tpu.memory_space<vmem>> -> memref<1x32xf32, #tpu.memory_space<vmem>>
        %dma_start3A_588 = tpu.memref_squeeze %dma_start3A_587 : memref<1x32xf32, #tpu.memory_space<vmem>> -> memref<32xf32, #tpu.memory_space<vmem>>
        %dma_start3A_589 = arith.constant 0 : i32
        %dma_start3A_590 = tpu.memref_slice %arg4[%squeeze3A_581, %dma_start3A_589] : memref<1000000x32xf32, #tpu.memory_space<hbm>> -> memref<1x32xf32, #tpu.memory_space<hbm>>
        %dma_start3A_591 = tpu.memref_squeeze %dma_start3A_590 : memref<1x32xf32, #tpu.memory_space<hbm>> -> memref<32xf32, #tpu.memory_space<hbm>>
        %dma_start3A_592 = arith.constant 0 : i32
        %dma_start3A_593 = tpu.memref_slice %arg14[%add3A_585, %dma_start3A_592] : memref<128x32xf32, #tpu.memory_space<vmem>> -> memref<1x32xf32, #tpu.memory_space<vmem>>
        %dma_start3A_594 = tpu.memref_squeeze %dma_start3A_593 : memref<1x32xf32, #tpu.memory_space<vmem>> -> memref<32xf32, #tpu.memory_space<vmem>>
        %dma_start3A_595 = arith.constant 0 : i32
        %dma_start3A_596 = tpu.memref_slice %arg4[%squeeze3A_581, %dma_start3A_595] : memref<1000000x32xf32, #tpu.memory_space<hbm>> -> memref<1x32xf32, #tpu.memory_space<hbm>>
        %dma_start3A_597 = tpu.memref_squeeze %dma_start3A_596 : memref<1x32xf32, #tpu.memory_space<hbm>> -> memref<32xf32, #tpu.memory_space<hbm>>
        tpu.enqueue_dma source(%dma_start3A_597 : memref<32xf32, #tpu.memory_space<hbm>>) target(%dma_start3A_594 : memref<32xf32, #tpu.memory_space<vmem>>) target_semaphore(%arg18 : memref<!tpu.dma_semaphore, #tpu.memory_space<semaphore_mem>>)
        %add3A_598 = arith.constant 9 : i32
        %add3A_599 = arith.addi %mul3A_35, %add3A_598 : i32
        %dma_start3A_600 = arith.constant 0 : i32
        %dma_start3A_601 = tpu.memref_slice %arg16[%add3A_599, %dma_start3A_600] : memref<128x32xf32, #tpu.memory_space<vmem>> -> memref<1x32xf32, #tpu.memory_space<vmem>>
        %dma_start3A_602 = tpu.memref_squeeze %dma_start3A_601 : memref<1x32xf32, #tpu.memory_space<vmem>> -> memref<32xf32, #tpu.memory_space<vmem>>
        %dma_start3A_603 = arith.constant 0 : i32
        %dma_start3A_604 = tpu.memref_slice %arg6[%squeeze3A_581, %dma_start3A_603] : memref<1000000x32xf32, #tpu.memory_space<hbm>> -> memref<1x32xf32, #tpu.memory_space<hbm>>
        %dma_start3A_605 = tpu.memref_squeeze %dma_start3A_604 : memref<1x32xf32, #tpu.memory_space<hbm>> -> memref<32xf32, #tpu.memory_space<hbm>>
        %dma_start3A_606 = arith.constant 0 : i32
        %dma_start3A_607 = tpu.memref_slice %arg16[%add3A_599, %dma_start3A_606] : memref<128x32xf32, #tpu.memory_space<vmem>> -> memref<1x32xf32, #tpu.memory_space<vmem>>
        %dma_start3A_608 = tpu.memref_squeeze %dma_start3A_607 : memref<1x32xf32, #tpu.memory_space<vmem>> -> memref<32xf32, #tpu.memory_space<vmem>>
        %dma_start3A_609 = arith.constant 0 : i32
        %dma_start3A_610 = tpu.memref_slice %arg6[%squeeze3A_581, %dma_start3A_609] : memref<1000000x32xf32, #tpu.memory_space<hbm>> -> memref<1x32xf32, #tpu.memory_space<hbm>>
        %dma_start3A_611 = tpu.memref_squeeze %dma_start3A_610 : memref<1x32xf32, #tpu.memory_space<hbm>> -> memref<32xf32, #tpu.memory_space<hbm>>
        tpu.enqueue_dma source(%dma_start3A_611 : memref<32xf32, #tpu.memory_space<hbm>>) target(%dma_start3A_608 : memref<32xf32, #tpu.memory_space<vmem>>) target_semaphore(%arg18 : memref<!tpu.dma_semaphore, #tpu.memory_space<semaphore_mem>>)
        %add3A_612 = arith.constant 9 : i32
        %add3A_613 = arith.addi %mul3A_35, %add3A_612 : i32
        %dma_start3A_614 = arith.constant 0 : i32
        %dma_start3A_615 = tpu.memref_slice %arg15[%add3A_613, %dma_start3A_614] : memref<128x32xf32, #tpu.memory_space<vmem>> -> memref<1x32xf32, #tpu.memory_space<vmem>>
        %dma_start3A_616 = tpu.memref_squeeze %dma_start3A_615 : memref<1x32xf32, #tpu.memory_space<vmem>> -> memref<32xf32, #tpu.memory_space<vmem>>
        %dma_start3A_617 = arith.constant 0 : i32
        %dma_start3A_618 = tpu.memref_slice %arg5[%squeeze3A_583, %dma_start3A_617] : memref<1000000x32xf32, #tpu.memory_space<hbm>> -> memref<1x32xf32, #tpu.memory_space<hbm>>
        %dma_start3A_619 = tpu.memref_squeeze %dma_start3A_618 : memref<1x32xf32, #tpu.memory_space<hbm>> -> memref<32xf32, #tpu.memory_space<hbm>>
        %dma_start3A_620 = arith.constant 0 : i32
        %dma_start3A_621 = tpu.memref_slice %arg15[%add3A_613, %dma_start3A_620] : memref<128x32xf32, #tpu.memory_space<vmem>> -> memref<1x32xf32, #tpu.memory_space<vmem>>
        %dma_start3A_622 = tpu.memref_squeeze %dma_start3A_621 : memref<1x32xf32, #tpu.memory_space<vmem>> -> memref<32xf32, #tpu.memory_space<vmem>>
        %dma_start3A_623 = arith.constant 0 : i32
        %dma_start3A_624 = tpu.memref_slice %arg5[%squeeze3A_583, %dma_start3A_623] : memref<1000000x32xf32, #tpu.memory_space<hbm>> -> memref<1x32xf32, #tpu.memory_space<hbm>>
        %dma_start3A_625 = tpu.memref_squeeze %dma_start3A_624 : memref<1x32xf32, #tpu.memory_space<hbm>> -> memref<32xf32, #tpu.memory_space<hbm>>
        tpu.enqueue_dma source(%dma_start3A_625 : memref<32xf32, #tpu.memory_space<hbm>>) target(%dma_start3A_622 : memref<32xf32, #tpu.memory_space<vmem>>) target_semaphore(%arg18 : memref<!tpu.dma_semaphore, #tpu.memory_space<semaphore_mem>>)
        %add3A_626 = arith.constant 9 : i32
        %add3A_627 = arith.addi %mul3A_35, %add3A_626 : i32
        %dma_start3A_628 = arith.constant 0 : i32
        %dma_start3A_629 = tpu.memref_slice %arg17[%add3A_627, %dma_start3A_628] : memref<128x32xf32, #tpu.memory_space<vmem>> -> memref<1x32xf32, #tpu.memory_space<vmem>>
        %dma_start3A_630 = tpu.memref_squeeze %dma_start3A_629 : memref<1x32xf32, #tpu.memory_space<vmem>> -> memref<32xf32, #tpu.memory_space<vmem>>
        %dma_start3A_631 = arith.constant 0 : i32
        %dma_start3A_632 = tpu.memref_slice %arg7[%squeeze3A_583, %dma_start3A_631] : memref<1000000x32xf32, #tpu.memory_space<hbm>> -> memref<1x32xf32, #tpu.memory_space<hbm>>
        %dma_start3A_633 = tpu.memref_squeeze %dma_start3A_632 : memref<1x32xf32, #tpu.memory_space<hbm>> -> memref<32xf32, #tpu.memory_space<hbm>>
        %dma_start3A_634 = arith.constant 0 : i32
        %dma_start3A_635 = tpu.memref_slice %arg17[%add3A_627, %dma_start3A_634] : memref<128x32xf32, #tpu.memory_space<vmem>> -> memref<1x32xf32, #tpu.memory_space<vmem>>
        %dma_start3A_636 = tpu.memref_squeeze %dma_start3A_635 : memref<1x32xf32, #tpu.memory_space<vmem>> -> memref<32xf32, #tpu.memory_space<vmem>>
        %dma_start3A_637 = arith.constant 0 : i32
        %dma_start3A_638 = tpu.memref_slice %arg7[%squeeze3A_583, %dma_start3A_637] : memref<1000000x32xf32, #tpu.memory_space<hbm>> -> memref<1x32xf32, #tpu.memory_space<hbm>>
        %dma_start3A_639 = tpu.memref_squeeze %dma_start3A_638 : memref<1x32xf32, #tpu.memory_space<hbm>> -> memref<32xf32, #tpu.memory_space<hbm>>
        tpu.enqueue_dma source(%dma_start3A_639 : memref<32xf32, #tpu.memory_space<hbm>>) target(%dma_start3A_636 : memref<32xf32, #tpu.memory_space<vmem>>) target_semaphore(%arg18 : memref<!tpu.dma_semaphore, #tpu.memory_space<semaphore_mem>>)
        %slice3A_640 = vector.extract_strided_slice %get3A_38 {offsets = [10], sizes = [1], strides = [1]} : vector<16xi32> to vector<1xi32>
        %squeeze3A_641 = vector.extract %slice3A_640[0] : i32 from vector<1xi32>
        %slice3A_642 = vector.extract_strided_slice %get3A_42 {offsets = [10], sizes = [1], strides = [1]} : vector<16xi32> to vector<1xi32>
        %squeeze3A_643 = vector.extract %slice3A_642[0] : i32 from vector<1xi32>
        %add3A_644 = arith.constant 10 : i32
        %add3A_645 = arith.addi %mul3A_35, %add3A_644 : i32
        %dma_start3A_646 = arith.constant 0 : i32
        %dma_start3A_647 = tpu.memref_slice %arg14[%add3A_645, %dma_start3A_646] : memref<128x32xf32, #tpu.memory_space<vmem>> -> memref<1x32xf32, #tpu.memory_space<vmem>>
        %dma_start3A_648 = tpu.memref_squeeze %dma_start3A_647 : memref<1x32xf32, #tpu.memory_space<vmem>> -> memref<32xf32, #tpu.memory_space<vmem>>
        %dma_start3A_649 = arith.constant 0 : i32
        %dma_start3A_650 = tpu.memref_slice %arg4[%squeeze3A_641, %dma_start3A_649] : memref<1000000x32xf32, #tpu.memory_space<hbm>> -> memref<1x32xf32, #tpu.memory_space<hbm>>
        %dma_start3A_651 = tpu.memref_squeeze %dma_start3A_650 : memref<1x32xf32, #tpu.memory_space<hbm>> -> memref<32xf32, #tpu.memory_space<hbm>>
        %dma_start3A_652 = arith.constant 0 : i32
        %dma_start3A_653 = tpu.memref_slice %arg14[%add3A_645, %dma_start3A_652] : memref<128x32xf32, #tpu.memory_space<vmem>> -> memref<1x32xf32, #tpu.memory_space<vmem>>
        %dma_start3A_654 = tpu.memref_squeeze %dma_start3A_653 : memref<1x32xf32, #tpu.memory_space<vmem>> -> memref<32xf32, #tpu.memory_space<vmem>>
        %dma_start3A_655 = arith.constant 0 : i32
        %dma_start3A_656 = tpu.memref_slice %arg4[%squeeze3A_641, %dma_start3A_655] : memref<1000000x32xf32, #tpu.memory_space<hbm>> -> memref<1x32xf32, #tpu.memory_space<hbm>>
        %dma_start3A_657 = tpu.memref_squeeze %dma_start3A_656 : memref<1x32xf32, #tpu.memory_space<hbm>> -> memref<32xf32, #tpu.memory_space<hbm>>
        tpu.enqueue_dma source(%dma_start3A_657 : memref<32xf32, #tpu.memory_space<hbm>>) target(%dma_start3A_654 : memref<32xf32, #tpu.memory_space<vmem>>) target_semaphore(%arg18 : memref<!tpu.dma_semaphore, #tpu.memory_space<semaphore_mem>>)
        %add3A_658 = arith.constant 10 : i32
        %add3A_659 = arith.addi %mul3A_35, %add3A_658 : i32
        %dma_start3A_660 = arith.constant 0 : i32
        %dma_start3A_661 = tpu.memref_slice %arg16[%add3A_659, %dma_start3A_660] : memref<128x32xf32, #tpu.memory_space<vmem>> -> memref<1x32xf32, #tpu.memory_space<vmem>>
        %dma_start3A_662 = tpu.memref_squeeze %dma_start3A_661 : memref<1x32xf32, #tpu.memory_space<vmem>> -> memref<32xf32, #tpu.memory_space<vmem>>
        %dma_start3A_663 = arith.constant 0 : i32
        %dma_start3A_664 = tpu.memref_slice %arg6[%squeeze3A_641, %dma_start3A_663] : memref<1000000x32xf32, #tpu.memory_space<hbm>> -> memref<1x32xf32, #tpu.memory_space<hbm>>
        %dma_start3A_665 = tpu.memref_squeeze %dma_start3A_664 : memref<1x32xf32, #tpu.memory_space<hbm>> -> memref<32xf32, #tpu.memory_space<hbm>>
        %dma_start3A_666 = arith.constant 0 : i32
        %dma_start3A_667 = tpu.memref_slice %arg16[%add3A_659, %dma_start3A_666] : memref<128x32xf32, #tpu.memory_space<vmem>> -> memref<1x32xf32, #tpu.memory_space<vmem>>
        %dma_start3A_668 = tpu.memref_squeeze %dma_start3A_667 : memref<1x32xf32, #tpu.memory_space<vmem>> -> memref<32xf32, #tpu.memory_space<vmem>>
        %dma_start3A_669 = arith.constant 0 : i32
        %dma_start3A_670 = tpu.memref_slice %arg6[%squeeze3A_641, %dma_start3A_669] : memref<1000000x32xf32, #tpu.memory_space<hbm>> -> memref<1x32xf32, #tpu.memory_space<hbm>>
        %dma_start3A_671 = tpu.memref_squeeze %dma_start3A_670 : memref<1x32xf32, #tpu.memory_space<hbm>> -> memref<32xf32, #tpu.memory_space<hbm>>
        tpu.enqueue_dma source(%dma_start3A_671 : memref<32xf32, #tpu.memory_space<hbm>>) target(%dma_start3A_668 : memref<32xf32, #tpu.memory_space<vmem>>) target_semaphore(%arg18 : memref<!tpu.dma_semaphore, #tpu.memory_space<semaphore_mem>>)
        %add3A_672 = arith.constant 10 : i32
        %add3A_673 = arith.addi %mul3A_35, %add3A_672 : i32
        %dma_start3A_674 = arith.constant 0 : i32
        %dma_start3A_675 = tpu.memref_slice %arg15[%add3A_673, %dma_start3A_674] : memref<128x32xf32, #tpu.memory_space<vmem>> -> memref<1x32xf32, #tpu.memory_space<vmem>>
        %dma_start3A_676 = tpu.memref_squeeze %dma_start3A_675 : memref<1x32xf32, #tpu.memory_space<vmem>> -> memref<32xf32, #tpu.memory_space<vmem>>
        %dma_start3A_677 = arith.constant 0 : i32
        %dma_start3A_678 = tpu.memref_slice %arg5[%squeeze3A_643, %dma_start3A_677] : memref<1000000x32xf32, #tpu.memory_space<hbm>> -> memref<1x32xf32, #tpu.memory_space<hbm>>
        %dma_start3A_679 = tpu.memref_squeeze %dma_start3A_678 : memref<1x32xf32, #tpu.memory_space<hbm>> -> memref<32xf32, #tpu.memory_space<hbm>>
        %dma_start3A_680 = arith.constant 0 : i32
        %dma_start3A_681 = tpu.memref_slice %arg15[%add3A_673, %dma_start3A_680] : memref<128x32xf32, #tpu.memory_space<vmem>> -> memref<1x32xf32, #tpu.memory_space<vmem>>
        %dma_start3A_682 = tpu.memref_squeeze %dma_start3A_681 : memref<1x32xf32, #tpu.memory_space<vmem>> -> memref<32xf32, #tpu.memory_space<vmem>>
        %dma_start3A_683 = arith.constant 0 : i32
        %dma_start3A_684 = tpu.memref_slice %arg5[%squeeze3A_643, %dma_start3A_683] : memref<1000000x32xf32, #tpu.memory_space<hbm>> -> memref<1x32xf32, #tpu.memory_space<hbm>>
        %dma_start3A_685 = tpu.memref_squeeze %dma_start3A_684 : memref<1x32xf32, #tpu.memory_space<hbm>> -> memref<32xf32, #tpu.memory_space<hbm>>
        tpu.enqueue_dma source(%dma_start3A_685 : memref<32xf32, #tpu.memory_space<hbm>>) target(%dma_start3A_682 : memref<32xf32, #tpu.memory_space<vmem>>) target_semaphore(%arg18 : memref<!tpu.dma_semaphore, #tpu.memory_space<semaphore_mem>>)
        %add3A_686 = arith.constant 10 : i32
        %add3A_687 = arith.addi %mul3A_35, %add3A_686 : i32
        %dma_start3A_688 = arith.constant 0 : i32
        %dma_start3A_689 = tpu.memref_slice %arg17[%add3A_687, %dma_start3A_688] : memref<128x32xf32, #tpu.memory_space<vmem>> -> memref<1x32xf32, #tpu.memory_space<vmem>>
        %dma_start3A_690 = tpu.memref_squeeze %dma_start3A_689 : memref<1x32xf32, #tpu.memory_space<vmem>> -> memref<32xf32, #tpu.memory_space<vmem>>
        %dma_start3A_691 = arith.constant 0 : i32
        %dma_start3A_692 = tpu.memref_slice %arg7[%squeeze3A_643, %dma_start3A_691] : memref<1000000x32xf32, #tpu.memory_space<hbm>> -> memref<1x32xf32, #tpu.memory_space<hbm>>
        %dma_start3A_693 = tpu.memref_squeeze %dma_start3A_692 : memref<1x32xf32, #tpu.memory_space<hbm>> -> memref<32xf32, #tpu.memory_space<hbm>>
        %dma_start3A_694 = arith.constant 0 : i32
        %dma_start3A_695 = tpu.memref_slice %arg17[%add3A_687, %dma_start3A_694] : memref<128x32xf32, #tpu.memory_space<vmem>> -> memref<1x32xf32, #tpu.memory_space<vmem>>
        %dma_start3A_696 = tpu.memref_squeeze %dma_start3A_695 : memref<1x32xf32, #tpu.memory_space<vmem>> -> memref<32xf32, #tpu.memory_space<vmem>>
        %dma_start3A_697 = arith.constant 0 : i32
        %dma_start3A_698 = tpu.memref_slice %arg7[%squeeze3A_643, %dma_start3A_697] : memref<1000000x32xf32, #tpu.memory_space<hbm>> -> memref<1x32xf32, #tpu.memory_space<hbm>>
        %dma_start3A_699 = tpu.memref_squeeze %dma_start3A_698 : memref<1x32xf32, #tpu.memory_space<hbm>> -> memref<32xf32, #tpu.memory_space<hbm>>
        tpu.enqueue_dma source(%dma_start3A_699 : memref<32xf32, #tpu.memory_space<hbm>>) target(%dma_start3A_696 : memref<32xf32, #tpu.memory_space<vmem>>) target_semaphore(%arg18 : memref<!tpu.dma_semaphore, #tpu.memory_space<semaphore_mem>>)
        %slice3A_700 = vector.extract_strided_slice %get3A_38 {offsets = [11], sizes = [1], strides = [1]} : vector<16xi32> to vector<1xi32>
        %squeeze3A_701 = vector.extract %slice3A_700[0] : i32 from vector<1xi32>
        %slice3A_702 = vector.extract_strided_slice %get3A_42 {offsets = [11], sizes = [1], strides = [1]} : vector<16xi32> to vector<1xi32>
        %squeeze3A_703 = vector.extract %slice3A_702[0] : i32 from vector<1xi32>
        %add3A_704 = arith.constant 11 : i32
        %add3A_705 = arith.addi %mul3A_35, %add3A_704 : i32
        %dma_start3A_706 = arith.constant 0 : i32
        %dma_start3A_707 = tpu.memref_slice %arg14[%add3A_705, %dma_start3A_706] : memref<128x32xf32, #tpu.memory_space<vmem>> -> memref<1x32xf32, #tpu.memory_space<vmem>>
        %dma_start3A_708 = tpu.memref_squeeze %dma_start3A_707 : memref<1x32xf32, #tpu.memory_space<vmem>> -> memref<32xf32, #tpu.memory_space<vmem>>
        %dma_start3A_709 = arith.constant 0 : i32
        %dma_start3A_710 = tpu.memref_slice %arg4[%squeeze3A_701, %dma_start3A_709] : memref<1000000x32xf32, #tpu.memory_space<hbm>> -> memref<1x32xf32, #tpu.memory_space<hbm>>
        %dma_start3A_711 = tpu.memref_squeeze %dma_start3A_710 : memref<1x32xf32, #tpu.memory_space<hbm>> -> memref<32xf32, #tpu.memory_space<hbm>>
        %dma_start3A_712 = arith.constant 0 : i32
        %dma_start3A_713 = tpu.memref_slice %arg14[%add3A_705, %dma_start3A_712] : memref<128x32xf32, #tpu.memory_space<vmem>> -> memref<1x32xf32, #tpu.memory_space<vmem>>
        %dma_start3A_714 = tpu.memref_squeeze %dma_start3A_713 : memref<1x32xf32, #tpu.memory_space<vmem>> -> memref<32xf32, #tpu.memory_space<vmem>>
        %dma_start3A_715 = arith.constant 0 : i32
        %dma_start3A_716 = tpu.memref_slice %arg4[%squeeze3A_701, %dma_start3A_715] : memref<1000000x32xf32, #tpu.memory_space<hbm>> -> memref<1x32xf32, #tpu.memory_space<hbm>>
        %dma_start3A_717 = tpu.memref_squeeze %dma_start3A_716 : memref<1x32xf32, #tpu.memory_space<hbm>> -> memref<32xf32, #tpu.memory_space<hbm>>
        tpu.enqueue_dma source(%dma_start3A_717 : memref<32xf32, #tpu.memory_space<hbm>>) target(%dma_start3A_714 : memref<32xf32, #tpu.memory_space<vmem>>) target_semaphore(%arg18 : memref<!tpu.dma_semaphore, #tpu.memory_space<semaphore_mem>>)
        %add3A_718 = arith.constant 11 : i32
        %add3A_719 = arith.addi %mul3A_35, %add3A_718 : i32
        %dma_start3A_720 = arith.constant 0 : i32
        %dma_start3A_721 = tpu.memref_slice %arg16[%add3A_719, %dma_start3A_720] : memref<128x32xf32, #tpu.memory_space<vmem>> -> memref<1x32xf32, #tpu.memory_space<vmem>>
        %dma_start3A_722 = tpu.memref_squeeze %dma_start3A_721 : memref<1x32xf32, #tpu.memory_space<vmem>> -> memref<32xf32, #tpu.memory_space<vmem>>
        %dma_start3A_723 = arith.constant 0 : i32
        %dma_start3A_724 = tpu.memref_slice %arg6[%squeeze3A_701, %dma_start3A_723] : memref<1000000x32xf32, #tpu.memory_space<hbm>> -> memref<1x32xf32, #tpu.memory_space<hbm>>
        %dma_start3A_725 = tpu.memref_squeeze %dma_start3A_724 : memref<1x32xf32, #tpu.memory_space<hbm>> -> memref<32xf32, #tpu.memory_space<hbm>>
        %dma_start3A_726 = arith.constant 0 : i32
        %dma_start3A_727 = tpu.memref_slice %arg16[%add3A_719, %dma_start3A_726] : memref<128x32xf32, #tpu.memory_space<vmem>> -> memref<1x32xf32, #tpu.memory_space<vmem>>
        %dma_start3A_728 = tpu.memref_squeeze %dma_start3A_727 : memref<1x32xf32, #tpu.memory_space<vmem>> -> memref<32xf32, #tpu.memory_space<vmem>>
        %dma_start3A_729 = arith.constant 0 : i32
        %dma_start3A_730 = tpu.memref_slice %arg6[%squeeze3A_701, %dma_start3A_729] : memref<1000000x32xf32, #tpu.memory_space<hbm>> -> memref<1x32xf32, #tpu.memory_space<hbm>>
        %dma_start3A_731 = tpu.memref_squeeze %dma_start3A_730 : memref<1x32xf32, #tpu.memory_space<hbm>> -> memref<32xf32, #tpu.memory_space<hbm>>
        tpu.enqueue_dma source(%dma_start3A_731 : memref<32xf32, #tpu.memory_space<hbm>>) target(%dma_start3A_728 : memref<32xf32, #tpu.memory_space<vmem>>) target_semaphore(%arg18 : memref<!tpu.dma_semaphore, #tpu.memory_space<semaphore_mem>>)
        %add3A_732 = arith.constant 11 : i32
        %add3A_733 = arith.addi %mul3A_35, %add3A_732 : i32
        %dma_start3A_734 = arith.constant 0 : i32
        %dma_start3A_735 = tpu.memref_slice %arg15[%add3A_733, %dma_start3A_734] : memref<128x32xf32, #tpu.memory_space<vmem>> -> memref<1x32xf32, #tpu.memory_space<vmem>>
        %dma_start3A_736 = tpu.memref_squeeze %dma_start3A_735 : memref<1x32xf32, #tpu.memory_space<vmem>> -> memref<32xf32, #tpu.memory_space<vmem>>
        %dma_start3A_737 = arith.constant 0 : i32
        %dma_start3A_738 = tpu.memref_slice %arg5[%squeeze3A_703, %dma_start3A_737] : memref<1000000x32xf32, #tpu.memory_space<hbm>> -> memref<1x32xf32, #tpu.memory_space<hbm>>
        %dma_start3A_739 = tpu.memref_squeeze %dma_start3A_738 : memref<1x32xf32, #tpu.memory_space<hbm>> -> memref<32xf32, #tpu.memory_space<hbm>>
        %dma_start3A_740 = arith.constant 0 : i32
        %dma_start3A_741 = tpu.memref_slice %arg15[%add3A_733, %dma_start3A_740] : memref<128x32xf32, #tpu.memory_space<vmem>> -> memref<1x32xf32, #tpu.memory_space<vmem>>
        %dma_start3A_742 = tpu.memref_squeeze %dma_start3A_741 : memref<1x32xf32, #tpu.memory_space<vmem>> -> memref<32xf32, #tpu.memory_space<vmem>>
        %dma_start3A_743 = arith.constant 0 : i32
        %dma_start3A_744 = tpu.memref_slice %arg5[%squeeze3A_703, %dma_start3A_743] : memref<1000000x32xf32, #tpu.memory_space<hbm>> -> memref<1x32xf32, #tpu.memory_space<hbm>>
        %dma_start3A_745 = tpu.memref_squeeze %dma_start3A_744 : memref<1x32xf32, #tpu.memory_space<hbm>> -> memref<32xf32, #tpu.memory_space<hbm>>
        tpu.enqueue_dma source(%dma_start3A_745 : memref<32xf32, #tpu.memory_space<hbm>>) target(%dma_start3A_742 : memref<32xf32, #tpu.memory_space<vmem>>) target_semaphore(%arg18 : memref<!tpu.dma_semaphore, #tpu.memory_space<semaphore_mem>>)
        %add3A_746 = arith.constant 11 : i32
        %add3A_747 = arith.addi %mul3A_35, %add3A_746 : i32
        %dma_start3A_748 = arith.constant 0 : i32
        %dma_start3A_749 = tpu.memref_slice %arg17[%add3A_747, %dma_start3A_748] : memref<128x32xf32, #tpu.memory_space<vmem>> -> memref<1x32xf32, #tpu.memory_space<vmem>>
        %dma_start3A_750 = tpu.memref_squeeze %dma_start3A_749 : memref<1x32xf32, #tpu.memory_space<vmem>> -> memref<32xf32, #tpu.memory_space<vmem>>
        %dma_start3A_751 = arith.constant 0 : i32
        %dma_start3A_752 = tpu.memref_slice %arg7[%squeeze3A_703, %dma_start3A_751] : memref<1000000x32xf32, #tpu.memory_space<hbm>> -> memref<1x32xf32, #tpu.memory_space<hbm>>
        %dma_start3A_753 = tpu.memref_squeeze %dma_start3A_752 : memref<1x32xf32, #tpu.memory_space<hbm>> -> memref<32xf32, #tpu.memory_space<hbm>>
        %dma_start3A_754 = arith.constant 0 : i32
        %dma_start3A_755 = tpu.memref_slice %arg17[%add3A_747, %dma_start3A_754] : memref<128x32xf32, #tpu.memory_space<vmem>> -> memref<1x32xf32, #tpu.memory_space<vmem>>
        %dma_start3A_756 = tpu.memref_squeeze %dma_start3A_755 : memref<1x32xf32, #tpu.memory_space<vmem>> -> memref<32xf32, #tpu.memory_space<vmem>>
        %dma_start3A_757 = arith.constant 0 : i32
        %dma_start3A_758 = tpu.memref_slice %arg7[%squeeze3A_703, %dma_start3A_757] : memref<1000000x32xf32, #tpu.memory_space<hbm>> -> memref<1x32xf32, #tpu.memory_space<hbm>>
        %dma_start3A_759 = tpu.memref_squeeze %dma_start3A_758 : memref<1x32xf32, #tpu.memory_space<hbm>> -> memref<32xf32, #tpu.memory_space<hbm>>
        tpu.enqueue_dma source(%dma_start3A_759 : memref<32xf32, #tpu.memory_space<hbm>>) target(%dma_start3A_756 : memref<32xf32, #tpu.memory_space<vmem>>) target_semaphore(%arg18 : memref<!tpu.dma_semaphore, #tpu.memory_space<semaphore_mem>>)
        %slice3A_760 = vector.extract_strided_slice %get3A_38 {offsets = [12], sizes = [1], strides = [1]} : vector<16xi32> to vector<1xi32>
        %squeeze3A_761 = vector.extract %slice3A_760[0] : i32 from vector<1xi32>
        %slice3A_762 = vector.extract_strided_slice %get3A_42 {offsets = [12], sizes = [1], strides = [1]} : vector<16xi32> to vector<1xi32>
        %squeeze3A_763 = vector.extract %slice3A_762[0] : i32 from vector<1xi32>
        %add3A_764 = arith.constant 12 : i32
        %add3A_765 = arith.addi %mul3A_35, %add3A_764 : i32
        %dma_start3A_766 = arith.constant 0 : i32
        %dma_start3A_767 = tpu.memref_slice %arg14[%add3A_765, %dma_start3A_766] : memref<128x32xf32, #tpu.memory_space<vmem>> -> memref<1x32xf32, #tpu.memory_space<vmem>>
        %dma_start3A_768 = tpu.memref_squeeze %dma_start3A_767 : memref<1x32xf32, #tpu.memory_space<vmem>> -> memref<32xf32, #tpu.memory_space<vmem>>
        %dma_start3A_769 = arith.constant 0 : i32
        %dma_start3A_770 = tpu.memref_slice %arg4[%squeeze3A_761, %dma_start3A_769] : memref<1000000x32xf32, #tpu.memory_space<hbm>> -> memref<1x32xf32, #tpu.memory_space<hbm>>
        %dma_start3A_771 = tpu.memref_squeeze %dma_start3A_770 : memref<1x32xf32, #tpu.memory_space<hbm>> -> memref<32xf32, #tpu.memory_space<hbm>>
        %dma_start3A_772 = arith.constant 0 : i32
        %dma_start3A_773 = tpu.memref_slice %arg14[%add3A_765, %dma_start3A_772] : memref<128x32xf32, #tpu.memory_space<vmem>> -> memref<1x32xf32, #tpu.memory_space<vmem>>
        %dma_start3A_774 = tpu.memref_squeeze %dma_start3A_773 : memref<1x32xf32, #tpu.memory_space<vmem>> -> memref<32xf32, #tpu.memory_space<vmem>>
        %dma_start3A_775 = arith.constant 0 : i32
        %dma_start3A_776 = tpu.memref_slice %arg4[%squeeze3A_761, %dma_start3A_775] : memref<1000000x32xf32, #tpu.memory_space<hbm>> -> memref<1x32xf32, #tpu.memory_space<hbm>>
        %dma_start3A_777 = tpu.memref_squeeze %dma_start3A_776 : memref<1x32xf32, #tpu.memory_space<hbm>> -> memref<32xf32, #tpu.memory_space<hbm>>
        tpu.enqueue_dma source(%dma_start3A_777 : memref<32xf32, #tpu.memory_space<hbm>>) target(%dma_start3A_774 : memref<32xf32, #tpu.memory_space<vmem>>) target_semaphore(%arg18 : memref<!tpu.dma_semaphore, #tpu.memory_space<semaphore_mem>>)
        %add3A_778 = arith.constant 12 : i32
        %add3A_779 = arith.addi %mul3A_35, %add3A_778 : i32
        %dma_start3A_780 = arith.constant 0 : i32
        %dma_start3A_781 = tpu.memref_slice %arg16[%add3A_779, %dma_start3A_780] : memref<128x32xf32, #tpu.memory_space<vmem>> -> memref<1x32xf32, #tpu.memory_space<vmem>>
        %dma_start3A_782 = tpu.memref_squeeze %dma_start3A_781 : memref<1x32xf32, #tpu.memory_space<vmem>> -> memref<32xf32, #tpu.memory_space<vmem>>
        %dma_start3A_783 = arith.constant 0 : i32
        %dma_start3A_784 = tpu.memref_slice %arg6[%squeeze3A_761, %dma_start3A_783] : memref<1000000x32xf32, #tpu.memory_space<hbm>> -> memref<1x32xf32, #tpu.memory_space<hbm>>
        %dma_start3A_785 = tpu.memref_squeeze %dma_start3A_784 : memref<1x32xf32, #tpu.memory_space<hbm>> -> memref<32xf32, #tpu.memory_space<hbm>>
        %dma_start3A_786 = arith.constant 0 : i32
        %dma_start3A_787 = tpu.memref_slice %arg16[%add3A_779, %dma_start3A_786] : memref<128x32xf32, #tpu.memory_space<vmem>> -> memref<1x32xf32, #tpu.memory_space<vmem>>
        %dma_start3A_788 = tpu.memref_squeeze %dma_start3A_787 : memref<1x32xf32, #tpu.memory_space<vmem>> -> memref<32xf32, #tpu.memory_space<vmem>>
        %dma_start3A_789 = arith.constant 0 : i32
        %dma_start3A_790 = tpu.memref_slice %arg6[%squeeze3A_761, %dma_start3A_789] : memref<1000000x32xf32, #tpu.memory_space<hbm>> -> memref<1x32xf32, #tpu.memory_space<hbm>>
        %dma_start3A_791 = tpu.memref_squeeze %dma_start3A_790 : memref<1x32xf32, #tpu.memory_space<hbm>> -> memref<32xf32, #tpu.memory_space<hbm>>
        tpu.enqueue_dma source(%dma_start3A_791 : memref<32xf32, #tpu.memory_space<hbm>>) target(%dma_start3A_788 : memref<32xf32, #tpu.memory_space<vmem>>) target_semaphore(%arg18 : memref<!tpu.dma_semaphore, #tpu.memory_space<semaphore_mem>>)
        %add3A_792 = arith.constant 12 : i32
        %add3A_793 = arith.addi %mul3A_35, %add3A_792 : i32
        %dma_start3A_794 = arith.constant 0 : i32
        %dma_start3A_795 = tpu.memref_slice %arg15[%add3A_793, %dma_start3A_794] : memref<128x32xf32, #tpu.memory_space<vmem>> -> memref<1x32xf32, #tpu.memory_space<vmem>>
        %dma_start3A_796 = tpu.memref_squeeze %dma_start3A_795 : memref<1x32xf32, #tpu.memory_space<vmem>> -> memref<32xf32, #tpu.memory_space<vmem>>
        %dma_start3A_797 = arith.constant 0 : i32
        %dma_start3A_798 = tpu.memref_slice %arg5[%squeeze3A_763, %dma_start3A_797] : memref<1000000x32xf32, #tpu.memory_space<hbm>> -> memref<1x32xf32, #tpu.memory_space<hbm>>
        %dma_start3A_799 = tpu.memref_squeeze %dma_start3A_798 : memref<1x32xf32, #tpu.memory_space<hbm>> -> memref<32xf32, #tpu.memory_space<hbm>>
        %dma_start3A_800 = arith.constant 0 : i32
        %dma_start3A_801 = tpu.memref_slice %arg15[%add3A_793, %dma_start3A_800] : memref<128x32xf32, #tpu.memory_space<vmem>> -> memref<1x32xf32, #tpu.memory_space<vmem>>
        %dma_start3A_802 = tpu.memref_squeeze %dma_start3A_801 : memref<1x32xf32, #tpu.memory_space<vmem>> -> memref<32xf32, #tpu.memory_space<vmem>>
        %dma_start3A_803 = arith.constant 0 : i32
        %dma_start3A_804 = tpu.memref_slice %arg5[%squeeze3A_763, %dma_start3A_803] : memref<1000000x32xf32, #tpu.memory_space<hbm>> -> memref<1x32xf32, #tpu.memory_space<hbm>>
        %dma_start3A_805 = tpu.memref_squeeze %dma_start3A_804 : memref<1x32xf32, #tpu.memory_space<hbm>> -> memref<32xf32, #tpu.memory_space<hbm>>
        tpu.enqueue_dma source(%dma_start3A_805 : memref<32xf32, #tpu.memory_space<hbm>>) target(%dma_start3A_802 : memref<32xf32, #tpu.memory_space<vmem>>) target_semaphore(%arg18 : memref<!tpu.dma_semaphore, #tpu.memory_space<semaphore_mem>>)
        %add3A_806 = arith.constant 12 : i32
        %add3A_807 = arith.addi %mul3A_35, %add3A_806 : i32
        %dma_start3A_808 = arith.constant 0 : i32
        %dma_start3A_809 = tpu.memref_slice %arg17[%add3A_807, %dma_start3A_808] : memref<128x32xf32, #tpu.memory_space<vmem>> -> memref<1x32xf32, #tpu.memory_space<vmem>>
        %dma_start3A_810 = tpu.memref_squeeze %dma_start3A_809 : memref<1x32xf32, #tpu.memory_space<vmem>> -> memref<32xf32, #tpu.memory_space<vmem>>
        %dma_start3A_811 = arith.constant 0 : i32
        %dma_start3A_812 = tpu.memref_slice %arg7[%squeeze3A_763, %dma_start3A_811] : memref<1000000x32xf32, #tpu.memory_space<hbm>> -> memref<1x32xf32, #tpu.memory_space<hbm>>
        %dma_start3A_813 = tpu.memref_squeeze %dma_start3A_812 : memref<1x32xf32, #tpu.memory_space<hbm>> -> memref<32xf32, #tpu.memory_space<hbm>>
        %dma_start3A_814 = arith.constant 0 : i32
        %dma_start3A_815 = tpu.memref_slice %arg17[%add3A_807, %dma_start3A_814] : memref<128x32xf32, #tpu.memory_space<vmem>> -> memref<1x32xf32, #tpu.memory_space<vmem>>
        %dma_start3A_816 = tpu.memref_squeeze %dma_start3A_815 : memref<1x32xf32, #tpu.memory_space<vmem>> -> memref<32xf32, #tpu.memory_space<vmem>>
        %dma_start3A_817 = arith.constant 0 : i32
        %dma_start3A_818 = tpu.memref_slice %arg7[%squeeze3A_763, %dma_start3A_817] : memref<1000000x32xf32, #tpu.memory_space<hbm>> -> memref<1x32xf32, #tpu.memory_space<hbm>>
        %dma_start3A_819 = tpu.memref_squeeze %dma_start3A_818 : memref<1x32xf32, #tpu.memory_space<hbm>> -> memref<32xf32, #tpu.memory_space<hbm>>
        tpu.enqueue_dma source(%dma_start3A_819 : memref<32xf32, #tpu.memory_space<hbm>>) target(%dma_start3A_816 : memref<32xf32, #tpu.memory_space<vmem>>) target_semaphore(%arg18 : memref<!tpu.dma_semaphore, #tpu.memory_space<semaphore_mem>>)
        %slice3A_820 = vector.extract_strided_slice %get3A_38 {offsets = [13], sizes = [1], strides = [1]} : vector<16xi32> to vector<1xi32>
        %squeeze3A_821 = vector.extract %slice3A_820[0] : i32 from vector<1xi32>
        %slice3A_822 = vector.extract_strided_slice %get3A_42 {offsets = [13], sizes = [1], strides = [1]} : vector<16xi32> to vector<1xi32>
        %squeeze3A_823 = vector.extract %slice3A_822[0] : i32 from vector<1xi32>
        %add3A_824 = arith.constant 13 : i32
        %add3A_825 = arith.addi %mul3A_35, %add3A_824 : i32
        %dma_start3A_826 = arith.constant 0 : i32
        %dma_start3A_827 = tpu.memref_slice %arg14[%add3A_825, %dma_start3A_826] : memref<128x32xf32, #tpu.memory_space<vmem>> -> memref<1x32xf32, #tpu.memory_space<vmem>>
        %dma_start3A_828 = tpu.memref_squeeze %dma_start3A_827 : memref<1x32xf32, #tpu.memory_space<vmem>> -> memref<32xf32, #tpu.memory_space<vmem>>
        %dma_start3A_829 = arith.constant 0 : i32
        %dma_start3A_830 = tpu.memref_slice %arg4[%squeeze3A_821, %dma_start3A_829] : memref<1000000x32xf32, #tpu.memory_space<hbm>> -> memref<1x32xf32, #tpu.memory_space<hbm>>
        %dma_start3A_831 = tpu.memref_squeeze %dma_start3A_830 : memref<1x32xf32, #tpu.memory_space<hbm>> -> memref<32xf32, #tpu.memory_space<hbm>>
        %dma_start3A_832 = arith.constant 0 : i32
        %dma_start3A_833 = tpu.memref_slice %arg14[%add3A_825, %dma_start3A_832] : memref<128x32xf32, #tpu.memory_space<vmem>> -> memref<1x32xf32, #tpu.memory_space<vmem>>
        %dma_start3A_834 = tpu.memref_squeeze %dma_start3A_833 : memref<1x32xf32, #tpu.memory_space<vmem>> -> memref<32xf32, #tpu.memory_space<vmem>>
        %dma_start3A_835 = arith.constant 0 : i32
        %dma_start3A_836 = tpu.memref_slice %arg4[%squeeze3A_821, %dma_start3A_835] : memref<1000000x32xf32, #tpu.memory_space<hbm>> -> memref<1x32xf32, #tpu.memory_space<hbm>>
        %dma_start3A_837 = tpu.memref_squeeze %dma_start3A_836 : memref<1x32xf32, #tpu.memory_space<hbm>> -> memref<32xf32, #tpu.memory_space<hbm>>
        tpu.enqueue_dma source(%dma_start3A_837 : memref<32xf32, #tpu.memory_space<hbm>>) target(%dma_start3A_834 : memref<32xf32, #tpu.memory_space<vmem>>) target_semaphore(%arg18 : memref<!tpu.dma_semaphore, #tpu.memory_space<semaphore_mem>>)
        %add3A_838 = arith.constant 13 : i32
        %add3A_839 = arith.addi %mul3A_35, %add3A_838 : i32
        %dma_start3A_840 = arith.constant 0 : i32
        %dma_start3A_841 = tpu.memref_slice %arg16[%add3A_839, %dma_start3A_840] : memref<128x32xf32, #tpu.memory_space<vmem>> -> memref<1x32xf32, #tpu.memory_space<vmem>>
        %dma_start3A_842 = tpu.memref_squeeze %dma_start3A_841 : memref<1x32xf32, #tpu.memory_space<vmem>> -> memref<32xf32, #tpu.memory_space<vmem>>
        %dma_start3A_843 = arith.constant 0 : i32
        %dma_start3A_844 = tpu.memref_slice %arg6[%squeeze3A_821, %dma_start3A_843] : memref<1000000x32xf32, #tpu.memory_space<hbm>> -> memref<1x32xf32, #tpu.memory_space<hbm>>
        %dma_start3A_845 = tpu.memref_squeeze %dma_start3A_844 : memref<1x32xf32, #tpu.memory_space<hbm>> -> memref<32xf32, #tpu.memory_space<hbm>>
        %dma_start3A_846 = arith.constant 0 : i32
        %dma_start3A_847 = tpu.memref_slice %arg16[%add3A_839, %dma_start3A_846] : memref<128x32xf32, #tpu.memory_space<vmem>> -> memref<1x32xf32, #tpu.memory_space<vmem>>
        %dma_start3A_848 = tpu.memref_squeeze %dma_start3A_847 : memref<1x32xf32, #tpu.memory_space<vmem>> -> memref<32xf32, #tpu.memory_space<vmem>>
        %dma_start3A_849 = arith.constant 0 : i32
        %dma_start3A_850 = tpu.memref_slice %arg6[%squeeze3A_821, %dma_start3A_849] : memref<1000000x32xf32, #tpu.memory_space<hbm>> -> memref<1x32xf32, #tpu.memory_space<hbm>>
        %dma_start3A_851 = tpu.memref_squeeze %dma_start3A_850 : memref<1x32xf32, #tpu.memory_space<hbm>> -> memref<32xf32, #tpu.memory_space<hbm>>
        tpu.enqueue_dma source(%dma_start3A_851 : memref<32xf32, #tpu.memory_space<hbm>>) target(%dma_start3A_848 : memref<32xf32, #tpu.memory_space<vmem>>) target_semaphore(%arg18 : memref<!tpu.dma_semaphore, #tpu.memory_space<semaphore_mem>>)
        %add3A_852 = arith.constant 13 : i32
        %add3A_853 = arith.addi %mul3A_35, %add3A_852 : i32
        %dma_start3A_854 = arith.constant 0 : i32
        %dma_start3A_855 = tpu.memref_slice %arg15[%add3A_853, %dma_start3A_854] : memref<128x32xf32, #tpu.memory_space<vmem>> -> memref<1x32xf32, #tpu.memory_space<vmem>>
        %dma_start3A_856 = tpu.memref_squeeze %dma_start3A_855 : memref<1x32xf32, #tpu.memory_space<vmem>> -> memref<32xf32, #tpu.memory_space<vmem>>
        %dma_start3A_857 = arith.constant 0 : i32
        %dma_start3A_858 = tpu.memref_slice %arg5[%squeeze3A_823, %dma_start3A_857] : memref<1000000x32xf32, #tpu.memory_space<hbm>> -> memref<1x32xf32, #tpu.memory_space<hbm>>
        %dma_start3A_859 = tpu.memref_squeeze %dma_start3A_858 : memref<1x32xf32, #tpu.memory_space<hbm>> -> memref<32xf32, #tpu.memory_space<hbm>>
        %dma_start3A_860 = arith.constant 0 : i32
        %dma_start3A_861 = tpu.memref_slice %arg15[%add3A_853, %dma_start3A_860] : memref<128x32xf32, #tpu.memory_space<vmem>> -> memref<1x32xf32, #tpu.memory_space<vmem>>
        %dma_start3A_862 = tpu.memref_squeeze %dma_start3A_861 : memref<1x32xf32, #tpu.memory_space<vmem>> -> memref<32xf32, #tpu.memory_space<vmem>>
        %dma_start3A_863 = arith.constant 0 : i32
        %dma_start3A_864 = tpu.memref_slice %arg5[%squeeze3A_823, %dma_start3A_863] : memref<1000000x32xf32, #tpu.memory_space<hbm>> -> memref<1x32xf32, #tpu.memory_space<hbm>>
        %dma_start3A_865 = tpu.memref_squeeze %dma_start3A_864 : memref<1x32xf32, #tpu.memory_space<hbm>> -> memref<32xf32, #tpu.memory_space<hbm>>
        tpu.enqueue_dma source(%dma_start3A_865 : memref<32xf32, #tpu.memory_space<hbm>>) target(%dma_start3A_862 : memref<32xf32, #tpu.memory_space<vmem>>) target_semaphore(%arg18 : memref<!tpu.dma_semaphore, #tpu.memory_space<semaphore_mem>>)
        %add3A_866 = arith.constant 13 : i32
        %add3A_867 = arith.addi %mul3A_35, %add3A_866 : i32
        %dma_start3A_868 = arith.constant 0 : i32
        %dma_start3A_869 = tpu.memref_slice %arg17[%add3A_867, %dma_start3A_868] : memref<128x32xf32, #tpu.memory_space<vmem>> -> memref<1x32xf32, #tpu.memory_space<vmem>>
        %dma_start3A_870 = tpu.memref_squeeze %dma_start3A_869 : memref<1x32xf32, #tpu.memory_space<vmem>> -> memref<32xf32, #tpu.memory_space<vmem>>
        %dma_start3A_871 = arith.constant 0 : i32
        %dma_start3A_872 = tpu.memref_slice %arg7[%squeeze3A_823, %dma_start3A_871] : memref<1000000x32xf32, #tpu.memory_space<hbm>> -> memref<1x32xf32, #tpu.memory_space<hbm>>
        %dma_start3A_873 = tpu.memref_squeeze %dma_start3A_872 : memref<1x32xf32, #tpu.memory_space<hbm>> -> memref<32xf32, #tpu.memory_space<hbm>>
        %dma_start3A_874 = arith.constant 0 : i32
        %dma_start3A_875 = tpu.memref_slice %arg17[%add3A_867, %dma_start3A_874] : memref<128x32xf32, #tpu.memory_space<vmem>> -> memref<1x32xf32, #tpu.memory_space<vmem>>
        %dma_start3A_876 = tpu.memref_squeeze %dma_start3A_875 : memref<1x32xf32, #tpu.memory_space<vmem>> -> memref<32xf32, #tpu.memory_space<vmem>>
        %dma_start3A_877 = arith.constant 0 : i32
        %dma_start3A_878 = tpu.memref_slice %arg7[%squeeze3A_823, %dma_start3A_877] : memref<1000000x32xf32, #tpu.memory_space<hbm>> -> memref<1x32xf32, #tpu.memory_space<hbm>>
        %dma_start3A_879 = tpu.memref_squeeze %dma_start3A_878 : memref<1x32xf32, #tpu.memory_space<hbm>> -> memref<32xf32, #tpu.memory_space<hbm>>
        tpu.enqueue_dma source(%dma_start3A_879 : memref<32xf32, #tpu.memory_space<hbm>>) target(%dma_start3A_876 : memref<32xf32, #tpu.memory_space<vmem>>) target_semaphore(%arg18 : memref<!tpu.dma_semaphore, #tpu.memory_space<semaphore_mem>>)
        %slice3A_880 = vector.extract_strided_slice %get3A_38 {offsets = [14], sizes = [1], strides = [1]} : vector<16xi32> to vector<1xi32>
        %squeeze3A_881 = vector.extract %slice3A_880[0] : i32 from vector<1xi32>
        %slice3A_882 = vector.extract_strided_slice %get3A_42 {offsets = [14], sizes = [1], strides = [1]} : vector<16xi32> to vector<1xi32>
        %squeeze3A_883 = vector.extract %slice3A_882[0] : i32 from vector<1xi32>
        %add3A_884 = arith.constant 14 : i32
        %add3A_885 = arith.addi %mul3A_35, %add3A_884 : i32
        %dma_start3A_886 = arith.constant 0 : i32
        %dma_start3A_887 = tpu.memref_slice %arg14[%add3A_885, %dma_start3A_886] : memref<128x32xf32, #tpu.memory_space<vmem>> -> memref<1x32xf32, #tpu.memory_space<vmem>>
        %dma_start3A_888 = tpu.memref_squeeze %dma_start3A_887 : memref<1x32xf32, #tpu.memory_space<vmem>> -> memref<32xf32, #tpu.memory_space<vmem>>
        %dma_start3A_889 = arith.constant 0 : i32
        %dma_start3A_890 = tpu.memref_slice %arg4[%squeeze3A_881, %dma_start3A_889] : memref<1000000x32xf32, #tpu.memory_space<hbm>> -> memref<1x32xf32, #tpu.memory_space<hbm>>
        %dma_start3A_891 = tpu.memref_squeeze %dma_start3A_890 : memref<1x32xf32, #tpu.memory_space<hbm>> -> memref<32xf32, #tpu.memory_space<hbm>>
        %dma_start3A_892 = arith.constant 0 : i32
        %dma_start3A_893 = tpu.memref_slice %arg14[%add3A_885, %dma_start3A_892] : memref<128x32xf32, #tpu.memory_space<vmem>> -> memref<1x32xf32, #tpu.memory_space<vmem>>
        %dma_start3A_894 = tpu.memref_squeeze %dma_start3A_893 : memref<1x32xf32, #tpu.memory_space<vmem>> -> memref<32xf32, #tpu.memory_space<vmem>>
        %dma_start3A_895 = arith.constant 0 : i32
        %dma_start3A_896 = tpu.memref_slice %arg4[%squeeze3A_881, %dma_start3A_895] : memref<1000000x32xf32, #tpu.memory_space<hbm>> -> memref<1x32xf32, #tpu.memory_space<hbm>>
        %dma_start3A_897 = tpu.memref_squeeze %dma_start3A_896 : memref<1x32xf32, #tpu.memory_space<hbm>> -> memref<32xf32, #tpu.memory_space<hbm>>
        tpu.enqueue_dma source(%dma_start3A_897 : memref<32xf32, #tpu.memory_space<hbm>>) target(%dma_start3A_894 : memref<32xf32, #tpu.memory_space<vmem>>) target_semaphore(%arg18 : memref<!tpu.dma_semaphore, #tpu.memory_space<semaphore_mem>>)
        %add3A_898 = arith.constant 14 : i32
        %add3A_899 = arith.addi %mul3A_35, %add3A_898 : i32
        %dma_start3A_900 = arith.constant 0 : i32
        %dma_start3A_901 = tpu.memref_slice %arg16[%add3A_899, %dma_start3A_900] : memref<128x32xf32, #tpu.memory_space<vmem>> -> memref<1x32xf32, #tpu.memory_space<vmem>>
        %dma_start3A_902 = tpu.memref_squeeze %dma_start3A_901 : memref<1x32xf32, #tpu.memory_space<vmem>> -> memref<32xf32, #tpu.memory_space<vmem>>
        %dma_start3A_903 = arith.constant 0 : i32
        %dma_start3A_904 = tpu.memref_slice %arg6[%squeeze3A_881, %dma_start3A_903] : memref<1000000x32xf32, #tpu.memory_space<hbm>> -> memref<1x32xf32, #tpu.memory_space<hbm>>
        %dma_start3A_905 = tpu.memref_squeeze %dma_start3A_904 : memref<1x32xf32, #tpu.memory_space<hbm>> -> memref<32xf32, #tpu.memory_space<hbm>>
        %dma_start3A_906 = arith.constant 0 : i32
        %dma_start3A_907 = tpu.memref_slice %arg16[%add3A_899, %dma_start3A_906] : memref<128x32xf32, #tpu.memory_space<vmem>> -> memref<1x32xf32, #tpu.memory_space<vmem>>
        %dma_start3A_908 = tpu.memref_squeeze %dma_start3A_907 : memref<1x32xf32, #tpu.memory_space<vmem>> -> memref<32xf32, #tpu.memory_space<vmem>>
        %dma_start3A_909 = arith.constant 0 : i32
        %dma_start3A_910 = tpu.memref_slice %arg6[%squeeze3A_881, %dma_start3A_909] : memref<1000000x32xf32, #tpu.memory_space<hbm>> -> memref<1x32xf32, #tpu.memory_space<hbm>>
        %dma_start3A_911 = tpu.memref_squeeze %dma_start3A_910 : memref<1x32xf32, #tpu.memory_space<hbm>> -> memref<32xf32, #tpu.memory_space<hbm>>
        tpu.enqueue_dma source(%dma_start3A_911 : memref<32xf32, #tpu.memory_space<hbm>>) target(%dma_start3A_908 : memref<32xf32, #tpu.memory_space<vmem>>) target_semaphore(%arg18 : memref<!tpu.dma_semaphore, #tpu.memory_space<semaphore_mem>>)
        %add3A_912 = arith.constant 14 : i32
        %add3A_913 = arith.addi %mul3A_35, %add3A_912 : i32
        %dma_start3A_914 = arith.constant 0 : i32
        %dma_start3A_915 = tpu.memref_slice %arg15[%add3A_913, %dma_start3A_914] : memref<128x32xf32, #tpu.memory_space<vmem>> -> memref<1x32xf32, #tpu.memory_space<vmem>>
        %dma_start3A_916 = tpu.memref_squeeze %dma_start3A_915 : memref<1x32xf32, #tpu.memory_space<vmem>> -> memref<32xf32, #tpu.memory_space<vmem>>
        %dma_start3A_917 = arith.constant 0 : i32
        %dma_start3A_918 = tpu.memref_slice %arg5[%squeeze3A_883, %dma_start3A_917] : memref<1000000x32xf32, #tpu.memory_space<hbm>> -> memref<1x32xf32, #tpu.memory_space<hbm>>
        %dma_start3A_919 = tpu.memref_squeeze %dma_start3A_918 : memref<1x32xf32, #tpu.memory_space<hbm>> -> memref<32xf32, #tpu.memory_space<hbm>>
        %dma_start3A_920 = arith.constant 0 : i32
        %dma_start3A_921 = tpu.memref_slice %arg15[%add3A_913, %dma_start3A_920] : memref<128x32xf32, #tpu.memory_space<vmem>> -> memref<1x32xf32, #tpu.memory_space<vmem>>
        %dma_start3A_922 = tpu.memref_squeeze %dma_start3A_921 : memref<1x32xf32, #tpu.memory_space<vmem>> -> memref<32xf32, #tpu.memory_space<vmem>>
        %dma_start3A_923 = arith.constant 0 : i32
        %dma_start3A_924 = tpu.memref_slice %arg5[%squeeze3A_883, %dma_start3A_923] : memref<1000000x32xf32, #tpu.memory_space<hbm>> -> memref<1x32xf32, #tpu.memory_space<hbm>>
        %dma_start3A_925 = tpu.memref_squeeze %dma_start3A_924 : memref<1x32xf32, #tpu.memory_space<hbm>> -> memref<32xf32, #tpu.memory_space<hbm>>
        tpu.enqueue_dma source(%dma_start3A_925 : memref<32xf32, #tpu.memory_space<hbm>>) target(%dma_start3A_922 : memref<32xf32, #tpu.memory_space<vmem>>) target_semaphore(%arg18 : memref<!tpu.dma_semaphore, #tpu.memory_space<semaphore_mem>>)
        %add3A_926 = arith.constant 14 : i32
        %add3A_927 = arith.addi %mul3A_35, %add3A_926 : i32
        %dma_start3A_928 = arith.constant 0 : i32
        %dma_start3A_929 = tpu.memref_slice %arg17[%add3A_927, %dma_start3A_928] : memref<128x32xf32, #tpu.memory_space<vmem>> -> memref<1x32xf32, #tpu.memory_space<vmem>>
        %dma_start3A_930 = tpu.memref_squeeze %dma_start3A_929 : memref<1x32xf32, #tpu.memory_space<vmem>> -> memref<32xf32, #tpu.memory_space<vmem>>
        %dma_start3A_931 = arith.constant 0 : i32
        %dma_start3A_932 = tpu.memref_slice %arg7[%squeeze3A_883, %dma_start3A_931] : memref<1000000x32xf32, #tpu.memory_space<hbm>> -> memref<1x32xf32, #tpu.memory_space<hbm>>
        %dma_start3A_933 = tpu.memref_squeeze %dma_start3A_932 : memref<1x32xf32, #tpu.memory_space<hbm>> -> memref<32xf32, #tpu.memory_space<hbm>>
        %dma_start3A_934 = arith.constant 0 : i32
        %dma_start3A_935 = tpu.memref_slice %arg17[%add3A_927, %dma_start3A_934] : memref<128x32xf32, #tpu.memory_space<vmem>> -> memref<1x32xf32, #tpu.memory_space<vmem>>
        %dma_start3A_936 = tpu.memref_squeeze %dma_start3A_935 : memref<1x32xf32, #tpu.memory_space<vmem>> -> memref<32xf32, #tpu.memory_space<vmem>>
        %dma_start3A_937 = arith.constant 0 : i32
        %dma_start3A_938 = tpu.memref_slice %arg7[%squeeze3A_883, %dma_start3A_937] : memref<1000000x32xf32, #tpu.memory_space<hbm>> -> memref<1x32xf32, #tpu.memory_space<hbm>>
        %dma_start3A_939 = tpu.memref_squeeze %dma_start3A_938 : memref<1x32xf32, #tpu.memory_space<hbm>> -> memref<32xf32, #tpu.memory_space<hbm>>
        tpu.enqueue_dma source(%dma_start3A_939 : memref<32xf32, #tpu.memory_space<hbm>>) target(%dma_start3A_936 : memref<32xf32, #tpu.memory_space<vmem>>) target_semaphore(%arg18 : memref<!tpu.dma_semaphore, #tpu.memory_space<semaphore_mem>>)
        %slice3A_940 = vector.extract_strided_slice %get3A_38 {offsets = [15], sizes = [1], strides = [1]} : vector<16xi32> to vector<1xi32>
        %squeeze3A_941 = vector.extract %slice3A_940[0] : i32 from vector<1xi32>
        %slice3A_942 = vector.extract_strided_slice %get3A_42 {offsets = [15], sizes = [1], strides = [1]} : vector<16xi32> to vector<1xi32>
        %squeeze3A_943 = vector.extract %slice3A_942[0] : i32 from vector<1xi32>
        %add3A_944 = arith.constant 15 : i32
        %add3A_945 = arith.addi %mul3A_35, %add3A_944 : i32
        %dma_start3A_946 = arith.constant 0 : i32
        %dma_start3A_947 = tpu.memref_slice %arg14[%add3A_945, %dma_start3A_946] : memref<128x32xf32, #tpu.memory_space<vmem>> -> memref<1x32xf32, #tpu.memory_space<vmem>>
        %dma_start3A_948 = tpu.memref_squeeze %dma_start3A_947 : memref<1x32xf32, #tpu.memory_space<vmem>> -> memref<32xf32, #tpu.memory_space<vmem>>
        %dma_start3A_949 = arith.constant 0 : i32
        %dma_start3A_950 = tpu.memref_slice %arg4[%squeeze3A_941, %dma_start3A_949] : memref<1000000x32xf32, #tpu.memory_space<hbm>> -> memref<1x32xf32, #tpu.memory_space<hbm>>
        %dma_start3A_951 = tpu.memref_squeeze %dma_start3A_950 : memref<1x32xf32, #tpu.memory_space<hbm>> -> memref<32xf32, #tpu.memory_space<hbm>>
        %dma_start3A_952 = arith.constant 0 : i32
        %dma_start3A_953 = tpu.memref_slice %arg14[%add3A_945, %dma_start3A_952] : memref<128x32xf32, #tpu.memory_space<vmem>> -> memref<1x32xf32, #tpu.memory_space<vmem>>
        %dma_start3A_954 = tpu.memref_squeeze %dma_start3A_953 : memref<1x32xf32, #tpu.memory_space<vmem>> -> memref<32xf32, #tpu.memory_space<vmem>>
        %dma_start3A_955 = arith.constant 0 : i32
        %dma_start3A_956 = tpu.memref_slice %arg4[%squeeze3A_941, %dma_start3A_955] : memref<1000000x32xf32, #tpu.memory_space<hbm>> -> memref<1x32xf32, #tpu.memory_space<hbm>>
        %dma_start3A_957 = tpu.memref_squeeze %dma_start3A_956 : memref<1x32xf32, #tpu.memory_space<hbm>> -> memref<32xf32, #tpu.memory_space<hbm>>
        tpu.enqueue_dma source(%dma_start3A_957 : memref<32xf32, #tpu.memory_space<hbm>>) target(%dma_start3A_954 : memref<32xf32, #tpu.memory_space<vmem>>) target_semaphore(%arg18 : memref<!tpu.dma_semaphore, #tpu.memory_space<semaphore_mem>>)
        %add3A_958 = arith.constant 15 : i32
        %add3A_959 = arith.addi %mul3A_35, %add3A_958 : i32
        %dma_start3A_960 = arith.constant 0 : i32
        %dma_start3A_961 = tpu.memref_slice %arg16[%add3A_959, %dma_start3A_960] : memref<128x32xf32, #tpu.memory_space<vmem>> -> memref<1x32xf32, #tpu.memory_space<vmem>>
        %dma_start3A_962 = tpu.memref_squeeze %dma_start3A_961 : memref<1x32xf32, #tpu.memory_space<vmem>> -> memref<32xf32, #tpu.memory_space<vmem>>
        %dma_start3A_963 = arith.constant 0 : i32
        %dma_start3A_964 = tpu.memref_slice %arg6[%squeeze3A_941, %dma_start3A_963] : memref<1000000x32xf32, #tpu.memory_space<hbm>> -> memref<1x32xf32, #tpu.memory_space<hbm>>
        %dma_start3A_965 = tpu.memref_squeeze %dma_start3A_964 : memref<1x32xf32, #tpu.memory_space<hbm>> -> memref<32xf32, #tpu.memory_space<hbm>>
        %dma_start3A_966 = arith.constant 0 : i32
        %dma_start3A_967 = tpu.memref_slice %arg16[%add3A_959, %dma_start3A_966] : memref<128x32xf32, #tpu.memory_space<vmem>> -> memref<1x32xf32, #tpu.memory_space<vmem>>
        %dma_start3A_968 = tpu.memref_squeeze %dma_start3A_967 : memref<1x32xf32, #tpu.memory_space<vmem>> -> memref<32xf32, #tpu.memory_space<vmem>>
        %dma_start3A_969 = arith.constant 0 : i32
        %dma_start3A_970 = tpu.memref_slice %arg6[%squeeze3A_941, %dma_start3A_969] : memref<1000000x32xf32, #tpu.memory_space<hbm>> -> memref<1x32xf32, #tpu.memory_space<hbm>>
        %dma_start3A_971 = tpu.memref_squeeze %dma_start3A_970 : memref<1x32xf32, #tpu.memory_space<hbm>> -> memref<32xf32, #tpu.memory_space<hbm>>
        tpu.enqueue_dma source(%dma_start3A_971 : memref<32xf32, #tpu.memory_space<hbm>>) target(%dma_start3A_968 : memref<32xf32, #tpu.memory_space<vmem>>) target_semaphore(%arg18 : memref<!tpu.dma_semaphore, #tpu.memory_space<semaphore_mem>>)
        %add3A_972 = arith.constant 15 : i32
        %add3A_973 = arith.addi %mul3A_35, %add3A_972 : i32
        %dma_start3A_974 = arith.constant 0 : i32
        %dma_start3A_975 = tpu.memref_slice %arg15[%add3A_973, %dma_start3A_974] : memref<128x32xf32, #tpu.memory_space<vmem>> -> memref<1x32xf32, #tpu.memory_space<vmem>>
        %dma_start3A_976 = tpu.memref_squeeze %dma_start3A_975 : memref<1x32xf32, #tpu.memory_space<vmem>> -> memref<32xf32, #tpu.memory_space<vmem>>
        %dma_start3A_977 = arith.constant 0 : i32
        %dma_start3A_978 = tpu.memref_slice %arg5[%squeeze3A_943, %dma_start3A_977] : memref<1000000x32xf32, #tpu.memory_space<hbm>> -> memref<1x32xf32, #tpu.memory_space<hbm>>
        %dma_start3A_979 = tpu.memref_squeeze %dma_start3A_978 : memref<1x32xf32, #tpu.memory_space<hbm>> -> memref<32xf32, #tpu.memory_space<hbm>>
        %dma_start3A_980 = arith.constant 0 : i32
        %dma_start3A_981 = tpu.memref_slice %arg15[%add3A_973, %dma_start3A_980] : memref<128x32xf32, #tpu.memory_space<vmem>> -> memref<1x32xf32, #tpu.memory_space<vmem>>
        %dma_start3A_982 = tpu.memref_squeeze %dma_start3A_981 : memref<1x32xf32, #tpu.memory_space<vmem>> -> memref<32xf32, #tpu.memory_space<vmem>>
        %dma_start3A_983 = arith.constant 0 : i32
        %dma_start3A_984 = tpu.memref_slice %arg5[%squeeze3A_943, %dma_start3A_983] : memref<1000000x32xf32, #tpu.memory_space<hbm>> -> memref<1x32xf32, #tpu.memory_space<hbm>>
        %dma_start3A_985 = tpu.memref_squeeze %dma_start3A_984 : memref<1x32xf32, #tpu.memory_space<hbm>> -> memref<32xf32, #tpu.memory_space<hbm>>
        tpu.enqueue_dma source(%dma_start3A_985 : memref<32xf32, #tpu.memory_space<hbm>>) target(%dma_start3A_982 : memref<32xf32, #tpu.memory_space<vmem>>) target_semaphore(%arg18 : memref<!tpu.dma_semaphore, #tpu.memory_space<semaphore_mem>>)
        %add3A_986 = arith.constant 15 : i32
        %add3A_987 = arith.addi %mul3A_35, %add3A_986 : i32
        %dma_start3A_988 = arith.constant 0 : i32
        %dma_start3A_989 = tpu.memref_slice %arg17[%add3A_987, %dma_start3A_988] : memref<128x32xf32, #tpu.memory_space<vmem>> -> memref<1x32xf32, #tpu.memory_space<vmem>>
        %dma_start3A_990 = tpu.memref_squeeze %dma_start3A_989 : memref<1x32xf32, #tpu.memory_space<vmem>> -> memref<32xf32, #tpu.memory_space<vmem>>
        %dma_start3A_991 = arith.constant 0 : i32
        %dma_start3A_992 = tpu.memref_slice %arg7[%squeeze3A_943, %dma_start3A_991] : memref<1000000x32xf32, #tpu.memory_space<hbm>> -> memref<1x32xf32, #tpu.memory_space<hbm>>
        %dma_start3A_993 = tpu.memref_squeeze %dma_start3A_992 : memref<1x32xf32, #tpu.memory_space<hbm>> -> memref<32xf32, #tpu.memory_space<hbm>>
        %dma_start3A_994 = arith.constant 0 : i32
        %dma_start3A_995 = tpu.memref_slice %arg17[%add3A_987, %dma_start3A_994] : memref<128x32xf32, #tpu.memory_space<vmem>> -> memref<1x32xf32, #tpu.memory_space<vmem>>
        %dma_start3A_996 = tpu.memref_squeeze %dma_start3A_995 : memref<1x32xf32, #tpu.memory_space<vmem>> -> memref<32xf32, #tpu.memory_space<vmem>>
        %dma_start3A_997 = arith.constant 0 : i32
        %dma_start3A_998 = tpu.memref_slice %arg7[%squeeze3A_943, %dma_start3A_997] : memref<1000000x32xf32, #tpu.memory_space<hbm>> -> memref<1x32xf32, #tpu.memory_space<hbm>>
        %dma_start3A_999 = tpu.memref_squeeze %dma_start3A_998 : memref<1x32xf32, #tpu.memory_space<hbm>> -> memref<32xf32, #tpu.memory_space<hbm>>
        tpu.enqueue_dma source(%dma_start3A_999 : memref<32xf32, #tpu.memory_space<hbm>>) target(%dma_start3A_996 : memref<32xf32, #tpu.memory_space<vmem>>) target_semaphore(%arg18 : memref<!tpu.dma_semaphore, #tpu.memory_space<semaphore_mem>>)
        %scan3A_1000 = arith.constant 0 : i32
        scf.yield %scan3A_1000 : i32
      }
      %scan3A_19 = arith.constant 8 : i32
      %scan3A_20 = arith.constant 0 : i32
      %scan3A_21 = arith.constant 0 : i32
      %scan3A_22 = arith.constant 128 : i32
      %scan3A_23 = arith.addi %scan3A_21, %scan3A_22 : i32
      %scan3A_24 = arith.constant 1 : i32
      %scan3A_25 = scf.for %scan3A_32 = %scan3A_21 to %scan3A_23 step %scan3A_24 iter_args(%scan3A_33 = %scan3A_20) -> (i32)  : i32 {
        %dma_wait3A = arith.constant 0 : i32
        %dma_wait3A_34 = arith.constant 0 : i32
        %dma_wait3A_35 = tpu.memref_slice %arg14[%scan3A_32, %dma_wait3A_34] : memref<128x32xf32, #tpu.memory_space<vmem>> -> memref<1x32xf32, #tpu.memory_space<vmem>>
        %dma_wait3A_36 = tpu.memref_squeeze %dma_wait3A_35 : memref<1x32xf32, #tpu.memory_space<vmem>> -> memref<32xf32, #tpu.memory_space<vmem>>
        %dma_wait3A_37 = arith.constant 0 : i32
        %dma_wait3A_38 = tpu.memref_slice %arg4[%dma_wait3A, %dma_wait3A_37] : memref<1000000x32xf32, #tpu.memory_space<hbm>> -> memref<1x32xf32, #tpu.memory_space<hbm>>
        %dma_wait3A_39 = tpu.memref_squeeze %dma_wait3A_38 : memref<1x32xf32, #tpu.memory_space<hbm>> -> memref<32xf32, #tpu.memory_space<hbm>>
        %dma_wait3A_40 = arith.constant 0 : i32
        %dma_wait3A_41 = tpu.memref_slice %arg14[%scan3A_32, %dma_wait3A_40] : memref<128x32xf32, #tpu.memory_space<vmem>> -> memref<1x32xf32, #tpu.memory_space<vmem>>
        %dma_wait3A_42 = tpu.memref_squeeze %dma_wait3A_41 : memref<1x32xf32, #tpu.memory_space<vmem>> -> memref<32xf32, #tpu.memory_space<vmem>>
        %dma_wait3A_43 = arith.constant 0 : i32
        %dma_wait3A_44 = tpu.memref_slice %arg4[%dma_wait3A, %dma_wait3A_43] : memref<1000000x32xf32, #tpu.memory_space<hbm>> -> memref<1x32xf32, #tpu.memory_space<hbm>>
        %dma_wait3A_45 = tpu.memref_squeeze %dma_wait3A_44 : memref<1x32xf32, #tpu.memory_space<hbm>> -> memref<32xf32, #tpu.memory_space<hbm>>
        tpu.wait_dma2 semaphore(%arg18 : memref<!tpu.dma_semaphore, #tpu.memory_space<semaphore_mem>>) src(%dma_wait3A_45 : memref<32xf32, #tpu.memory_space<hbm>>) dst(%dma_wait3A_42 : memref<32xf32, #tpu.memory_space<vmem>>)
        %dma_wait3A_46 = arith.constant 0 : i32
        %dma_wait3A_47 = arith.constant 0 : i32
        %dma_wait3A_48 = tpu.memref_slice %arg16[%scan3A_32, %dma_wait3A_47] : memref<128x32xf32, #tpu.memory_space<vmem>> -> memref<1x32xf32, #tpu.memory_space<vmem>>
        %dma_wait3A_49 = tpu.memref_squeeze %dma_wait3A_48 : memref<1x32xf32, #tpu.memory_space<vmem>> -> memref<32xf32, #tpu.memory_space<vmem>>
        %dma_wait3A_50 = arith.constant 0 : i32
        %dma_wait3A_51 = tpu.memref_slice %arg6[%dma_wait3A_46, %dma_wait3A_50] : memref<1000000x32xf32, #tpu.memory_space<hbm>> -> memref<1x32xf32, #tpu.memory_space<hbm>>
        %dma_wait3A_52 = tpu.memref_squeeze %dma_wait3A_51 : memref<1x32xf32, #tpu.memory_space<hbm>> -> memref<32xf32, #tpu.memory_space<hbm>>
        %dma_wait3A_53 = arith.constant 0 : i32
        %dma_wait3A_54 = tpu.memref_slice %arg16[%scan3A_32, %dma_wait3A_53] : memref<128x32xf32, #tpu.memory_space<vmem>> -> memref<1x32xf32, #tpu.memory_space<vmem>>
        %dma_wait3A_55 = tpu.memref_squeeze %dma_wait3A_54 : memref<1x32xf32, #tpu.memory_space<vmem>> -> memref<32xf32, #tpu.memory_space<vmem>>
        %dma_wait3A_56 = arith.constant 0 : i32
        %dma_wait3A_57 = tpu.memref_slice %arg6[%dma_wait3A_46, %dma_wait3A_56] : memref<1000000x32xf32, #tpu.memory_space<hbm>> -> memref<1x32xf32, #tpu.memory_space<hbm>>
        %dma_wait3A_58 = tpu.memref_squeeze %dma_wait3A_57 : memref<1x32xf32, #tpu.memory_space<hbm>> -> memref<32xf32, #tpu.memory_space<hbm>>
        tpu.wait_dma2 semaphore(%arg18 : memref<!tpu.dma_semaphore, #tpu.memory_space<semaphore_mem>>) src(%dma_wait3A_58 : memref<32xf32, #tpu.memory_space<hbm>>) dst(%dma_wait3A_55 : memref<32xf32, #tpu.memory_space<vmem>>)
        %dma_wait3A_59 = arith.constant 0 : i32
        %dma_wait3A_60 = arith.constant 0 : i32
        %dma_wait3A_61 = tpu.memref_slice %arg15[%scan3A_32, %dma_wait3A_60] : memref<128x32xf32, #tpu.memory_space<vmem>> -> memref<1x32xf32, #tpu.memory_space<vmem>>
        %dma_wait3A_62 = tpu.memref_squeeze %dma_wait3A_61 : memref<1x32xf32, #tpu.memory_space<vmem>> -> memref<32xf32, #tpu.memory_space<vmem>>
        %dma_wait3A_63 = arith.constant 0 : i32
        %dma_wait3A_64 = tpu.memref_slice %arg5[%dma_wait3A_59, %dma_wait3A_63] : memref<1000000x32xf32, #tpu.memory_space<hbm>> -> memref<1x32xf32, #tpu.memory_space<hbm>>
        %dma_wait3A_65 = tpu.memref_squeeze %dma_wait3A_64 : memref<1x32xf32, #tpu.memory_space<hbm>> -> memref<32xf32, #tpu.memory_space<hbm>>
        %dma_wait3A_66 = arith.constant 0 : i32
        %dma_wait3A_67 = tpu.memref_slice %arg15[%scan3A_32, %dma_wait3A_66] : memref<128x32xf32, #tpu.memory_space<vmem>> -> memref<1x32xf32, #tpu.memory_space<vmem>>
        %dma_wait3A_68 = tpu.memref_squeeze %dma_wait3A_67 : memref<1x32xf32, #tpu.memory_space<vmem>> -> memref<32xf32, #tpu.memory_space<vmem>>
        %dma_wait3A_69 = arith.constant 0 : i32
        %dma_wait3A_70 = tpu.memref_slice %arg5[%dma_wait3A_59, %dma_wait3A_69] : memref<1000000x32xf32, #tpu.memory_space<hbm>> -> memref<1x32xf32, #tpu.memory_space<hbm>>
        %dma_wait3A_71 = tpu.memref_squeeze %dma_wait3A_70 : memref<1x32xf32, #tpu.memory_space<hbm>> -> memref<32xf32, #tpu.memory_space<hbm>>
        tpu.wait_dma2 semaphore(%arg18 : memref<!tpu.dma_semaphore, #tpu.memory_space<semaphore_mem>>) src(%dma_wait3A_71 : memref<32xf32, #tpu.memory_space<hbm>>) dst(%dma_wait3A_68 : memref<32xf32, #tpu.memory_space<vmem>>)
        %dma_wait3A_72 = arith.constant 0 : i32
        %dma_wait3A_73 = arith.constant 0 : i32
        %dma_wait3A_74 = tpu.memref_slice %arg17[%scan3A_32, %dma_wait3A_73] : memref<128x32xf32, #tpu.memory_space<vmem>> -> memref<1x32xf32, #tpu.memory_space<vmem>>
        %dma_wait3A_75 = tpu.memref_squeeze %dma_wait3A_74 : memref<1x32xf32, #tpu.memory_space<vmem>> -> memref<32xf32, #tpu.memory_space<vmem>>
        %dma_wait3A_76 = arith.constant 0 : i32
        %dma_wait3A_77 = tpu.memref_slice %arg7[%dma_wait3A_72, %dma_wait3A_76] : memref<1000000x32xf32, #tpu.memory_space<hbm>> -> memref<1x32xf32, #tpu.memory_space<hbm>>
        %dma_wait3A_78 = tpu.memref_squeeze %dma_wait3A_77 : memref<1x32xf32, #tpu.memory_space<hbm>> -> memref<32xf32, #tpu.memory_space<hbm>>
        %dma_wait3A_79 = arith.constant 0 : i32
        %dma_wait3A_80 = tpu.memref_slice %arg17[%scan3A_32, %dma_wait3A_79] : memref<128x32xf32, #tpu.memory_space<vmem>> -> memref<1x32xf32, #tpu.memory_space<vmem>>
        %dma_wait3A_81 = tpu.memref_squeeze %dma_wait3A_80 : memref<1x32xf32, #tpu.memory_space<vmem>> -> memref<32xf32, #tpu.memory_space<vmem>>
        %dma_wait3A_82 = arith.constant 0 : i32
        %dma_wait3A_83 = tpu.memref_slice %arg7[%dma_wait3A_72, %dma_wait3A_82] : memref<1000000x32xf32, #tpu.memory_space<hbm>> -> memref<1x32xf32, #tpu.memory_space<hbm>>
        %dma_wait3A_84 = tpu.memref_squeeze %dma_wait3A_83 : memref<1x32xf32, #tpu.memory_space<hbm>> -> memref<32xf32, #tpu.memory_space<hbm>>
        tpu.wait_dma2 semaphore(%arg18 : memref<!tpu.dma_semaphore, #tpu.memory_space<semaphore_mem>>) src(%dma_wait3A_84 : memref<32xf32, #tpu.memory_space<hbm>>) dst(%dma_wait3A_81 : memref<32xf32, #tpu.memory_space<vmem>>)
        %scan3A_85 = arith.constant 0 : i32
        scf.yield %scan3A_85 : i32
      }
      %scan3A_26 = arith.constant 128 : i32
      %add3A_27 = arith.addi %mul3A_2, %mul3A_12 : i32
      "tpu.region"() ({
        %run_scoped3A = tpu.sem_alloc : memref<!tpu.dma_semaphore, #tpu.memory_space<semaphore_mem>>
        %dma_start3A = arith.constant 0 : i32
        %dma_start3A_32 = tpu.memref_slice %arg8[%add3A_27, %dma_start3A] : memref<16384x32xf32, #tpu.memory_space<hbm>> -> memref<128x32xf32, #tpu.memory_space<hbm>>
        %dma_start3A_33 = arith.constant 0 : i32
        %dma_start3A_34 = tpu.memref_slice %arg8[%add3A_27, %dma_start3A_33] : memref<16384x32xf32, #tpu.memory_space<hbm>> -> memref<128x32xf32, #tpu.memory_space<hbm>>
        tpu.enqueue_dma source(%arg14 : memref<128x32xf32, #tpu.memory_space<vmem>>) target(%dma_start3A_34 : memref<128x32xf32, #tpu.memory_space<hbm>>) target_semaphore(%run_scoped3A : memref<!tpu.dma_semaphore, #tpu.memory_space<semaphore_mem>>)
        %dma_wait3A = arith.constant 0 : i32
        %dma_wait3A_35 = tpu.memref_slice %arg8[%add3A_27, %dma_wait3A] : memref<16384x32xf32, #tpu.memory_space<hbm>> -> memref<128x32xf32, #tpu.memory_space<hbm>>
        %dma_wait3A_36 = arith.constant 0 : i32
        %dma_wait3A_37 = tpu.memref_slice %arg8[%add3A_27, %dma_wait3A_36] : memref<16384x32xf32, #tpu.memory_space<hbm>> -> memref<128x32xf32, #tpu.memory_space<hbm>>
        tpu.wait_dma2 semaphore(%run_scoped3A : memref<!tpu.dma_semaphore, #tpu.memory_space<semaphore_mem>>) src(%arg14 : memref<128x32xf32, #tpu.memory_space<vmem>>) dst(%dma_wait3A_37 : memref<128x32xf32, #tpu.memory_space<hbm>>)
        tpu.yield
      }) : () -> ()
      %add3A_28 = arith.addi %mul3A_2, %mul3A_12 : i32
      "tpu.region"() ({
        %run_scoped3A = tpu.sem_alloc : memref<!tpu.dma_semaphore, #tpu.memory_space<semaphore_mem>>
        %dma_start3A = arith.constant 0 : i32
        %dma_start3A_32 = tpu.memref_slice %arg9[%add3A_28, %dma_start3A] : memref<16384x32xf32, #tpu.memory_space<hbm>> -> memref<128x32xf32, #tpu.memory_space<hbm>>
        %dma_start3A_33 = arith.constant 0 : i32
        %dma_start3A_34 = tpu.memref_slice %arg9[%add3A_28, %dma_start3A_33] : memref<16384x32xf32, #tpu.memory_space<hbm>> -> memref<128x32xf32, #tpu.memory_space<hbm>>
        tpu.enqueue_dma source(%arg15 : memref<128x32xf32, #tpu.memory_space<vmem>>) target(%dma_start3A_34 : memref<128x32xf32, #tpu.memory_space<hbm>>) target_semaphore(%run_scoped3A : memref<!tpu.dma_semaphore, #tpu.memory_space<semaphore_mem>>)
        %dma_wait3A = arith.constant 0 : i32
        %dma_wait3A_35 = tpu.memref_slice %arg9[%add3A_28, %dma_wait3A] : memref<16384x32xf32, #tpu.memory_space<hbm>> -> memref<128x32xf32, #tpu.memory_space<hbm>>
        %dma_wait3A_36 = arith.constant 0 : i32
        %dma_wait3A_37 = tpu.memref_slice %arg9[%add3A_28, %dma_wait3A_36] : memref<16384x32xf32, #tpu.memory_space<hbm>> -> memref<128x32xf32, #tpu.memory_space<hbm>>
        tpu.wait_dma2 semaphore(%run_scoped3A : memref<!tpu.dma_semaphore, #tpu.memory_space<semaphore_mem>>) src(%arg15 : memref<128x32xf32, #tpu.memory_space<vmem>>) dst(%dma_wait3A_37 : memref<128x32xf32, #tpu.memory_space<hbm>>)
        tpu.yield
      }) : () -> ()
      %add3A_29 = arith.addi %mul3A_2, %mul3A_12 : i32
      "tpu.region"() ({
        %run_scoped3A = tpu.sem_alloc : memref<!tpu.dma_semaphore, #tpu.memory_space<semaphore_mem>>
        %dma_start3A = arith.constant 0 : i32
        %dma_start3A_32 = tpu.memref_slice %arg10[%add3A_29, %dma_start3A] : memref<16384x32xf32, #tpu.memory_space<hbm>> -> memref<128x32xf32, #tpu.memory_space<hbm>>
        %dma_start3A_33 = arith.constant 0 : i32
        %dma_start3A_34 = tpu.memref_slice %arg10[%add3A_29, %dma_start3A_33] : memref<16384x32xf32, #tpu.memory_space<hbm>> -> memref<128x32xf32, #tpu.memory_space<hbm>>
        tpu.enqueue_dma source(%arg16 : memref<128x32xf32, #tpu.memory_space<vmem>>) target(%dma_start3A_34 : memref<128x32xf32, #tpu.memory_space<hbm>>) target_semaphore(%run_scoped3A : memref<!tpu.dma_semaphore, #tpu.memory_space<semaphore_mem>>)
        %dma_wait3A = arith.constant 0 : i32
        %dma_wait3A_35 = tpu.memref_slice %arg10[%add3A_29, %dma_wait3A] : memref<16384x32xf32, #tpu.memory_space<hbm>> -> memref<128x32xf32, #tpu.memory_space<hbm>>
        %dma_wait3A_36 = arith.constant 0 : i32
        %dma_wait3A_37 = tpu.memref_slice %arg10[%add3A_29, %dma_wait3A_36] : memref<16384x32xf32, #tpu.memory_space<hbm>> -> memref<128x32xf32, #tpu.memory_space<hbm>>
        tpu.wait_dma2 semaphore(%run_scoped3A : memref<!tpu.dma_semaphore, #tpu.memory_space<semaphore_mem>>) src(%arg16 : memref<128x32xf32, #tpu.memory_space<vmem>>) dst(%dma_wait3A_37 : memref<128x32xf32, #tpu.memory_space<hbm>>)
        tpu.yield
      }) : () -> ()
      %add3A_30 = arith.addi %mul3A_2, %mul3A_12 : i32
      "tpu.region"() ({
        %run_scoped3A = tpu.sem_alloc : memref<!tpu.dma_semaphore, #tpu.memory_space<semaphore_mem>>
        %dma_start3A = arith.constant 0 : i32
        %dma_start3A_32 = tpu.memref_slice %arg11[%add3A_30, %dma_start3A] : memref<16384x32xf32, #tpu.memory_space<hbm>> -> memref<128x32xf32, #tpu.memory_space<hbm>>
        %dma_start3A_33 = arith.constant 0 : i32
        %dma_start3A_34 = tpu.memref_slice %arg11[%add3A_30, %dma_start3A_33] : memref<16384x32xf32, #tpu.memory_space<hbm>> -> memref<128x32xf32, #tpu.memory_space<hbm>>
        tpu.enqueue_dma source(%arg17 : memref<128x32xf32, #tpu.memory_space<vmem>>) target(%dma_start3A_34 : memref<128x32xf32, #tpu.memory_space<hbm>>) target_semaphore(%run_scoped3A : memref<!tpu.dma_semaphore, #tpu.memory_space<semaphore_mem>>)
        %dma_wait3A = arith.constant 0 : i32
        %dma_wait3A_35 = tpu.memref_slice %arg11[%add3A_30, %dma_wait3A] : memref<16384x32xf32, #tpu.memory_space<hbm>> -> memref<128x32xf32, #tpu.memory_space<hbm>>
        %dma_wait3A_36 = arith.constant 0 : i32
        %dma_wait3A_37 = tpu.memref_slice %arg11[%add3A_30, %dma_wait3A_36] : memref<16384x32xf32, #tpu.memory_space<hbm>> -> memref<128x32xf32, #tpu.memory_space<hbm>>
        tpu.wait_dma2 semaphore(%run_scoped3A : memref<!tpu.dma_semaphore, #tpu.memory_space<semaphore_mem>>) src(%arg17 : memref<128x32xf32, #tpu.memory_space<vmem>>) dst(%dma_wait3A_37 : memref<128x32xf32, #tpu.memory_space<hbm>>)
        tpu.yield
      }) : () -> ()
      %scan3A_31 = arith.constant 0 : i32
      scf.yield %scan3A_31 : i32
    }
    %scan3A_8 = arith.constant 4 : i32
    return
  }
}

module attributes {stable_mosaic.version = 14 : i64} {
  func.func @_tc_body(%arg0: i32, %arg1: memref<2048x32xf32, #tpu.memory_space<vmem>>, %arg2: memref<2048x32xf32, #tpu.memory_space<vmem>>, %arg3: memref<2048x32xf32, #tpu.memory_space<vmem>>, %arg4: memref<2048x32xf32, #tpu.memory_space<vmem>>, %arg5: memref<64x64xf32, #tpu.memory_space<vmem>>, %arg6: memref<1x64xf32, #tpu.memory_space<vmem>>, %arg7: memref<64x32xf32, #tpu.memory_space<vmem>>, %arg8: memref<1x32xf32, #tpu.memory_space<vmem>>, %arg9: memref<32x16xf32, #tpu.memory_space<vmem>>, %arg10: memref<1x16xf32, #tpu.memory_space<vmem>>, %arg11: memref<48x1xf32, #tpu.memory_space<vmem>>, %arg12: memref<2048x1xf32, #tpu.memory_space<vmem>>) attributes {dimension_semantics = [#tpu.dimension_semantics<arbitrary>], iteration_bounds = array<i64: 8>, scalar_prefetch = 0 : i64, scratch_operands = 0 : i64, tpu.core_type = #tpu.core_type<tc>, window_params = [{transform_indices = @transform_0, window_bounds = array<i64: 2048, 32>}, {transform_indices = @transform_1, window_bounds = array<i64: 2048, 32>}, {transform_indices = @transform_2, window_bounds = array<i64: 2048, 32>}, {transform_indices = @transform_3, window_bounds = array<i64: 2048, 32>}, {pipeline_mode = #tpu.pipeline_mode<synchronous>, transform_indices = @transform_4, window_bounds = array<i64: 64, 64>}, {pipeline_mode = #tpu.pipeline_mode<synchronous>, transform_indices = @transform_5, window_bounds = array<i64: 1, 64>}, {pipeline_mode = #tpu.pipeline_mode<synchronous>, transform_indices = @transform_6, window_bounds = array<i64: 64, 32>}, {pipeline_mode = #tpu.pipeline_mode<synchronous>, transform_indices = @transform_7, window_bounds = array<i64: 1, 32>}, {pipeline_mode = #tpu.pipeline_mode<synchronous>, transform_indices = @transform_8, window_bounds = array<i64: 32, 16>}, {pipeline_mode = #tpu.pipeline_mode<synchronous>, transform_indices = @transform_9, window_bounds = array<i64: 1, 16>}, {pipeline_mode = #tpu.pipeline_mode<synchronous>, transform_indices = @transform_10, window_bounds = array<i64: 48, 1>}, {transform_indices = @transform_11, window_bounds = array<i64: 2048, 1>}]} {
    %get3A = arith.constant 0 : index
    %get3A_0 = arith.constant 0 : index
    %get3A_1 = vector.load %arg3[%get3A, %get3A_0] : memref<2048x32xf32, #tpu.memory_space<vmem>>, vector<2048x32xf32>
    %get3A_2 = arith.constant 0 : index
    %get3A_3 = arith.constant 0 : index
    %get3A_4 = vector.load %arg4[%get3A_2, %get3A_3] : memref<2048x32xf32, #tpu.memory_space<vmem>>, vector<2048x32xf32>
    %concatenate3A = tpu.concatenate %get3A_1, %get3A_4 in 1 : vector<2048x32xf32>, vector<2048x32xf32> -> vector<2048x64xf32>
    %get3A_5 = arith.constant 0 : index
    %get3A_6 = arith.constant 0 : index
    %get3A_7 = vector.load %arg5[%get3A_5, %get3A_6] : memref<64x64xf32, #tpu.memory_space<vmem>>, vector<64x64xf32>
    %dot_general3A = arith.constant dense<0.000000e+00> : vector<2048x64xf32>
    %dot_general3A_8 = tpu.matmul %concatenate3A, %get3A_7, %dot_general3A {dimension_numbers = #tpu.dot_dimension_numbers<[1], [0], [0], [1], [0, 0, 1, 1], [], []>, transpose_lhs_hint = false} : vector<2048x64xf32>, vector<64x64xf32>, vector<2048x64xf32> -> vector<2048x64xf32>
    %get3A_9 = arith.constant 0 : index
    %get3A_10 = arith.constant 0 : index
    %get3A_11 = vector.load %arg6[%get3A_9, %get3A_10] : memref<1x64xf32, #tpu.memory_space<vmem>>, vector<1x64xf32>
    %add3A = vector.broadcast %get3A_11 : vector<1x64xf32> to vector<2048x64xf32>
    %add3A_12 = arith.addf %dot_general3A_8, %add3A : vector<2048x64xf32>
    %max3A = arith.constant 0.000000e+00 : f32
    %max3A_13 = vector.broadcast %max3A : f32 to vector<2048x64xf32>
    %max3A_14 = arith.maximumf %add3A_12, %max3A_13 : vector<2048x64xf32>
    %get3A_15 = arith.constant 0 : index
    %get3A_16 = arith.constant 0 : index
    %get3A_17 = vector.load %arg7[%get3A_15, %get3A_16] : memref<64x32xf32, #tpu.memory_space<vmem>>, vector<64x32xf32>
    %dot_general3A_18 = arith.constant dense<0.000000e+00> : vector<2048x32xf32>
    %dot_general3A_19 = tpu.matmul %max3A_14, %get3A_17, %dot_general3A_18 {dimension_numbers = #tpu.dot_dimension_numbers<[1], [0], [0], [1], [0, 0, 1, 1], [], []>, transpose_lhs_hint = false} : vector<2048x64xf32>, vector<64x32xf32>, vector<2048x32xf32> -> vector<2048x32xf32>
    %get3A_20 = arith.constant 0 : index
    %get3A_21 = arith.constant 0 : index
    %get3A_22 = vector.load %arg8[%get3A_20, %get3A_21] : memref<1x32xf32, #tpu.memory_space<vmem>>, vector<1x32xf32>
    %add3A_23 = vector.broadcast %get3A_22 : vector<1x32xf32> to vector<2048x32xf32>
    %add3A_24 = arith.addf %dot_general3A_19, %add3A_23 : vector<2048x32xf32>
    %max3A_25 = arith.constant 0.000000e+00 : f32
    %max3A_26 = vector.broadcast %max3A_25 : f32 to vector<2048x32xf32>
    %max3A_27 = arith.maximumf %add3A_24, %max3A_26 : vector<2048x32xf32>
    %get3A_28 = arith.constant 0 : index
    %get3A_29 = arith.constant 0 : index
    %get3A_30 = vector.load %arg9[%get3A_28, %get3A_29] : memref<32x16xf32, #tpu.memory_space<vmem>>, vector<32x16xf32>
    %dot_general3A_31 = arith.constant dense<0.000000e+00> : vector<2048x16xf32>
    %dot_general3A_32 = tpu.matmul %max3A_27, %get3A_30, %dot_general3A_31 {dimension_numbers = #tpu.dot_dimension_numbers<[1], [0], [0], [1], [0, 0, 1, 1], [], []>, transpose_lhs_hint = false} : vector<2048x32xf32>, vector<32x16xf32>, vector<2048x16xf32> -> vector<2048x16xf32>
    %get3A_33 = arith.constant 0 : index
    %get3A_34 = arith.constant 0 : index
    %get3A_35 = vector.load %arg10[%get3A_33, %get3A_34] : memref<1x16xf32, #tpu.memory_space<vmem>>, vector<1x16xf32>
    %add3A_36 = vector.broadcast %get3A_35 : vector<1x16xf32> to vector<2048x16xf32>
    %add3A_37 = arith.addf %dot_general3A_32, %add3A_36 : vector<2048x16xf32>
    %max3A_38 = arith.constant 0.000000e+00 : f32
    %max3A_39 = vector.broadcast %max3A_38 : f32 to vector<2048x16xf32>
    %max3A_40 = arith.maximumf %add3A_37, %max3A_39 : vector<2048x16xf32>
    %get3A_41 = arith.constant 0 : index
    %get3A_42 = arith.constant 0 : index
    %get3A_43 = vector.load %arg1[%get3A_41, %get3A_42] : memref<2048x32xf32, #tpu.memory_space<vmem>>, vector<2048x32xf32>
    %get3A_44 = arith.constant 0 : index
    %get3A_45 = arith.constant 0 : index
    %get3A_46 = vector.load %arg2[%get3A_44, %get3A_45] : memref<2048x32xf32, #tpu.memory_space<vmem>>, vector<2048x32xf32>
    %mul3A = arith.mulf %get3A_43, %get3A_46 : vector<2048x32xf32>
    %concatenate3A_47 = tpu.concatenate %mul3A, %max3A_40 in 1 : vector<2048x32xf32>, vector<2048x16xf32> -> vector<2048x48xf32>
    %get3A_48 = arith.constant 0 : index
    %get3A_49 = arith.constant 0 : index
    %get3A_50 = vector.load %arg11[%get3A_48, %get3A_49] : memref<48x1xf32, #tpu.memory_space<vmem>>, vector<48x1xf32>
    %dot_general3A_51 = arith.constant dense<0.000000e+00> : vector<2048x1xf32>
    %dot_general3A_52 = tpu.matmul %concatenate3A_47, %get3A_50, %dot_general3A_51 {dimension_numbers = #tpu.dot_dimension_numbers<[1], [0], [0], [1], [0, 0, 1, 1], [], []>, transpose_lhs_hint = false} : vector<2048x48xf32>, vector<48x1xf32>, vector<2048x1xf32> -> vector<2048x1xf32>
    %swap3A = arith.constant 0 : index
    %swap3A_53 = arith.constant 0 : index
    %swap3A_54 = vector.load %arg12[%swap3A, %swap3A_53] : memref<2048x1xf32, #tpu.memory_space<vmem>>, vector<2048x1xf32>
    tpu.vector_store %arg12[%swap3A, %swap3A_53], %dot_general3A_52 {strides = array<i32>} : memref<2048x1xf32, #tpu.memory_space<vmem>>, vector<2048x1xf32>,
    return
  }
  func.func @transform_0(%arg0: i32) -> (i32, i32) {
    %c0_i32 = arith.constant 0 : i32
    %c0_i32_0 = arith.constant 0 : i32
    return %arg0, %c0_i32 : i32, i32
  }
  func.func @transform_1(%arg0: i32) -> (i32, i32) {
    %c0_i32 = arith.constant 0 : i32
    %c0_i32_0 = arith.constant 0 : i32
    return %arg0, %c0_i32 : i32, i32
  }
  func.func @transform_2(%arg0: i32) -> (i32, i32) {
    %c0_i32 = arith.constant 0 : i32
    %c0_i32_0 = arith.constant 0 : i32
    return %arg0, %c0_i32 : i32, i32
  }
  func.func @transform_3(%arg0: i32) -> (i32, i32) {
    %c0_i32 = arith.constant 0 : i32
    %c0_i32_0 = arith.constant 0 : i32
    return %arg0, %c0_i32 : i32, i32
  }
  func.func @transform_4(%arg0: i32) -> (i32, i32) {
    %c0_i32 = arith.constant 0 : i32
    %c0_i32_0 = arith.constant 0 : i32
    %c0_i32_1 = arith.constant 0 : i32
    return %c0_i32, %c0_i32_0 : i32, i32
  }
  func.func @transform_5(%arg0: i32) -> (i32, i32) {
    %c0_i32 = arith.constant 0 : i32
    %c0_i32_0 = arith.constant 0 : i32
    %c0_i32_1 = arith.constant 0 : i32
    return %c0_i32, %c0_i32_0 : i32, i32
  }
  func.func @transform_6(%arg0: i32) -> (i32, i32) {
    %c0_i32 = arith.constant 0 : i32
    %c0_i32_0 = arith.constant 0 : i32
    %c0_i32_1 = arith.constant 0 : i32
    return %c0_i32, %c0_i32_0 : i32, i32
  }
  func.func @transform_7(%arg0: i32) -> (i32, i32) {
    %c0_i32 = arith.constant 0 : i32
    %c0_i32_0 = arith.constant 0 : i32
    %c0_i32_1 = arith.constant 0 : i32
    return %c0_i32, %c0_i32_0 : i32, i32
  }
  func.func @transform_8(%arg0: i32) -> (i32, i32) {
    %c0_i32 = arith.constant 0 : i32
    %c0_i32_0 = arith.constant 0 : i32
    %c0_i32_1 = arith.constant 0 : i32
    return %c0_i32, %c0_i32_0 : i32, i32
  }
  func.func @transform_9(%arg0: i32) -> (i32, i32) {
    %c0_i32 = arith.constant 0 : i32
    %c0_i32_0 = arith.constant 0 : i32
    %c0_i32_1 = arith.constant 0 : i32
    return %c0_i32, %c0_i32_0 : i32, i32
  }
  func.func @transform_10(%arg0: i32) -> (i32, i32) {
    %c0_i32 = arith.constant 0 : i32
    %c0_i32_0 = arith.constant 0 : i32
    %c0_i32_1 = arith.constant 0 : i32
    return %c0_i32, %c0_i32_0 : i32, i32
  }
  func.func @transform_11(%arg0: i32) -> (i32, i32) {
    %c0_i32 = arith.constant 0 : i32
    %c0_i32_0 = arith.constant 0 : i32
    return %arg0, %c0_i32 : i32, i32
  }
}

</mosaic_0001>

<sc_bundles>
// kernel: kernel.4.cloned.1.call-start
scs
__scs_entry_jumppad:
0x0: {  	(pc) =	sbr.rel $0x88, $3  }
0x1: {  	(tag) =	ssettag $0x0;
	lr =	simm.s32 $0x1  }
0x2: {  	[smem:$0x3F94] =	sst lr;
	_ =	strace $0xD0000000  }
0x3: {  	_ = 	snop  }
0x4: {  	_ = 	snop  }
0x5: {  	_ = 	snop  }
0x6: {  	_ = 	snop  }
0x7: {  	_ = 	snop  }
__scs_overlays_trampoline_lowered:
0x8: {  	[smem:$0x3FA3] =	sst s0  }
0x9: {  	[smem:$0x3FA4] =	sst s1  }
0xa: {  	[smem:$0x3FA5] =	sst s2  }
0xb: {  	[smem:$0x3FA6] =	sst s3  }
0xc: {  	[smem:$0x3FA7] =	sst s4  }
0xd: {  	[smem:$0x3FA8] =	sst s5  }
0xe: {  	[smem:$0x3FA9] =	sst s6  }
0xf: {  	[smem:$0x3FAA] =	sst s7  }
0x10: {  	[smem:$0x3FAB] =	sst s8  }
0x11: {  	[smem:$0x3FAC] =	sst s9;
	s0 =	simm.s32 @!p0 $0x0  }
0x12: {  	s1 =	sld [smem:$0x3F92];
	s0 =	simm.s32 @p0 $0x1  }
0x13: {  	[smem:$0x3FAD] =	sst s0;
	s0 =	simm.s32 @!p1 $0x0  }
0x14: {  	s2 =	sld [smem:$0x3F91];
	s0 =	simm.s32 @p1 $0x1  }
0x15: {  	[smem:$0x3FAE] =	sst s0;
	s0 =	simm.s32 @!p2 $0x0  }
0x16: {  	s3 =	sld [smem:$0x3FDB];
	s0 =	simm.s32 @p2 $0x1  }
0x17: {  	s4 =	simm.s32 $0x1BF5;
	[smem:$0x3FB0] =	sst s0  }
0x18: {  	s0 =	sld [smem:$0x3F93];
	_ =	swait.ge [sflag:s4], $0x0  }
0x19: {  	s7 =	sld [smem:$0x3F94]  }
0x1a: {  	s8 =	sadd.s32 $0xFFFFE003, lr  }
0x1b: {  	s9 =	sadd.s32 $0xFFFFFEF7, lr;
	s5 =	simm.s32 $0xFFFFFFFF;
	p2 =	slt.u32 s8, $0xFFFFF086  }
0x1c: {  	p1 =	slt.u32 s9, $0xF7A;
	s5 =	simm.s32 @!p2 $0x0  }
0x1d: {  	s5 =	simm.s32 @p1 $0x1;
	p0 =	seq.s32 s7, s2  }
0x1e: {  	s7 =	smul.u32 @!p0 $0xF7A, s2;
	p2 =	seq.s32 @!p0 s5, $0x0  }
0x1f: {  	s9 =	smul.u32 $0xF7A, s1;
	s8 =	simm.s32 @!p0 $0x1BF5;
	p2 =	por !p2, p0  }
0x20: {  	[sflag:s8] =	ssyncset.s32 @!p0 $0xFFFFF086;
	s6 =	sadd.s32 @!p0 s3, s7;
	s7 =	simm.s32 @!p0 $0x108  }
0x21: {  	s3 =	sadd.s32 s3, s9;
	s6 =	sadd.s32 @!p0 $0x88, s6;
	s7 =	simm.s32 @p2 $0x1082  }
0x22: {  	[simem:s7], [sflag:s8] =	dma.local @!p0 [hbm:s6], $0xF7A  }
0x23: {  	s9 =	sor.u32 $0xD0000000, s2;
	s6 =	simm.s32 $0x108;
	_ =	swait.ge @!p0 [sflag:s8], $0x0  }
0x24: {  	s3 =	sadd.s32 $0x88, s3;
	s6 =	simm.s32 @!p1 $0x1082;
	[sflag:s4] =	ssyncset.s32 $0xFFFFF086  }
0x25: {  	[simem:s6], [sflag:s4] =	dma.local [hbm:s3], $0xF7A  }
0x26: {  	[smem:$0x3F94] =	sst s1;
	(tag) =	ssettag s2;
	_ =	strace s9  }
0x27: {  	s1 =	sld [smem:$0x3FA4]  }
0x28: {  	s2 =	sld [smem:$0x3FA5]  }
0x29: {  	s4 =	sld [smem:$0x3FA7]  }
0x2a: {  	p0 =	seq.s32 s5, $0x0;
	s5 =	sld [smem:$0x3FA8]  }
0x2b: {  	s6 =	sld [smem:$0x3FA9]  }
0x2c: {  	s7 =	sld [smem:$0x3FAA]  }
0x2d: {  	s3 =	simm.s32 $0x108;
	s8 =	sld [smem:$0x3FAB]  }
0x2e: {  	s3 =	simm.s32 @!p0 $0x1082;
	s9 =	sld [smem:$0x3FAC]  }
0x2f: {  	lr =	sadd.s32 s0, s3;
	s0 =	sld [smem:$0x3FA3]  }
0x30: {  	s3 =	sld [smem:$0x3FA6]  }
0x31: {  	[smem:$0x3FAF] =	sst s10  }
0x32: {  	s10 =	sld [smem:$0x3FAD];
	_ =	sdelay $0x3  }
0x33: {  	p0 =	seq.s32 s10, $0x1;
	s10 =	sld [smem:$0x3FAF];
	_ =	sdelay $0x3  }
0x34: {  	[smem:$0x3FAF] =	sst s10  }
0x35: {  	s10 =	sld [smem:$0x3FAE];
	_ =	sdelay $0x3  }
0x36: {  	p1 =	seq.s32 s10, $0x1;
	s10 =	sld [smem:$0x3FAF];
	_ =	sdelay $0x3  }
0x37: {  	[smem:$0x3FAF] =	sst s10  }
0x38: {  	s10 =	sld [smem:$0x3FB0]  }
0x39: {  	_ = 	snop;
	(pc) =	sbr.ind lr, $3  }
0x3a: {  	_ = 	snop  }
0x3b: {  	_ = 	snop  }
0x3c: {  	p2 =	seq.s32 s10, $0x1;
	s10 =	sld [smem:$0x3FAF]  }
0x3d: {  	_ =	shalt  }
0x3e: {  	_ =	shalt  }
0x3f: {  	_ =	shalt  }
0x40: {  	_ =	shalt  }
0x41: {  	_ =	shalt  }
0x42: {  	_ =	shalt  }
0x43: {  	_ =	shalt  }
0x44: {  	_ =	shalt  }
0x45: {  	_ =	shalt  }
0x46: {  	_ =	shalt  }
0x47: {  	_ =	shalt  }
0x48: {  	_ =	shalt  }
0x49: {  	_ =	shalt  }
0x4a: {  	_ =	shalt  }
0x4b: {  	_ =	shalt  }
0x4c: {  	_ =	shalt  }
0x4d: {  	_ =	shalt  }
0x4e: {  	_ =	shalt  }
0x4f: {  	_ =	shalt  }
0x50: {  	_ =	shalt  }
0x51: {  	_ =	shalt  }
0x52: {  	_ =	shalt  }
0x53: {  	_ =	shalt  }
0x54: {  	_ =	shalt  }
0x55: {  	_ =	shalt  }
0x56: {  	_ =	shalt  }
0x57: {  	_ =	shalt  }
0x58: {  	_ =	shalt  }
0x59: {  	_ =	shalt  }
0x5a: {  	_ =	shalt  }
0x5b: {  	_ =	shalt  }
0x5c: {  	_ =	shalt  }
0x5d: {  	_ =	shalt  }
0x5e: {  	_ =	shalt  }
0x5f: {  	_ =	shalt  }
0x60: {  	_ =	shalt  }
0x61: {  	_ =	shalt  }
0x62: {  	_ =	shalt  }
0x63: {  	_ =	shalt  }
0x64: {  	_ =	shalt  }
0x65: {  	_ =	shalt  }
0x66: {  	_ =	shalt  }
0x67: {  	_ =	shalt  }
0x68: {  	_ =	shalt  }
0x69: {  	_ =	shalt  }
0x6a: {  	_ =	shalt  }
0x6b: {  	_ =	shalt  }
0x6c: {  	_ =	shalt  }
0x6d: {  	_ =	shalt  }
0x6e: {  	_ =	shalt  }
0x6f: {  	_ =	shalt  }
0x70: {  	_ =	shalt  }
0x71: {  	_ =	shalt  }
0x72: {  	_ =	shalt  }
0x73: {  	_ =	shalt  }
0x74: {  	_ =	shalt  }
0x75: {  	_ =	shalt  }
0x76: {  	_ =	shalt  }
0x77: {  	_ =	shalt  }
0x78: {  	_ =	shalt  }
0x79: {  	_ =	shalt  }
0x7a: {  	_ =	shalt  }
0x7b: {  	_ =	shalt  }
0x7c: {  	_ =	shalt  }
0x7d: {  	_ =	shalt  }
0x7e: {  	_ =	shalt  }
0x7f: {  	_ =	shalt  }
0x80: {  	_ =	shalt  }
0x81: {  	_ =	shalt  }
0x82: {  	_ =	shalt  }
0x83: {  	_ =	shalt  }
0x84: {  	_ =	shalt  }
0x85: {  	_ =	shalt  }
0x86: {  	_ =	shalt  }
0x87: {  	_ =	shalt  }
.Lfunc_end0:
.L_simem_size_0:
called_computation_lowered:
.L_overlay_start_0:
0x88: {  	s2 =	sld [smem:$0x3FD9]  }
0x89: {  	s3 =	sld [smem:$0x3FFE];
	_ =	sdelay $0x1  }
0x8a: {  	s1 =	srdreg.scid  }
0x8b: {  	s0 =	sand.u32 $0x1, s1  }
0x8c: {  	s17 =	sshll.u32 s0, $0xA;
	s2 =	sadd.s32 s3, s2  }
0x8d: {  	s2 =	sadd.s32 s2, s17  }
0x8e: {  	[smem:$0x3FBB] =	sst s2  }
0x8f: {  	_ = 	snop  }
0x90: {  	s2 =	sld [smem:$0x3FC9]  }
0x91: {  	s18 =	sld [smem:$0x3FC8];
	(tm) =	ssettm $0x1  }
0x92: {  	s4 =	sld [smem:$0x3FFB];
	_ =	sdelay $0x3  }
0x93: {  	_ =	strace s4  }
0x94: {  	s4 =	sld [smem:$0x3FFC];
	_ =	sdelay $0x3  }
0x95: {  	_ =	strace s4  }
0x96: {  	s4 =	sld [smem:$0x3FFD];
	_ =	sdelay $0x3  }
0x97: {  	_ =	strace s4  }
0x98: {  	_ =	strace $0x8FFFFFFF  }
0x99: {  	s19 =	sld [smem:$0x3FDB];
	_ =	sdelay $0x1  }
0x9a: {  	s5 =	simm.s32 $_scs_section_size  }
0x9b: {  	s6 =	simm.s32 $_size__tile_overlayer_lowered;
	s7 =	simm.s32 $_tile_overlayer_lowered  }
0x9c: {  	s22 =	simm.s32 $0x1BFF;
	s21 =	sshll.u32 s7, $0x1;
	s4 =	sadd.s32 s5, s19  }
0x9d: {  	s8 =	simm.s32 $0x0;
	s20 =	sshll.u32 s6, $0x1;
	s6 =	sadd.s32 s21, s4  }
0x9e: {  	[timem:s8], [sflag:s22] =	dma.local [hbm:s6], s20  }
0x9f: {  	_ =	swait.ge [sflag:s22], s20  }
0xa0: {  	s5 =	ssub.s32 $0x0, s20;
	[sflag:s22] =	ssyncset.done $0x0  }
0xa1: {  	[sflag:s22] =	ssyncadd.s32 s5;
	_ =	sdelay $0x1  }
0xa2: {  	s23 =	simm.s32 $0x1B8B  }
0xa3: {  	_ =	swait.ge [sflag:s23], $0x1  }
0xa4: {  	[sflag:s23] =	ssyncset.done $0x0  }
0xa5: {  	s25 =	simm.s32 $0x1B8E;
	s24 =	sld [smem:$0x3FFE];
	[sflag:s23] =	ssyncadd.s32 $0xFFFFFFFF  }
0xa6: {  	s26 =	simm.s32 $execute0_lowered;
	[smem:$0x3FD2] =	sst s25  }
0xa7: {  	s6 =	sshll.u32 s26, $0x1;
	_ =	strace $0x80000046;
	[dreg:$0x1] =	wrdreg $0xFFFFFFFF  }
0xa8: {  	s28 =	simm.s32 $_size_execute0_lowered;
	s4 =	sadd.s32 s4, s6;
	[dreg:$0x0] =	wrdreg $0x0  }
0xa9: {  	s6 =	sshll.u32 s28, $0x1;
	[dreg:$0x2] =	wrdreg s4  }
0xaa: {  	[dreg:$0x3] =	wrdreg s6  }
0xab: {  	[dreg:$0x4] =	wrdreg $0xC0  }
0xac: {  	_ =	task [dreg:s8], $0x5FFFF  }
0xad: {  	[dreg:$0x1] =	wrdreg $0xFFFFFFFF  }
0xae: {  	[dreg:$0x0] =	wrdreg $0x60  }
0xaf: {  	[dreg:$0x2] =	wrdreg s2  }
0xb0: {  	[dreg:$0x3] =	wrdreg s18  }
0xb1: {  	[dreg:$0x4] =	wrdreg s24  }
0xb2: {  	[dreg:$0x5] =	wrdreg $0x9  }
0xb3: {  	_ =	task.clear_ibuf [dreg:s8], $0x6FFFF;
	_ =	strace $0x90000046  }
0xb4: {  	s29 =	simm.s32 $0x9;
	_ =	strace $0x80000048  }
0xb5: {  	_ =	swait.ge [sflag:s29], $0x1  }
0xb6: {  	[sflag:s29] =	ssyncadd.s32 $0xFFFFFFFF  }
0xb7: {  	_ =	strace $0x90000048  }
0xb8: {  	_ =	sfence  }
0xb9: {  	s30 =	sld [smem:$0x0];
	_ =	sdelay $0x2  }
0xba: {  	s31 =	sshll.u32 s1, $0xD;
	s1 =	sshrl.u32 s1, $0x2  }
0xbb: {  	s3 =	sand.u32 $0x4000, s31;
	s1 =	sadd.s32 s1, s30  }
0xbc: {  	s0 =	sor.u32 s3, s0;
	s1 =	sshll.u32 s1, $0x11  }
0xbd: {  	s0 =	sor.u32 s1, s0  }
0xbe: {  	s0 =	sadd.s32 $0x8F2B, s0  }
0xbf: {  	[sflag:s0] =	ssyncadd.remote.s32 $0x1  }
0xc0: {  	_ =	sfence.sel $0xFFFF  }
0xc1: {  	[dreg:$0x0] =	wrdreg $0xFFFFFFFF;
	(pc) =	sbr.abs _section_cstart, $3  }
0xc2: {  	[dreg:$0x1] =	wrdreg $0xFFFFFFFF  }
0xc3: {  	_ =	task.clear_ibuf [dreg:s8], $0x2FFFF;
	_ =	strace $0x9FFFFFFF  }
0xc4: {  	(tm) =	ssettm $0x7FFFFFFF  }
0xc5: {  	_ =	shalt  }
tec
execute0_lowered:
.L_overlay_start_1:
0x0: {  	(tag) =	ssettag $0x1  }
0x1: {  	s0 =	rddreg [dreg:$0x0]  }
0x2: {  	s3 =	rddreg [dreg:$0x1]  }
0x3: {  	s11 =	rddreg [dreg:$0x2];
	s1 =	simm.s32 $0x0  }
0x4: {  	s7 =	srdreg.scid;
	s8 =	stileid.u32;
	s16 =	simm.s32 $0x1  }
0x5: {  	s17 =	simm.s32 $0x400;
	s18 =	simm.s32 $0x4400;
	s19 =	simm.s32 $0x8400  }
0x6: {  	s20 =	simm.s32 $0xC400;
	[smem:$0x7FF] =	sst s1;
	s2 =	sadd.s32 $0x1800, s11  }
0x7: {  	s4 =	sadd.s32 $0xF43C00, s11;
	s5 =	sadd.s32 $0x1E86000, s11;
	s9 =	sand.u32 $0x1, s7  }
0x8: {  	s6 =	sadd.s32 $0x2DC8400, s11;
	s10 =	sshll.u32 s8, $0xA;
	s12 =	sshll.u32 s9, $0x9  }
0x9: {  	s7 =	sadd.s32 $0x3D0A800, s11;
	s13 =	ssub.s32 $0x2, s9;
	s9 =	sor.u32 s12, s10  }
0xa: {  	s8 =	sadd.s32 $0x3D4A800, s11;
	_ =	strace $0x80000047;
	s14 =	sshrl.u32 s9, $0x3  }
0xb: {  	s10 =	sadd.s32 $0x3D8A800, s11;
	s29 =	sshrl.u32 s13, $0x1;
	s0 =	sadd.s32 s0, s14  }
0xc: {  	s15 =	ssub.s32 s13, s29;
	s30 =	sadd.s32 s3, s14;
	[dreg:$0x4] =	wrdreg s0  }
0xd: {  	s11 =	sadd.s32 $0x3DCA800, s11;
	s31 =	smax.u32 s15, $0x1;
	[dreg:$0x5] =	wrdreg s30  }
0xe: {  	s15 =	simm.s32 $0x2;
	s3 =	simm.s32 $0x0;
	[dreg:$0x6] =	wrdreg s31  }
.LBB2_1:
0xf: {  	[dreg:$0x7] =	wrdreg s3  }
0x10: {  	s0 =	rddreg [dreg:$0x4]  }
0x11: {  	[tilespmem:s1], [sflag:$0x2] =	stream.linear.gather [hbm4b:s0+s1], $0x200, $0x38;
	[tilespmem:$0x10400] =	vst v63  }
0x12: {  	_ =	swait.ge [sflag:s15], $0x200  }
0x13: {  	[sflag:s15] =	ssyncset.done $0x0  }
0x14: {  	s22 =	simm.s32 $0x200;
	s31 =	rddreg [dreg:$0x5];
	[sflag:s15] =	ssyncadd.s32 $0xFFFFFE00  }
0x15: {  	[tilespmem:s22], [sflag:$0x2] =	stream.linear.gather [hbm4b:s31+s1], $0x200, $0x38;
	[tilespmem:$0x10400] =	vst v63  }
0x16: {  	_ =	swait.ge [sflag:s15], $0x200  }
0x17: {  	[sflag:s15] =	ssyncset.done $0x0  }
0x18: {  	s23 =	simm.s32 $0x0;
	s24 =	simm.s32 $0x0;
	[sflag:s15] =	ssyncadd.s32 $0xFFFFFE00  }
.LBB2_2:
0x19: {  	v0 =	vld [tilespmem:s23+$0x0];
	_ =	sdelay $0x3  }
0x1a: {  	v2 =	vld [tilespmem:s22+$0x0]  }
0x1b: {  	v1 =	vshll.u32 v0, $0x4  }
0x1c: {  	(v2sf) =	vpush v1, $0x0  }
0x1d: {  	(v2sf) =	vpush v1, $0x2  }
0x1e: {  	(v2sf) =	vpush v1, $0x1  }
0x1f: {  	v63 =	vshll.u32 v2, $0x4  }
0x20: {  	(v2sf) =	vpush v63, $0x0;
	_ =	sdelay $0x6  }
0x21: {  	(v2sf) =	vpush v63, $0x1;
	_ =	sdelay $0x3  }
0x22: {  	s0 =	spop (v2sf)  }
0x23: {  	s0 =	sand.u32 $0x1FFFFFF0, s0;
	s3 =	spop (v2sf)  }
0x24: {  	s25 =	simm.s32 $0x400;
	(v2sf) =	vpush v63, $0x2;
	s26 =	sadd.s32 s2, s0;
	s28 =	spop (v2sf)  }
0x25: {  	(v2sf) =	vpush v1, $0x3;
	[tilespmem:s25], [sflag:$0x1] =	stream.linear.gather [hbm4b:s26+s1], $0x80, $0x38;
	[tilespmem:$0x10400] =	vst v63  }
0x26: {  	s21 =	spop (v2sf)  }
0x27: {  	s14 =	simm.s32 $0x8400;
	s0 =	sadd.s32 s5, s0;
	s12 =	sand.u32 $0x1FFFFFF0, s21  }
0x28: {  	[tilespmem:s14], [sflag:$0x1] =	stream.linear.gather [hbm4b:s0+s1], $0x80, $0x38;
	[tilespmem:$0x10400] =	vst v63  }
0x29: {  	s13 =	simm.s32 $0x4400;
	(v2sf) =	vpush v63, $0x3;
	s29 =	sadd.s32 s4, s12  }
0x2a: {  	[tilespmem:s13], [sflag:$0x1] =	stream.linear.gather [hbm4b:s29+s1], $0x80, $0x38;
	[tilespmem:$0x10400] =	vst v63  }
0x2b: {  	(v2sf) =	vpush v1, $0x4;
	s14 =	sand.u32 $0x1FFFFFF0, s28;
	s28 =	simm.s32 $0xC400;
	s0 =	sadd.s32 s6, s12  }
0x2c: {  	[tilespmem:s28], [sflag:$0x1] =	stream.linear.gather [hbm4b:s0+s1], $0x80, $0x38;
	[tilespmem:$0x10400] =	vst v63  }
0x2d: {  	s21 =	spop (v2sf);
	s29 =	sadd.s32 s2, s14;
	s28 =	simm.s32 $0x480  }
0x2e: {  	[tilespmem:s28], [sflag:$0x1] =	stream.linear.gather [hbm4b:s29+s1], $0x80, $0x38;
	[tilespmem:$0x10400] =	vst v63  }
0x2f: {  	s26 =	sadd.s32 s5, s14;
	s0 =	sand.u32 $0x1FFFFFF0, s21;
	s28 =	simm.s32 $0x8480  }
0x30: {  	[tilespmem:s28], [sflag:$0x1] =	stream.linear.gather [hbm4b:s26+s1], $0x80, $0x38;
	[tilespmem:$0x10400] =	vst v63  }
0x31: {  	s29 =	sadd.s32 s4, s0;
	s28 =	simm.s32 $0x4480  }
0x32: {  	[tilespmem:s28], [sflag:$0x1] =	stream.linear.gather [hbm4b:s29+s1], $0x80, $0x38;
	[tilespmem:$0x10400] =	vst v63  }
0x33: {  	s3 =	sand.u32 $0x1FFFFFF0, s3;
	s12 =	spop (v2sf);
	(v2sf) =	vpush v63, $0x4  }
0x34: {  	s0 =	sadd.s32 s6, s0;
	s28 =	simm.s32 $0xC480;
	s13 =	spop (v2sf)  }
0x35: {  	(v2sf) =	vpush v1, $0x5;
	[tilespmem:s28], [sflag:$0x1] =	stream.linear.gather [hbm4b:s0+s1], $0x80, $0x38;
	[tilespmem:$0x10400] =	vst v63  }
0x36: {  	s29 =	sadd.s32 s2, s3;
	s3 =	sadd.s32 s5, s3;
	s28 =	simm.s32 $0x500  }
0x37: {  	[tilespmem:s28], [sflag:$0x1] =	stream.linear.gather [hbm4b:s29+s1], $0x80, $0x38;
	[tilespmem:$0x10400] =	vst v63  }
0x38: {  	s0 =	sand.u32 $0x1FFFFFF0, s12;
	s14 =	spop (v2sf);
	s28 =	simm.s32 $0x8500  }
0x39: {  	(v2sf) =	vpush v63, $0x5;
	[tilespmem:s28], [sflag:$0x1] =	stream.linear.gather [hbm4b:s3+s1], $0x80, $0x38;
	[tilespmem:$0x10400] =	vst v63  }
0x3a: {  	s21 =	spop (v2sf);
	s29 =	sadd.s32 s4, s0;
	s28 =	simm.s32 $0x4500  }
0x3b: {  	(v2sf) =	vpush v1, $0x6;
	[tilespmem:s28], [sflag:$0x1] =	stream.linear.gather [hbm4b:s29+s1], $0x80, $0x38;
	[tilespmem:$0x10400] =	vst v63  }
0x3c: {  	s0 =	sadd.s32 s6, s0;
	s3 =	sand.u32 $0x1FFFFFF0, s13;
	s28 =	simm.s32 $0xC500  }
0x3d: {  	[tilespmem:s28], [sflag:$0x1] =	stream.linear.gather [hbm4b:s0+s1], $0x80, $0x38;
	[tilespmem:$0x10400] =	vst v63  }
0x3e: {  	s29 =	sadd.s32 s2, s3;
	s28 =	simm.s32 $0x580;
	s0 =	sand.u32 $0x1FFFFFF0, s14  }
0x3f: {  	[tilespmem:s28], [sflag:$0x1] =	stream.linear.gather [hbm4b:s29+s1], $0x80, $0x38;
	[tilespmem:$0x10400] =	vst v63  }
0x40: {  	s3 =	sadd.s32 s5, s3;
	s28 =	simm.s32 $0x8580;
	s29 =	sadd.s32 s4, s0  }
0x41: {  	[tilespmem:s28], [sflag:$0x1] =	stream.linear.gather [hbm4b:s3+s1], $0x80, $0x38;
	[tilespmem:$0x10400] =	vst v63  }
0x42: {  	s0 =	sadd.s32 s6, s0;
	s28 =	simm.s32 $0x4580;
	s12 =	spop (v2sf)  }
0x43: {  	(v2sf) =	vpush v63, $0x6;
	[tilespmem:s28], [sflag:$0x1] =	stream.linear.gather [hbm4b:s29+s1], $0x80, $0x38;
	[tilespmem:$0x10400] =	vst v63  }
0x44: {  	s3 =	sand.u32 $0x1FFFFFF0, s21;
	s28 =	simm.s32 $0xC580;
	s13 =	spop (v2sf);
	(v2sf) =	vpush v1, $0x7  }
0x45: {  	[tilespmem:s28], [sflag:$0x1] =	stream.linear.gather [hbm4b:s0+s1], $0x80, $0x38;
	[tilespmem:$0x10400] =	vst v63  }
0x46: {  	s29 =	sadd.s32 s2, s3;
	s3 =	sadd.s32 s5, s3;
	s28 =	simm.s32 $0x600  }
0x47: {  	[tilespmem:s28], [sflag:$0x1] =	stream.linear.gather [hbm4b:s29+s1], $0x80, $0x38;
	[tilespmem:$0x10400] =	vst v63  }
0x48: {  	s14 =	spop (v2sf);
	(v2sf) =	vpush v63, $0x7;
	s0 =	sand.u32 $0x1FFFFFF0, s12;
	s28 =	simm.s32 $0x8600  }
0x49: {  	[tilespmem:s28], [sflag:$0x1] =	stream.linear.gather [hbm4b:s3+s1], $0x80, $0x38;
	[tilespmem:$0x10400] =	vst v63  }
0x4a: {  	s21 =	spop (v2sf);
	s29 =	sadd.s32 s4, s0;
	s28 =	simm.s32 $0x4600  }
0x4b: {  	[tilespmem:s28], [sflag:$0x1] =	stream.linear.gather [hbm4b:s29+s1], $0x80, $0x38;
	[tilespmem:$0x10400] =	vst v63  }
0x4c: {  	(v2sf) =	vpush v1, $0x8;
	s0 =	sadd.s32 s6, s0;
	s3 =	sand.u32 $0x1FFFFFF0, s13;
	s28 =	simm.s32 $0xC600  }
0x4d: {  	[tilespmem:s28], [sflag:$0x1] =	stream.linear.gather [hbm4b:s0+s1], $0x80, $0x38;
	[tilespmem:$0x10400] =	vst v63  }
0x4e: {  	s30 =	simm.s32 $0x4B80;
	s29 =	sadd.s32 s2, s3;
	s28 =	simm.s32 $0x680  }
0x4f: {  	[tilespmem:s28], [sflag:$0x1] =	stream.linear.gather [hbm4b:s29+s1], $0x80, $0x38;
	[tilespmem:$0x10400] =	vst v63  }
0x50: {  	s25 =	sshll.u32 s24, $0x7;
	s3 =	sadd.s32 s5, s3;
	s28 =	simm.s32 $0x8680  }
0x51: {  	[tilespmem:s28], [sflag:$0x1] =	stream.linear.gather [hbm4b:s3+s1], $0x80, $0x38;
	[tilespmem:$0x10400] =	vst v63  }
0x52: {  	s26 =	simm.s32 $0x2000;
	s0 =	sand.u32 $0x1FFFFFF0, s14;
	s12 =	spop (v2sf);
	(v2sf) =	vpush v63, $0x8  }
0x53: {  	s29 =	sadd.s32 s4, s0;
	s28 =	simm.s32 $0x4680;
	s13 =	spop (v2sf)  }
0x54: {  	(v2sf) =	vpush v1, $0x9;
	[tilespmem:s28], [sflag:$0x1] =	stream.linear.gather [hbm4b:s29+s1], $0x80, $0x38;
	[tilespmem:$0x10400] =	vst v63  }
0x55: {  	s0 =	sadd.s32 s6, s0;
	s3 =	sand.u32 $0x1FFFFFF0, s21;
	s28 =	simm.s32 $0xC680  }
0x56: {  	[tilespmem:s28], [sflag:$0x1] =	stream.linear.gather [hbm4b:s0+s1], $0x80, $0x38;
	[tilespmem:$0x10400] =	vst v63  }
0x57: {  	s29 =	sadd.s32 s2, s3;
	s14 =	spop (v2sf);
	s28 =	simm.s32 $0x700  }
0x58: {  	(v2sf) =	vpush v63, $0x9;
	[tilespmem:s28], [sflag:$0x1] =	stream.linear.gather [hbm4b:s29+s1], $0x80, $0x38;
	[tilespmem:$0x10400] =	vst v63  }
0x59: {  	s3 =	sadd.s32 s5, s3;
	s0 =	sand.u32 $0x1FFFFFF0, s12;
	s28 =	simm.s32 $0x8700  }
0x5a: {  	[tilespmem:s28], [sflag:$0x1] =	stream.linear.gather [hbm4b:s3+s1], $0x80, $0x38;
	[tilespmem:$0x10400] =	vst v63  }
0x5b: {  	s21 =	spop (v2sf);
	s29 =	sadd.s32 s4, s0;
	s28 =	simm.s32 $0x4700  }
0x5c: {  	(v2sf) =	vpush v1, $0xA;
	[tilespmem:s28], [sflag:$0x1] =	stream.linear.gather [hbm4b:s29+s1], $0x80, $0x38;
	[tilespmem:$0x10400] =	vst v63  }
0x5d: {  	s0 =	sadd.s32 s6, s0;
	s3 =	sand.u32 $0x1FFFFFF0, s13;
	s28 =	simm.s32 $0xC700  }
0x5e: {  	[tilespmem:s28], [sflag:$0x1] =	stream.linear.gather [hbm4b:s0+s1], $0x80, $0x38;
	[tilespmem:$0x10400] =	vst v63  }
0x5f: {  	s29 =	sadd.s32 s2, s3;
	s3 =	sadd.s32 s5, s3;
	s28 =	simm.s32 $0x780  }
0x60: {  	[tilespmem:s28], [sflag:$0x1] =	stream.linear.gather [hbm4b:s29+s1], $0x80, $0x38;
	[tilespmem:$0x10400] =	vst v63  }
0x61: {  	s0 =	sand.u32 $0x1FFFFFF0, s14;
	s28 =	simm.s32 $0x8780;
	s12 =	spop (v2sf)  }
0x62: {  	(v2sf) =	vpush v63, $0xA;
	[tilespmem:s28], [sflag:$0x1] =	stream.linear.gather [hbm4b:s3+s1], $0x80, $0x38;
	[tilespmem:$0x10400] =	vst v63  }
0x63: {  	s29 =	sadd.s32 s4, s0;
	s28 =	simm.s32 $0x4780;
	s13 =	spop (v2sf)  }
0x64: {  	(v2sf) =	vpush v1, $0xB;
	[tilespmem:s28], [sflag:$0x1] =	stream.linear.gather [hbm4b:s29+s1], $0x80, $0x38;
	[tilespmem:$0x10400] =	vst v63  }
0x65: {  	s0 =	sadd.s32 s6, s0;
	s3 =	sand.u32 $0x1FFFFFF0, s21;
	s28 =	simm.s32 $0xC780  }
0x66: {  	[tilespmem:s28], [sflag:$0x1] =	stream.linear.gather [hbm4b:s0+s1], $0x80, $0x38;
	[tilespmem:$0x10400] =	vst v63  }
0x67: {  	s14 =	spop (v2sf);
	s29 =	sadd.s32 s2, s3;
	s28 =	simm.s32 $0x800  }
0x68: {  	(v2sf) =	vpush v63, $0xB;
	[tilespmem:s28], [sflag:$0x1] =	stream.linear.gather [hbm4b:s29+s1], $0x80, $0x38;
	[tilespmem:$0x10400] =	vst v63  }
0x69: {  	s3 =	sadd.s32 s5, s3;
	s0 =	sand.u32 $0x1FFFFFF0, s12;
	s28 =	simm.s32 $0x8800  }
0x6a: {  	[tilespmem:s28], [sflag:$0x1] =	stream.linear.gather [hbm4b:s3+s1], $0x80, $0x38;
	[tilespmem:$0x10400] =	vst v63  }
0x6b: {  	s21 =	spop (v2sf);
	s29 =	sadd.s32 s4, s0;
	s28 =	simm.s32 $0x4800  }
0x6c: {  	(v2sf) =	vpush v1, $0xC;
	[tilespmem:s28], [sflag:$0x1] =	stream.linear.gather [hbm4b:s29+s1], $0x80, $0x38;
	[tilespmem:$0x10400] =	vst v63  }
0x6d: {  	s0 =	sadd.s32 s6, s0;
	s3 =	sand.u32 $0x1FFFFFF0, s13;
	s28 =	simm.s32 $0xC800  }
0x6e: {  	[tilespmem:s28], [sflag:$0x1] =	stream.linear.gather [hbm4b:s0+s1], $0x80, $0x38;
	[tilespmem:$0x10400] =	vst v63  }
0x6f: {  	s29 =	sadd.s32 s2, s3;
	s3 =	sadd.s32 s5, s3;
	s28 =	simm.s32 $0x880  }
0x70: {  	[tilespmem:s28], [sflag:$0x1] =	stream.linear.gather [hbm4b:s29+s1], $0x80, $0x38;
	[tilespmem:$0x10400] =	vst v63  }
0x71: {  	s0 =	sand.u32 $0x1FFFFFF0, s14;
	s28 =	simm.s32 $0x8880;
	s12 =	spop (v2sf)  }
0x72: {  	(v2sf) =	vpush v63, $0xC;
	[tilespmem:s28], [sflag:$0x1] =	stream.linear.gather [hbm4b:s3+s1], $0x80, $0x38;
	[tilespmem:$0x10400] =	vst v63  }
0x73: {  	s29 =	sadd.s32 s4, s0;
	s13 =	spop (v2sf);
	s28 =	simm.s32 $0x4880  }
0x74: {  	(v2sf) =	vpush v1, $0xD;
	[tilespmem:s28], [sflag:$0x1] =	stream.linear.gather [hbm4b:s29+s1], $0x80, $0x38;
	[tilespmem:$0x10400] =	vst v63  }
0x75: {  	s0 =	sadd.s32 s6, s0;
	s3 =	sand.u32 $0x1FFFFFF0, s21;
	s28 =	simm.s32 $0xC880  }
0x76: {  	[tilespmem:s28], [sflag:$0x1] =	stream.linear.gather [hbm4b:s0+s1], $0x80, $0x38;
	[tilespmem:$0x10400] =	vst v63  }
0x77: {  	s14 =	spop (v2sf);
	s29 =	sadd.s32 s2, s3;
	s28 =	simm.s32 $0x900  }
0x78: {  	(v2sf) =	vpush v63, $0xD;
	[tilespmem:s28], [sflag:$0x1] =	stream.linear.gather [hbm4b:s29+s1], $0x80, $0x38;
	[tilespmem:$0x10400] =	vst v63  }
0x79: {  	s3 =	sadd.s32 s5, s3;
	s0 =	sand.u32 $0x1FFFFFF0, s12;
	s28 =	simm.s32 $0x8900  }
0x7a: {  	[tilespmem:s28], [sflag:$0x1] =	stream.linear.gather [hbm4b:s3+s1], $0x80, $0x38;
	[tilespmem:$0x10400] =	vst v63  }
0x7b: {  	s21 =	spop (v2sf);
	s29 =	sadd.s32 s4, s0;
	s28 =	simm.s32 $0x4900  }
0x7c: {  	(v2sf) =	vpush v1, $0xE;
	[tilespmem:s28], [sflag:$0x1] =	stream.linear.gather [hbm4b:s29+s1], $0x80, $0x38;
	[tilespmem:$0x10400] =	vst v63  }
0x7d: {  	s0 =	sadd.s32 s6, s0;
	s3 =	sand.u32 $0x1FFFFFF0, s13;
	s28 =	simm.s32 $0xC900  }
0x7e: {  	[tilespmem:s28], [sflag:$0x1] =	stream.linear.gather [hbm4b:s0+s1], $0x80, $0x38;
	[tilespmem:$0x10400] =	vst v63  }
0x7f: {  	s29 =	sadd.s32 s2, s3;
	s3 =	sadd.s32 s5, s3;
	s28 =	simm.s32 $0x980  }
0x80: {  	[tilespmem:s28], [sflag:$0x1] =	stream.linear.gather [hbm4b:s29+s1], $0x80, $0x38;
	[tilespmem:$0x10400] =	vst v63  }
0x81: {  	s0 =	sand.u32 $0x1FFFFFF0, s14;
	s12 =	spop (v2sf);
	s28 =	simm.s32 $0x8980  }
0x82: {  	(v2sf) =	vpush v63, $0xE;
	[tilespmem:s28], [sflag:$0x1] =	stream.linear.gather [hbm4b:s3+s1], $0x80, $0x38;
	[tilespmem:$0x10400] =	vst v63  }
0x83: {  	s29 =	sadd.s32 s4, s0;
	s13 =	spop (v2sf);
	s28 =	simm.s32 $0x4980  }
0x84: {  	(v2sf) =	vpush v1, $0xF;
	[tilespmem:s28], [sflag:$0x1] =	stream.linear.gather [hbm4b:s29+s1], $0x80, $0x38;
	[tilespmem:$0x10400] =	vst v63  }
0x85: {  	s0 =	sadd.s32 s6, s0;
	s3 =	sand.u32 $0x1FFFFFF0, s21;
	s28 =	simm.s32 $0xC980  }
0x86: {  	[tilespmem:s28], [sflag:$0x1] =	stream.linear.gather [hbm4b:s0+s1], $0x80, $0x38;
	[tilespmem:$0x10400] =	vst v63  }
0x87: {  	s14 =	spop (v2sf);
	s29 =	sadd.s32 s2, s3;
	s28 =	simm.s32 $0xA00  }
0x88: {  	(v2sf) =	vpush v63, $0xF;
	[tilespmem:s28], [sflag:$0x1] =	stream.linear.gather [hbm4b:s29+s1], $0x80, $0x38;
	[tilespmem:$0x10400] =	vst v63  }
0x89: {  	s3 =	sadd.s32 s5, s3;
	s0 =	sand.u32 $0x1FFFFFF0, s12;
	s28 =	simm.s32 $0x8A00  }
0x8a: {  	[tilespmem:s28], [sflag:$0x1] =	stream.linear.gather [hbm4b:s3+s1], $0x80, $0x38;
	[tilespmem:$0x10400] =	vst v63  }
0x8b: {  	s21 =	spop (v2sf);
	s29 =	sadd.s32 s4, s0;
	s28 =	simm.s32 $0x4A00  }
0x8c: {  	[tilespmem:s28], [sflag:$0x1] =	stream.linear.gather [hbm4b:s29+s1], $0x80, $0x38;
	[tilespmem:$0x10400] =	vst v63  }
0x8d: {  	s0 =	sadd.s32 s6, s0;
	s3 =	sand.u32 $0x1FFFFFF0, s13;
	s28 =	simm.s32 $0xCA00  }
0x8e: {  	[tilespmem:s28], [sflag:$0x1] =	stream.linear.gather [hbm4b:s0+s1], $0x80, $0x38;
	[tilespmem:$0x10400] =	vst v63  }
0x8f: {  	s29 =	sadd.s32 s2, s3;
	s3 =	sadd.s32 s5, s3;
	s28 =	simm.s32 $0xA80  }
0x90: {  	[tilespmem:s28], [sflag:$0x1] =	stream.linear.gather [hbm4b:s29+s1], $0x80, $0x38;
	[tilespmem:$0x10400] =	vst v63  }
0x91: {  	s0 =	sand.u32 $0x1FFFFFF0, s14;
	s12 =	spop (v2sf);
	s28 =	simm.s32 $0x8A80  }
0x92: {  	[tilespmem:s28], [sflag:$0x1] =	stream.linear.gather [hbm4b:s3+s1], $0x80, $0x38;
	[tilespmem:$0x10400] =	vst v63  }
0x93: {  	s13 =	spop (v2sf);
	s29 =	sadd.s32 s4, s0;
	s28 =	simm.s32 $0x4A80  }
0x94: {  	[tilespmem:s28], [sflag:$0x1] =	stream.linear.gather [hbm4b:s29+s1], $0x80, $0x38;
	[tilespmem:$0x10400] =	vst v63  }
0x95: {  	s0 =	sadd.s32 s6, s0;
	s3 =	sand.u32 $0x1FFFFFF0, s21;
	s28 =	simm.s32 $0xCA80  }
0x96: {  	[tilespmem:s28], [sflag:$0x1] =	stream.linear.gather [hbm4b:s0+s1], $0x80, $0x38;
	[tilespmem:$0x10400] =	vst v63  }
0x97: {  	s14 =	spop (v2sf);
	s29 =	sadd.s32 s2, s3;
	s28 =	simm.s32 $0xB00  }
0x98: {  	[tilespmem:s28], [sflag:$0x1] =	stream.linear.gather [hbm4b:s29+s1], $0x80, $0x38;
	[tilespmem:$0x10400] =	vst v63  }
0x99: {  	s3 =	sadd.s32 s5, s3;
	s0 =	sand.u32 $0x1FFFFFF0, s12;
	s28 =	simm.s32 $0x8B00  }
0x9a: {  	[tilespmem:s28], [sflag:$0x1] =	stream.linear.gather [hbm4b:s3+s1], $0x80, $0x38;
	[tilespmem:$0x10400] =	vst v63  }
0x9b: {  	s21 =	simm.s32 $0x8B80;
	s29 =	sadd.s32 s4, s0;
	s28 =	simm.s32 $0x4B00  }
0x9c: {  	[tilespmem:s28], [sflag:$0x1] =	stream.linear.gather [hbm4b:s29+s1], $0x80, $0x38;
	[tilespmem:$0x10400] =	vst v63  }
0x9d: {  	s0 =	sadd.s32 s6, s0;
	s3 =	sand.u32 $0x1FFFFFF0, s13;
	s28 =	simm.s32 $0xCB00  }
0x9e: {  	[tilespmem:s28], [sflag:$0x1] =	stream.linear.gather [hbm4b:s0+s1], $0x80, $0x38;
	[tilespmem:$0x10400] =	vst v63  }
0x9f: {  	s29 =	sadd.s32 s2, s3;
	s3 =	sadd.s32 s5, s3;
	s28 =	simm.s32 $0xB80  }
0xa0: {  	[tilespmem:s28], [sflag:$0x1] =	stream.linear.gather [hbm4b:s29+s1], $0x80, $0x38;
	[tilespmem:$0x10400] =	vst v63  }
0xa1: {  	s0 =	simm.s32 $0xCB80;
	s28 =	sand.u32 $0x1FFFFFF0, s14;
	s29 =	sadd.s32 $0x10, s23  }
0xa2: {  	[tilespmem:s21], [sflag:$0x1] =	stream.linear.gather [hbm4b:s3+s1], $0x80, $0x38;
	[tilespmem:$0x10400] =	vst v63  }
0xa3: {  	s31 =	sadd.s32 s6, s28;
	s3 =	sadd.s32 s4, s28;
	s28 =	sadd.s32 $0x10, s22  }
.LBB2_3:
0xa4: {  	[tilespmem:s30], [sflag:$0x1] =	stream.linear.gather [hbm4b:s3+s1], $0x80, $0x38;
	[tilespmem:$0x10400] =	vst v63  }
0xa5: {  	p0 =	sne.s32 s26, $0xE000;
	s3 =	smov.u32 s26;
	s26 =	sadd.s32 $0x2000, s26  }
0xa6: {  	[tilespmem:s0], [sflag:$0x1] =	stream.linear.gather [hbm4b:s31+s1], $0x80, $0x38;
	[tilespmem:$0x10400] =	vst v63  }
0xa7: {  	v0 =	vld [tilespmem:s29+$0x0];
	_ =	sdelay $0x2  }
0xa8: {  	v2 =	vld [tilespmem:s28+$0x0];
	_ =	sdelay $0x1  }
0xa9: {  	v1 =	vshll.u32 v0, $0x4  }
0xaa: {  	(v2sf) =	vpush v1, $0x0  }
0xab: {  	(v2sf) =	vpush v1, $0x2  }
0xac: {  	v0 =	vshll.u32 v2, $0x4;
	(v2sf) =	vpush v1, $0x1;
	_ =	sdelay $0x1  }
0xad: {  	(v2sf) =	vpush v0, $0x0;
	_ =	sdelay $0x1  }
0xae: {  	(v2sf) =	vpush v0, $0x1;
	_ =	sdelay $0x4  }
0xaf: {  	(v2sf) =	vpush v0, $0x2;
	_ =	sdelay $0x3  }
0xb0: {  	s30 =	sshra.s32 s3, $0x2;
	s0 =	spop (v2sf);
	(v2sf) =	vpush v1, $0x3  }
0xb1: {  	s3 =	sadd.s32 $0x8400, s30;
	s0 =	sand.u32 $0x1FFFFFF0, s0;
	s31 =	spop (v2sf)  }
0xb2: {  	s12 =	sadd.s32 $0x400, s30;
	s13 =	sadd.s32 s2, s0;
	s14 =	spop (v2sf)  }
0xb3: {  	[tilespmem:s12], [sflag:$0x1] =	stream.linear.gather [hbm4b:s13+s1], $0x80, $0x38;
	[tilespmem:$0x10400] =	vst v63  }
0xb4: {  	s0 =	sadd.s32 s5, s0;
	s12 =	sand.u32 $0x1FFFFFF0, s14;
	s13 =	spop (v2sf);
	(v2sf) =	vpush v0, $0x3  }
0xb5: {  	[tilespmem:s3], [sflag:$0x1] =	stream.linear.gather [hbm4b:s0+s1], $0x80, $0x38;
	[tilespmem:$0x10400] =	vst v63  }
0xb6: {  	s0 =	sadd.s32 $0x4400, s30;
	s3 =	sand.u32 $0x1FFFFFF0, s13;
	s13 =	spop (v2sf)  }
0xb7: {  	s21 =	sadd.s32 $0xC400, s30;
	s14 =	sadd.s32 s4, s3;
	s3 =	sadd.s32 s6, s3  }
0xb8: {  	[tilespmem:s0], [sflag:$0x1] =	stream.linear.gather [hbm4b:s14+s1], $0x80, $0x38;
	(v2sf) =	vpush v1, $0x4;
	[tilespmem:$0x10400] =	vst v63  }
0xb9: {  	s13 =	sand.u32 $0x1FFFFFF0, s13;
	s0 =	sadd.s32 $0x480, s30;
	s14 =	sand.u32 $0x1FFFFFF0, s31  }
0xba: {  	[tilespmem:s21], [sflag:$0x1] =	stream.linear.gather [hbm4b:s3+s1], $0x80, $0x38;
	[tilespmem:$0x10400] =	vst v63  }
0xbb: {  	s3 =	sadd.s32 s2, s12;
	s21 =	sadd.s32 $0x8480, s30;
	s31 =	spop (v2sf)  }
0xbc: {  	[tilespmem:s0], [sflag:$0x1] =	stream.linear.gather [hbm4b:s3+s1], $0x80, $0x38;
	[tilespmem:$0x10400] =	vst v63  }
0xbd: {  	s0 =	sadd.s32 s5, s12;
	s3 =	sadd.s32 $0x4480, s30;
	s12 =	sand.u32 $0x1FFFFFF0, s31  }
0xbe: {  	[tilespmem:s21], [sflag:$0x1] =	stream.linear.gather [hbm4b:s0+s1], $0x80, $0x38;
	(v2sf) =	vpush v0, $0x4;
	[tilespmem:$0x10400] =	vst v63  }
0xbf: {  	s0 =	sadd.s32 s4, s13;
	s21 =	sadd.s32 $0xC480, s30;
	s31 =	spop (v2sf)  }
0xc0: {  	[tilespmem:s3], [sflag:$0x1] =	stream.linear.gather [hbm4b:s0+s1], $0x80, $0x38;
	[tilespmem:$0x10400] =	vst v63  }
0xc1: {  	s0 =	sadd.s32 s6, s13;
	s3 =	sadd.s32 $0x500, s30;
	s13 =	sand.u32 $0x1FFFFFF0, s31  }
0xc2: {  	[tilespmem:s21], [sflag:$0x1] =	stream.linear.gather [hbm4b:s0+s1], $0x80, $0x38;
	(v2sf) =	vpush v1, $0x5;
	[tilespmem:$0x10400] =	vst v63  }
0xc3: {  	s0 =	sadd.s32 s2, s14;
	s21 =	sadd.s32 $0x8500, s30;
	s31 =	spop (v2sf)  }
0xc4: {  	[tilespmem:s3], [sflag:$0x1] =	stream.linear.gather [hbm4b:s0+s1], $0x80, $0x38;
	[tilespmem:$0x10400] =	vst v63  }
0xc5: {  	s0 =	sadd.s32 s5, s14;
	s3 =	sadd.s32 $0x4500, s30;
	s14 =	sand.u32 $0x1FFFFFF0, s31  }
0xc6: {  	[tilespmem:s21], [sflag:$0x1] =	stream.linear.gather [hbm4b:s0+s1], $0x80, $0x38;
	(v2sf) =	vpush v0, $0x5;
	[tilespmem:$0x10400] =	vst v63  }
0xc7: {  	s0 =	sadd.s32 s4, s12;
	s21 =	sadd.s32 $0xC500, s30;
	s31 =	spop (v2sf)  }
0xc8: {  	[tilespmem:s3], [sflag:$0x1] =	stream.linear.gather [hbm4b:s0+s1], $0x80, $0x38;
	[tilespmem:$0x10400] =	vst v63  }
0xc9: {  	s0 =	sadd.s32 s6, s12;
	s3 =	sadd.s32 $0x580, s30;
	s12 =	sadd.s32 s2, s13  }
0xca: {  	[tilespmem:s21], [sflag:$0x1] =	stream.linear.gather [hbm4b:s0+s1], $0x80, $0x38;
	(v2sf) =	vpush v1, $0x6;
	[tilespmem:$0x10400] =	vst v63  }
0xcb: {  	s13 =	sadd.s32 s5, s13;
	s0 =	sadd.s32 $0x8580, s30;
	s21 =	sand.u32 $0x1FFFFFF0, s31  }
0xcc: {  	[tilespmem:s3], [sflag:$0x1] =	stream.linear.gather [hbm4b:s12+s1], $0x80, $0x38;
	[tilespmem:$0x10400] =	vst v63  }
0xcd: {  	s3 =	sadd.s32 $0x4580, s30;
	s12 =	sadd.s32 s4, s14;
	s31 =	spop (v2sf)  }
0xce: {  	[tilespmem:s0], [sflag:$0x1] =	stream.linear.gather [hbm4b:s13+s1], $0x80, $0x38;
	(v2sf) =	vpush v0, $0x6;
	[tilespmem:$0x10400] =	vst v63  }
0xcf: {  	s0 =	sadd.s32 $0xC580, s30;
	s13 =	sadd.s32 s6, s14;
	s14 =	sand.u32 $0x1FFFFFF0, s31  }
0xd0: {  	[tilespmem:s3], [sflag:$0x1] =	stream.linear.gather [hbm4b:s12+s1], $0x80, $0x38;
	[tilespmem:$0x10400] =	vst v63  }
0xd1: {  	s3 =	sadd.s32 $0x600, s30;
	s12 =	sadd.s32 s2, s21;
	s31 =	spop (v2sf)  }
0xd2: {  	[tilespmem:s0], [sflag:$0x1] =	stream.linear.gather [hbm4b:s13+s1], $0x80, $0x38;
	(v2sf) =	vpush v1, $0x7;
	[tilespmem:$0x10400] =	vst v63  }
0xd3: {  	s0 =	sadd.s32 $0x8600, s30;
	s13 =	sadd.s32 s5, s21;
	s21 =	sand.u32 $0x1FFFFFF0, s31  }
0xd4: {  	[tilespmem:s3], [sflag:$0x1] =	stream.linear.gather [hbm4b:s12+s1], $0x80, $0x38;
	[tilespmem:$0x10400] =	vst v63  }
0xd5: {  	s3 =	sadd.s32 $0x4600, s30;
	s12 =	sadd.s32 s4, s14;
	s31 =	spop (v2sf)  }
0xd6: {  	[tilespmem:s0], [sflag:$0x1] =	stream.linear.gather [hbm4b:s13+s1], $0x80, $0x38;
	(v2sf) =	vpush v0, $0x7;
	[tilespmem:$0x10400] =	vst v63  }
0xd7: {  	s0 =	sadd.s32 $0xC600, s30;
	s13 =	sadd.s32 s6, s14;
	s14 =	sand.u32 $0x1FFFFFF0, s31  }
0xd8: {  	[tilespmem:s3], [sflag:$0x1] =	stream.linear.gather [hbm4b:s12+s1], $0x80, $0x38;
	[tilespmem:$0x10400] =	vst v63  }
0xd9: {  	s3 =	sadd.s32 $0x680, s30;
	s12 =	sadd.s32 s2, s21;
	s31 =	spop (v2sf)  }
0xda: {  	[tilespmem:s0], [sflag:$0x1] =	stream.linear.gather [hbm4b:s13+s1], $0x80, $0x38;
	(v2sf) =	vpush v1, $0x8;
	[tilespmem:$0x10400] =	vst v63  }
0xdb: {  	s0 =	sadd.s32 $0x8680, s30;
	s13 =	sadd.s32 s5, s21;
	s21 =	sand.u32 $0x1FFFFFF0, s31  }
0xdc: {  	[tilespmem:s3], [sflag:$0x1] =	stream.linear.gather [hbm4b:s12+s1], $0x80, $0x38;
	[tilespmem:$0x10400] =	vst v63  }
0xdd: {  	s3 =	sadd.s32 $0x4680, s30;
	s12 =	sadd.s32 s4, s14;
	s31 =	spop (v2sf)  }
0xde: {  	[tilespmem:s0], [sflag:$0x1] =	stream.linear.gather [hbm4b:s13+s1], $0x80, $0x38;
	(v2sf) =	vpush v0, $0x8;
	[tilespmem:$0x10400] =	vst v63  }
0xdf: {  	s0 =	sadd.s32 $0xC680, s30;
	s13 =	sadd.s32 s6, s14;
	s14 =	sand.u32 $0x1FFFFFF0, s31  }
0xe0: {  	[tilespmem:s3], [sflag:$0x1] =	stream.linear.gather [hbm4b:s12+s1], $0x80, $0x38;
	[tilespmem:$0x10400] =	vst v63  }
0xe1: {  	s3 =	sadd.s32 $0x700, s30;
	s12 =	sadd.s32 s2, s21;
	s31 =	spop (v2sf)  }
0xe2: {  	[tilespmem:s0], [sflag:$0x1] =	stream.linear.gather [hbm4b:s13+s1], $0x80, $0x38;
	(v2sf) =	vpush v1, $0x9;
	[tilespmem:$0x10400] =	vst v63  }
0xe3: {  	s0 =	sadd.s32 $0x8700, s30;
	s13 =	sadd.s32 s5, s21;
	s21 =	sand.u32 $0x1FFFFFF0, s31  }
0xe4: {  	[tilespmem:s3], [sflag:$0x1] =	stream.linear.gather [hbm4b:s12+s1], $0x80, $0x38;
	[tilespmem:$0x10400] =	vst v63  }
0xe5: {  	s3 =	sadd.s32 $0x4700, s30;
	s12 =	sadd.s32 s4, s14;
	s31 =	spop (v2sf)  }
0xe6: {  	[tilespmem:s0], [sflag:$0x1] =	stream.linear.gather [hbm4b:s13+s1], $0x80, $0x38;
	(v2sf) =	vpush v0, $0x9;
	[tilespmem:$0x10400] =	vst v63  }
0xe7: {  	s0 =	sadd.s32 $0xC700, s30;
	s13 =	sadd.s32 s6, s14;
	s14 =	sand.u32 $0x1FFFFFF0, s31  }
0xe8: {  	[tilespmem:s3], [sflag:$0x1] =	stream.linear.gather [hbm4b:s12+s1], $0x80, $0x38;
	[tilespmem:$0x10400] =	vst v63  }
0xe9: {  	s3 =	sadd.s32 $0x780, s30;
	s12 =	sadd.s32 s2, s21;
	s31 =	spop (v2sf)  }
0xea: {  	[tilespmem:s0], [sflag:$0x1] =	stream.linear.gather [hbm4b:s13+s1], $0x80, $0x38;
	(v2sf) =	vpush v1, $0xA;
	[tilespmem:$0x10400] =	vst v63  }
0xeb: {  	s0 =	sadd.s32 $0x8780, s30;
	s13 =	sadd.s32 s5, s21;
	s21 =	sand.u32 $0x1FFFFFF0, s31  }
0xec: {  	[tilespmem:s3], [sflag:$0x1] =	stream.linear.gather [hbm4b:s12+s1], $0x80, $0x38;
	[tilespmem:$0x10400] =	vst v63  }
0xed: {  	s3 =	sadd.s32 $0x4780, s30;
	s12 =	sadd.s32 s4, s14;
	s31 =	spop (v2sf)  }
0xee: {  	[tilespmem:s0], [sflag:$0x1] =	stream.linear.gather [hbm4b:s13+s1], $0x80, $0x38;
	(v2sf) =	vpush v0, $0xA;
	[tilespmem:$0x10400] =	vst v63  }
0xef: {  	s0 =	sadd.s32 $0xC780, s30;
	s13 =	sadd.s32 s6, s14;
	s14 =	sand.u32 $0x1FFFFFF0, s31  }
0xf0: {  	[tilespmem:s3], [sflag:$0x1] =	stream.linear.gather [hbm4b:s12+s1], $0x80, $0x38;
	[tilespmem:$0x10400] =	vst v63  }
0xf1: {  	s3 =	sadd.s32 $0x800, s30;
	s12 =	sadd.s32 s2, s21;
	s31 =	spop (v2sf)  }
0xf2: {  	[tilespmem:s0], [sflag:$0x1] =	stream.linear.gather [hbm4b:s13+s1], $0x80, $0x38;
	(v2sf) =	vpush v1, $0xB;
	[tilespmem:$0x10400] =	vst v63  }
0xf3: {  	s0 =	sadd.s32 $0x8800, s30;
	s13 =	sadd.s32 s5, s21;
	s21 =	sand.u32 $0x1FFFFFF0, s31  }
0xf4: {  	[tilespmem:s3], [sflag:$0x1] =	stream.linear.gather [hbm4b:s12+s1], $0x80, $0x38;
	[tilespmem:$0x10400] =	vst v63  }
0xf5: {  	s3 =	sadd.s32 $0x4800, s30;
	s12 =	sadd.s32 s4, s14;
	s31 =	spop (v2sf)  }
0xf6: {  	[tilespmem:s0], [sflag:$0x1] =	stream.linear.gather [hbm4b:s13+s1], $0x80, $0x38;
	(v2sf) =	vpush v0, $0xB;
	[tilespmem:$0x10400] =	vst v63  }
0xf7: {  	s0 =	sadd.s32 $0xC800, s30;
	s13 =	sadd.s32 s6, s14;
	s14 =	sand.u32 $0x1FFFFFF0, s31  }
0xf8: {  	[tilespmem:s3], [sflag:$0x1] =	stream.linear.gather [hbm4b:s12+s1], $0x80, $0x38;
	[tilespmem:$0x10400] =	vst v63  }
0xf9: {  	s3 =	sadd.s32 $0x880, s30;
	s12 =	sadd.s32 s2, s21;
	s31 =	spop (v2sf)  }
0xfa: {  	[tilespmem:s0], [sflag:$0x1] =	stream.linear.gather [hbm4b:s13+s1], $0x80, $0x38;
	(v2sf) =	vpush v1, $0xC;
	[tilespmem:$0x10400] =	vst v63  }
0xfb: {  	s0 =	sadd.s32 $0x8880, s30;
	s13 =	sadd.s32 s5, s21;
	s21 =	sand.u32 $0x1FFFFFF0, s31  }
0xfc: {  	[tilespmem:s3], [sflag:$0x1] =	stream.linear.gather [hbm4b:s12+s1], $0x80, $0x38;
	[tilespmem:$0x10400] =	vst v63  }
0xfd: {  	s3 =	sadd.s32 $0x4880, s30;
	s12 =	sadd.s32 s4, s14;
	s31 =	spop (v2sf)  }
0xfe: {  	[tilespmem:s0], [sflag:$0x1] =	stream.linear.gather [hbm4b:s13+s1], $0x80, $0x38;
	(v2sf) =	vpush v0, $0xC;
	[tilespmem:$0x10400] =	vst v63  }
0xff: {  	s0 =	sadd.s32 $0xC880, s30;
	s13 =	sadd.s32 s6, s14;
	s14 =	sand.u32 $0x1FFFFFF0, s31  }
0x100: {  	[tilespmem:s3], [sflag:$0x1] =	stream.linear.gather [hbm4b:s12+s1], $0x80, $0x38;
	[tilespmem:$0x10400] =	vst v63  }
0x101: {  	s3 =	sadd.s32 $0x900, s30;
	s12 =	sadd.s32 s2, s21;
	s31 =	spop (v2sf)  }
0x102: {  	[tilespmem:s0], [sflag:$0x1] =	stream.linear.gather [hbm4b:s13+s1], $0x80, $0x38;
	(v2sf) =	vpush v1, $0xD;
	[tilespmem:$0x10400] =	vst v63  }
0x103: {  	s0 =	sadd.s32 $0x8900, s30;
	s13 =	sadd.s32 s5, s21;
	s21 =	sand.u32 $0x1FFFFFF0, s31  }
0x104: {  	[tilespmem:s3], [sflag:$0x1] =	stream.linear.gather [hbm4b:s12+s1], $0x80, $0x38;
	[tilespmem:$0x10400] =	vst v63  }
0x105: {  	s3 =	sadd.s32 $0x4900, s30;
	s12 =	sadd.s32 s4, s14;
	s31 =	spop (v2sf)  }
0x106: {  	[tilespmem:s0], [sflag:$0x1] =	stream.linear.gather [hbm4b:s13+s1], $0x80, $0x38;
	(v2sf) =	vpush v0, $0xD;
	[tilespmem:$0x10400] =	vst v63  }
0x107: {  	s0 =	sadd.s32 $0xC900, s30;
	s13 =	sadd.s32 s6, s14;
	s14 =	sand.u32 $0x1FFFFFF0, s31  }
0x108: {  	[tilespmem:s3], [sflag:$0x1] =	stream.linear.gather [hbm4b:s12+s1], $0x80, $0x38;
	[tilespmem:$0x10400] =	vst v63  }
0x109: {  	s3 =	sadd.s32 $0x980, s30;
	s12 =	sadd.s32 s2, s21;
	s31 =	spop (v2sf)  }
0x10a: {  	[tilespmem:s0], [sflag:$0x1] =	stream.linear.gather [hbm4b:s13+s1], $0x80, $0x38;
	(v2sf) =	vpush v1, $0xE;
	[tilespmem:$0x10400] =	vst v63  }
0x10b: {  	s0 =	sadd.s32 $0x8980, s30;
	s13 =	sadd.s32 s5, s21;
	s21 =	sand.u32 $0x1FFFFFF0, s31  }
0x10c: {  	[tilespmem:s3], [sflag:$0x1] =	stream.linear.gather [hbm4b:s12+s1], $0x80, $0x38;
	[tilespmem:$0x10400] =	vst v63  }
0x10d: {  	s3 =	sadd.s32 $0x4980, s30;
	s12 =	sadd.s32 s4, s14;
	s31 =	spop (v2sf)  }
0x10e: {  	[tilespmem:s0], [sflag:$0x1] =	stream.linear.gather [hbm4b:s13+s1], $0x80, $0x38;
	(v2sf) =	vpush v0, $0xE;
	[tilespmem:$0x10400] =	vst v63  }
0x10f: {  	s0 =	sadd.s32 $0xC980, s30;
	s13 =	sadd.s32 s6, s14;
	s14 =	sand.u32 $0x1FFFFFF0, s31  }
0x110: {  	[tilespmem:s3], [sflag:$0x1] =	stream.linear.gather [hbm4b:s12+s1], $0x80, $0x38;
	(v2sf) =	vpush v1, $0xF;
	[tilespmem:$0x10400] =	vst v63  }
0x111: {  	s3 =	sadd.s32 $0xA00, s30;
	s12 =	sadd.s32 s2, s21;
	s31 =	spop (v2sf)  }
0x112: {  	[tilespmem:s0], [sflag:$0x1] =	stream.linear.gather [hbm4b:s13+s1], $0x80, $0x38;
	[tilespmem:$0x10400] =	vst v63  }
0x113: {  	s0 =	sadd.s32 $0x8A00, s30;
	s13 =	sadd.s32 s5, s21;
	s21 =	sand.u32 $0x1FFFFFF0, s31  }
0x114: {  	[tilespmem:s3], [sflag:$0x1] =	stream.linear.gather [hbm4b:s12+s1], $0x80, $0x38;
	[tilespmem:$0x10400] =	vst v63  }
0x115: {  	s3 =	sadd.s32 $0x4A00, s30;
	s12 =	sadd.s32 s4, s14;
	s31 =	spop (v2sf)  }
0x116: {  	[tilespmem:s0], [sflag:$0x1] =	stream.linear.gather [hbm4b:s13+s1], $0x80, $0x38;
	(v2sf) =	vpush v0, $0xF;
	[tilespmem:$0x10400] =	vst v63  }
0x117: {  	s0 =	sadd.s32 $0xCA00, s30;
	s13 =	sadd.s32 s6, s14;
	s14 =	sand.u32 $0x1FFFFFF0, s31  }
0x118: {  	[tilespmem:s3], [sflag:$0x1] =	stream.linear.gather [hbm4b:s12+s1], $0x80, $0x38;
	[tilespmem:$0x10400] =	vst v63  }
0x119: {  	s3 =	sadd.s32 $0xA80, s30;
	s12 =	sadd.s32 s2, s21;
	s31 =	spop (v2sf)  }
0x11a: {  	[tilespmem:s0], [sflag:$0x1] =	stream.linear.gather [hbm4b:s13+s1], $0x80, $0x38;
	[tilespmem:$0x10400] =	vst v63  }
0x11b: {  	s0 =	sadd.s32 $0x8A80, s30;
	s13 =	sadd.s32 s5, s21;
	s21 =	sand.u32 $0x1FFFFFF0, s31  }
0x11c: {  	[tilespmem:s3], [sflag:$0x1] =	stream.linear.gather [hbm4b:s12+s1], $0x80, $0x38;
	[tilespmem:$0x10400] =	vst v63  }
0x11d: {  	s3 =	sadd.s32 $0x4A80, s30;
	s12 =	sadd.s32 s4, s14;
	s31 =	spop (v2sf)  }
0x11e: {  	[tilespmem:s0], [sflag:$0x1] =	stream.linear.gather [hbm4b:s13+s1], $0x80, $0x38;
	[tilespmem:$0x10400] =	vst v63  }
0x11f: {  	s0 =	sadd.s32 $0xCA80, s30;
	s13 =	sadd.s32 s6, s14;
	s14 =	spop (v2sf)  }
0x120: {  	[tilespmem:s3], [sflag:$0x1] =	stream.linear.gather [hbm4b:s12+s1], $0x80, $0x38;
	[tilespmem:$0x10400] =	vst v63  }
0x121: {  	s3 =	sadd.s32 $0xB00, s30;
	s12 =	sadd.s32 s2, s21;
	s14 =	sand.u32 $0x1FFFFFF0, s14  }
0x122: {  	[tilespmem:s0], [sflag:$0x1] =	stream.linear.gather [hbm4b:s13+s1], $0x80, $0x38;
	[tilespmem:$0x10400] =	vst v63  }
0x123: {  	s0 =	sadd.s32 $0x8B00, s30;
	s13 =	sadd.s32 s5, s21;
	s21 =	sand.u32 $0x1FFFFFF0, s31  }
0x124: {  	[tilespmem:s3], [sflag:$0x1] =	stream.linear.gather [hbm4b:s12+s1], $0x80, $0x38;
	[tilespmem:$0x10400] =	vst v63  }
0x125: {  	s3 =	sadd.s32 $0x4B00, s30;
	s12 =	sadd.s32 s4, s21;
	s31 =	spop (v2sf)  }
0x126: {  	[tilespmem:s0], [sflag:$0x1] =	stream.linear.gather [hbm4b:s13+s1], $0x80, $0x38;
	[tilespmem:$0x10400] =	vst v63  }
0x127: {  	s13 =	sadd.s32 s6, s21;
	s21 =	sand.u32 $0x1FFFFFF0, s31  }
0x128: {  	s0 =	sadd.s32 $0xCB00, s30;
	s31 =	sadd.s32 s6, s21  }
0x129: {  	[tilespmem:s3], [sflag:$0x1] =	stream.linear.gather [hbm4b:s12+s1], $0x80, $0x38;
	[tilespmem:$0x10400] =	vst v63  }
0x12a: {  	s3 =	sadd.s32 $0xB80, s30;
	s12 =	sadd.s32 s2, s14;
	s14 =	sadd.s32 s5, s14  }
0x12b: {  	[tilespmem:s0], [sflag:$0x1] =	stream.linear.gather [hbm4b:s13+s1], $0x80, $0x38;
	[tilespmem:$0x10400] =	vst v63  }
.Ltmp0:
0x12c: {  	s13 =	sadd.s32 $0x8B80, s30;
	s0 =	sadd.s32 $0xCB80, s30;
	(pc) =	sbr.rel @p0 .LBB2_3-.Ltmp0, $4  }
0x12d: {  	[tilespmem:s3], [sflag:$0x1] =	stream.linear.gather [hbm4b:s12+s1], $0x80, $0x38;
	[tilespmem:$0x10400] =	vst v63  }
0x12e: {  	s30 =	sadd.s32 $0x4B80, s30;
	s3 =	sadd.s32 s4, s21  }
0x12f: {  	[tilespmem:s13], [sflag:$0x1] =	stream.linear.gather [hbm4b:s14+s1], $0x80, $0x38;
	[tilespmem:$0x10400] =	vst v63  }
0x130: {  	s29 =	sadd.s32 $0x10, s29;
	s28 =	sadd.s32 $0x10, s28  }
0x131: {  	[tilespmem:s30], [sflag:$0x1] =	stream.linear.gather [hbm4b:s3+s1], $0x80, $0x38;
	[tilespmem:$0x10400] =	vst v63  }
0x132: {  	_ = 	snop  }
0x133: {  	[tilespmem:s0], [sflag:$0x1] =	stream.linear.gather [hbm4b:s31+s1], $0x80, $0x38;
	[tilespmem:$0x10400] =	vst v63  }
0x134: {  	_ =	swait.ge [sflag:s16], $0x80  }
0x135: {  	[sflag:s16] =	ssyncset.done $0x0  }
0x136: {  	[sflag:s16] =	ssyncadd.s32 $0xFFFFFF80  }
0x137: {  	_ =	swait.ge [sflag:s16], $0x80  }
0x138: {  	[sflag:s16] =	ssyncset.done $0x0  }
0x139: {  	[sflag:s16] =	ssyncadd.s32 $0xFFFFFF80  }
0x13a: {  	_ =	swait.ge [sflag:s16], $0x80  }
0x13b: {  	[sflag:s16] =	ssyncset.done $0x0  }
0x13c: {  	[sflag:s16] =	ssyncadd.s32 $0xFFFFFF80  }
0x13d: {  	_ =	swait.ge [sflag:s16], $0x80  }
0x13e: {  	s26 =	simm.s32 $0x7F;
	[sflag:s16] =	ssyncset.done $0x0  }
.LBB2_5:
0x13f: {  	p0 =	sne.s32 s26, $0x1;
	s26 =	sadd.s32 $0xFFFFFFFF, s26;
	[sflag:s16] =	ssyncadd.s32 $0xFFFFFF80  }
0x140: {  	_ =	swait.ge [sflag:s16], $0x80  }
0x141: {  	[sflag:s16] =	ssyncset.done $0x0  }
0x142: {  	[sflag:s16] =	ssyncadd.s32 $0xFFFFFF80  }
0x143: {  	_ =	swait.ge [sflag:s16], $0x80  }
0x144: {  	[sflag:s16] =	ssyncset.done $0x0  }
0x145: {  	[sflag:s16] =	ssyncadd.s32 $0xFFFFFF80  }
.Ltmp1:
0x146: {  	_ =	swait.ge [sflag:s16], $0x80;
	(pc) =	sbr.rel @p0 .LBB2_5-.Ltmp1, $4  }
0x147: {  	[sflag:s16] =	ssyncset.done $0x0  }
0x148: {  	[sflag:s16] =	ssyncadd.s32 $0xFFFFFF80  }
0x149: {  	_ =	swait.ge [sflag:s16], $0x80  }
0x14a: {  	[sflag:s16] =	ssyncset.done $0x0  }
0x14b: {  	s0 =	sor.u32 s9, s25  }
0x14c: {  	s0 =	sshll.u32 s0, $0x4  }
0x14d: {  	[sflag:s16] =	ssyncadd.s32 $0xFFFFFF80;
	s3 =	sadd.s32 s7, s0  }
0x14e: {  	[hbm4b:s3+s1] =	stream.linear.scatter [tilespmem:s17], [sflag:$0x2], $0x4000, $0x38;
	[tilespmem:$0x10400] =	vst v63  }
0x14f: {  	_ =	swait.ge [sflag:s15], $0x4000  }
0x150: {  	[sflag:s15] =	ssyncset.done $0x0  }
0x151: {  	s30 =	sadd.s32 s8, s0;
	[sflag:s15] =	ssyncadd.s32 $0xFFFFC000  }
0x152: {  	[hbm4b:s30+s1] =	stream.linear.scatter [tilespmem:s18], [sflag:$0x2], $0x4000, $0x38;
	[tilespmem:$0x10400] =	vst v63  }
0x153: {  	_ =	swait.ge [sflag:s15], $0x4000  }
0x154: {  	[sflag:s15] =	ssyncset.done $0x0  }
0x155: {  	s31 =	sadd.s32 s10, s0;
	[sflag:s15] =	ssyncadd.s32 $0xFFFFC000  }
0x156: {  	[hbm4b:s31+s1] =	stream.linear.scatter [tilespmem:s19], [sflag:$0x2], $0x4000, $0x38;
	[tilespmem:$0x10400] =	vst v63  }
0x157: {  	s24 =	sadd.s32 $0x1, s24;
	_ =	swait.ge [sflag:s15], $0x4000  }
0x158: {  	p0 =	sne.s32 s24, $0x4;
	[sflag:s15] =	ssyncset.done $0x0  }
.Ltmp2:
0x159: {  	s0 =	sadd.s32 s11, s0;
	[sflag:s15] =	ssyncadd.s32 $0xFFFFC000;
	(pc) =	sbr.rel @p0 .LBB2_2-.Ltmp2, $4  }
0x15a: {  	[hbm4b:s0+s1] =	stream.linear.scatter [tilespmem:s20], [sflag:$0x2], $0x4000, $0x38;
	[tilespmem:$0x10400] =	vst v63  }
0x15b: {  	_ =	swait.ge [sflag:s15], $0x4000  }
0x15c: {  	[sflag:s15] =	ssyncset.done $0x0  }
0x15d: {  	s22 =	sadd.s32 $0x80, s22;
	s23 =	sadd.s32 $0x80, s23;
	[sflag:s15] =	ssyncadd.s32 $0xFFFFC000  }
0x15e: {  	s3 =	rddreg [dreg:$0x7]  }
0x15f: {  	s0 =	rddreg [dreg:$0x6];
	s3 =	sadd.s32 $0x1, s3  }
0x160: {  	p0 =	sne.s32 s3, s0  }
.Ltmp3:
0x161: {  	_ = 	snop;
	(pc) =	sbr.rel @p0 .LBB2_1-.Ltmp3, $1  }
0x162: {  	_ =	sdelay $0x3  }
0x163: {  	_ =	sfence.sel $0x180000  }
0x164: {  	[bflag:$0x0] =	sbarrier.arrive $0xFFFF  }
0x165: {  	_ =	strace $0x90000047  }
0x166: {  	s0 =	stileid.u32;
	[bflag:$0x2] =	sbarrier.arrive $0xFFFF  }
0x167: {  	p0 =	sne.s32 s0, $0x0;
	s0 =	rddreg [dreg:$0x3]  }
0x168: {  	s0 =	sadd.s32 @!p0 $0x100000, s0  }
0x169: {  	[sflag:s0] =	ssyncadd.tile.s32 @!p0 $0x1;
	_ =	shalt  }
.Lfunc_end2:
_tile_overlayer_lowered:
.L_overlay_start_2:
0x16a: {  	(tag) =	ssettag $0x2  }
0x16b: {  	s0 =	rddreg [dreg:$0x0];
	s2 =	stileid.u32  }
0x16c: {  	s1 =	rddreg [dreg:$0x1];
	p0 =	sne.s32 s2, $0x0  }
0x16d: {  	s3 =	rddreg [dreg:$0x2];
	[bflag:$0x3] =	sbarrier.arrive $0xFFFF;
	s2 =	simm.s32 @!p0 $0x1C02  }
0x16e: {  	[timem:s3], [sflag:s2] =	dma.local @!p0 [hbm:s0], s1  }
0x16f: {  	s0 =	simm.s32 @!p0 $0x2  }
0x170: {  	_ =	swait.ge @!p0 [sflag:s0], s1  }
0x171: {  	s1 =	ssub.s32 @!p0 $0x0, s1;
	[sflag:s0] =	ssyncset.done @!p0 $0x0  }
0x172: {  	[sflag:s0] =	ssyncadd.s32 @!p0 s1  }
0x173: {  	[bflag:$0x3] =	sbarrier.arrive $0xFFFF  }
0x174: {  	_ =	shalt  }

</sc_bundles>
